<compile_context>
chip_gen: v7x
topology: tpu7x:2x2x1
jax: 0.10.2.dev20260603
libtpu: 0.0.44.dev20260713+nightly
codegen_flags: <defaults>
</compile_context>

<pallas_src>
import functools

import jax
import jax.numpy as jnp
from jax import lax
from jax.experimental import pallas as pl
from jax.experimental.pallas import tpu as pltpu
from jax.experimental.pallas import tpu_sc as plsc

_EPS = 1e-6
_NC = 2
_NS = 16
_NW = _NC * _NS
_CHUNK = 128
_GRP = 8
_BR = 5000


def _tc_proj(x):
    n = x.shape[0]

    def body(x_ref, proj_ref):
        xb = x_ref[...]
        denom = jnp.abs(xb[:, 127:128]) + _EPS
        proj = xb / denom
        lane = lax.broadcasted_iota(jnp.int32, (_BR, 128), 1)
        proj_ref[...] = jnp.where(lane == 127, 1.0, proj)

    return pl.pallas_call(
        body,
        grid=(n // _BR,),
        in_specs=[pl.BlockSpec((_BR, 128), lambda i: (i, 0))],
        out_specs=pl.BlockSpec((_BR, 128), lambda i: (i, 0)),
        out_shape=jax.ShapeDtypeStruct((n, 128), jnp.float32),
    )(x)


def _tc_self(proj, w_self, b_row):
    n = proj.shape[0]

    def body(p_ref, w_ref, b_ref, t_ref):
        t_ref[...] = (
            jnp.dot(p_ref[...], w_ref[...], preferred_element_type=jnp.float32)
            + b_ref[0:1, :]
        )

    return pl.pallas_call(
        body,
        grid=(n // _BR,),
        in_specs=[
            pl.BlockSpec((_BR, 128), lambda i: (i, 0)),
            pl.BlockSpec((128, 128), lambda i: (0, 0)),
            pl.BlockSpec((8, 128), lambda i: (0, 0)),
        ],
        out_specs=pl.BlockSpec((_BR, 128), lambda i: (i, 0)),
        out_shape=jax.ShapeDtypeStruct((n, 128), jnp.float32),
    )(proj, w_self, b_row)


def _tc_mid(s0, t0, w0n_p, n):

    def body(s_ref, t_ref, wn_ref, proj1_ref, invd_ref):
        agg = s_ref[0] + s_ref[1]
        deg = agg[:, 127:128]
        invd = 1.0 / jnp.maximum(deg, 1.0)
        mean = agg * invd
        out0 = t_ref[...] + jnp.dot(
            mean, wn_ref[...], preferred_element_type=jnp.float32
        )
        proj1_ref[...] = jnp.maximum(out0, 0.0) / (1.0 + _EPS)
        invd_ref[...] = jnp.broadcast_to(invd, (_BR, 128))

    return pl.pallas_call(
        body,
        grid=(n // _BR,),
        in_specs=[
            pl.BlockSpec((2, _BR, 128), lambda i: (0, i, 0)),
            pl.BlockSpec((_BR, 128), lambda i: (i, 0)),
            pl.BlockSpec((128, 128), lambda i: (0, 0)),
        ],
        out_specs=[
            pl.BlockSpec((_BR, 128), lambda i: (i, 0)),
            pl.BlockSpec((_BR, 128), lambda i: (i, 0)),
        ],
        out_shape=[
            jax.ShapeDtypeStruct((n, 128), jnp.float32),
            jax.ShapeDtypeStruct((n, 128), jnp.float32),
        ],
    )(s0, t0, w0n_p)


def _tc_out(s1, t1, invd, w1n, n):

    def body(s_ref, t_ref, i_ref, w_ref, o_ref):
        agg = s_ref[0] + s_ref[1]
        mean = agg * i_ref[...]
        o_ref[...] = t_ref[...] + jnp.dot(
            mean, w_ref[...], preferred_element_type=jnp.float32
        )

    return pl.pallas_call(
        body,
        grid=(n // _BR,),
        in_specs=[
            pl.BlockSpec((2, _BR, 128), lambda i: (0, i, 0)),
            pl.BlockSpec((_BR, 128), lambda i: (i, 0)),
            pl.BlockSpec((_BR, 128), lambda i: (i, 0)),
            pl.BlockSpec((128, 128), lambda i: (0, 0)),
        ],
        out_specs=pl.BlockSpec((_BR, 128), lambda i: (i, 0)),
        out_shape=jax.ShapeDtypeStruct((n, 128), jnp.float32),
    )(s1, t1, invd, w1n)


def _sc_segment_partials(p, srcp, dstp, zeros_blk, nacc, nch):
    stripe = nacc // _NS
    ngrp = nch // _GRP
    mesh = plsc.VectorSubcoreMesh(core_axis_name="c", subcore_axis_name="s")

    @functools.partial(
        pl.kernel,
        out_type=jax.ShapeDtypeStruct((_NC, nacc, 128), jnp.float32),
        mesh=mesh,
        scratch_types=[
            pltpu.VMEM((2, _GRP, _CHUNK), jnp.int32),
            pltpu.VMEM((2, _GRP, _CHUNK), jnp.int32),
            pltpu.VMEM((_CHUNK, 128), jnp.float32),
            pltpu.VMEM((_CHUNK, 128), jnp.float32),
            pltpu.VMEM_SHARED((nacc, 128), jnp.float32),
            pltpu.SemaphoreType.DMA,
            pltpu.SemaphoreType.DMA,
            pltpu.SemaphoreType.DMA,
            pltpu.SemaphoreType.DMA,
        ],
    )
    def k(p_hbm, src_hbm, dst_hbm, z_hbm, out_hbm, sidx, didx,
          rows0, rows1, acc_sh, semg0, semg1, semsi, semdi):
        cid = lax.axis_index("c")
        sid = lax.axis_index("s")
        wid = sid * _NC + cid
        rows = (rows0, rows1)
        semg = (semg0, semg1)

        if True:
            pltpu.async_copy(src_hbm.at[wid, pl.ds(0, _GRP)], sidx.at[0],
                             semsi)
            pltpu.async_copy(dst_hbm.at[wid, pl.ds(0, _GRP)], didx.at[0],
                             semdi)
            pltpu.sync_copy(z_hbm, rows0)
            for z in range(stripe // _CHUNK):
                pltpu.sync_copy(
                    rows0, acc_sh.at[pl.ds(sid * stripe + z * _CHUNK, _CHUNK)]
                )
            plsc.subcore_barrier()
            pltpu.make_async_copy(src_hbm.at[wid, pl.ds(0, _GRP)], sidx.at[0],
                                  semsi).wait()
            pltpu.make_async_copy(dst_hbm.at[wid, pl.ds(0, _GRP)], didx.at[0],
                                  semdi).wait()
            pltpu.async_copy(p_hbm.at[sidx.at[0, 0]], rows0, semg0)

            @pl.loop(0, ngrp)
            def _(b):
                pb = lax.rem(b, 2)

                @pl.when(b + 1 < ngrp)
                def _():
                    off = (b + 1) * _GRP
                    pltpu.async_copy(src_hbm.at[wid, pl.ds(off, _GRP)],
                                     sidx.at[1 - pb], semsi)
                    pltpu.async_copy(dst_hbm.at[wid, pl.ds(off, _GRP)],
                                     didx.at[1 - pb], semdi)

                for j in range(_GRP):
                    rbuf, rsem = rows[j % 2], semg[j % 2]
                    nbuf, nsem = rows[1 - j % 2], semg[1 - j % 2]
                    if j < _GRP - 1:
                        pltpu.async_copy(p_hbm.at[sidx.at[pb, j + 1]], nbuf,
                                         nsem)
                    else:
                        @pl.when(b + 1 < ngrp)
                        def _():
                            pltpu.make_async_copy(
                                src_hbm.at[wid, pl.ds((b + 1) * _GRP, _GRP)],
                                sidx.at[1 - pb], semsi).wait()
                            pltpu.make_async_copy(
                                dst_hbm.at[wid, pl.ds((b + 1) * _GRP, _GRP)],
                                didx.at[1 - pb], semdi).wait()
                            pltpu.async_copy(p_hbm.at[sidx.at[1 - pb, 0]],
                                             nbuf, nsem)

                    pltpu.make_async_copy(p_hbm.at[sidx.at[pb, j]], rbuf,
                                          rsem).wait()
                    pltpu.sync_copy(rbuf, acc_sh.at[didx.at[pb, j]], add=True)

            plsc.subcore_barrier()
            pltpu.sync_copy(
                acc_sh.at[pl.ds(sid * stripe, stripe)],
                out_hbm.at[cid, pl.ds(sid * stripe, stripe)],
            )

    return k(p, srcp, dstp, zeros_blk)


def kernel(x, edge_index, W0_self, W0_neigh, b0, W1_self, W1_neigh, b1):
    n = x.shape[0]
    e = edge_index.shape[1]
    src = edge_index[0].astype(jnp.int32)
    dst = edge_index[1].astype(jnp.int32)

    nch = -(-e // (_NW * _CHUNK * _GRP)) * _GRP
    e_pad = _NW * nch * _CHUNK
    nacc = -(-(n + 1) // (_NS * _CHUNK)) * (_NS * _CHUNK)

    pad = e_pad - e
    srcp = jnp.concatenate([src, jnp.arange(pad, dtype=jnp.int32) % n])
    dummy = n + jnp.arange(pad, dtype=jnp.int32) % (nacc - n)
    dstp = jnp.concatenate([dst, dummy])
    srcp = srcp.reshape(_NW, nch, _CHUNK)
    dstp = dstp.reshape(_NW, nch, _CHUNK)

    zpad = jnp.zeros((1, 128), jnp.float32)
    w0s_p = jnp.concatenate([W0_self, zpad], axis=0)
    w0n_p = jnp.concatenate([W0_neigh, zpad], axis=0)
    b0_row = jnp.tile(b0[None, :], (8, 1))
    b1_row = jnp.tile(b1[None, :], (8, 1))
    zeros_blk = jnp.zeros((_CHUNK, 128), jnp.float32)

    proj0 = _tc_proj(x)
    s0 = _sc_segment_partials(proj0, srcp, dstp, zeros_blk, nacc, nch)
    t0 = _tc_self(proj0, w0s_p, b0_row)
    proj1, invd = _tc_mid(s0, t0, w0n_p, n)
    s1 = _sc_segment_partials(proj1, srcp, dstp, zeros_blk, nacc, nch)
    t1 = _tc_self(proj1, W1_self, b1_row)
    return _tc_out(s1, t1, invd, W1_neigh, n)

# --- scband reference (transcript-rebuilt; emitter-appended) ---
"""Pipeline reference for scband-projective-graph-sage-66383014527509 (READ-ONLY COPY).

The authoritative reference and input builder live on the scoring server;
editing this copy changes nothing except your own understanding.
"""

import jax, jax.numpy as jnp
import numpy as np

N_NODES = 10000
N_EDGES = 320000
IN_CH = 128   # includes homogeneous coordinate
ACTUAL_IN = IN_CH - 1
HIDDEN = 128
OUT_CH = 128
EPS = 1e-6


def setup_inputs(seed: int = 0) -> dict:
    key = jax.random.key(seed)
    ks = jax.random.split(key, 8)
    x = jax.random.normal(ks[0], (N_NODES, IN_CH), dtype=jnp.float32)
    edge_index = jax.random.randint(ks[1], (2, N_EDGES), 0, N_NODES, dtype=jnp.int64)
    s0 = 1.0 / np.sqrt(ACTUAL_IN)
    s1 = 1.0 / np.sqrt(HIDDEN)
    W0_self = jax.random.uniform(ks[2], (ACTUAL_IN, HIDDEN), jnp.float32, -s0, s0)
    W0_neigh = jax.random.uniform(ks[3], (ACTUAL_IN, HIDDEN), jnp.float32, -s0, s0)
    b0 = jnp.zeros((HIDDEN,), jnp.float32)
    W1_self = jax.random.uniform(ks[4], (HIDDEN, OUT_CH), jnp.float32, -s1, s1)
    W1_neigh = jax.random.uniform(ks[5], (HIDDEN, OUT_CH), jnp.float32, -s1, s1)
    b1 = jnp.zeros((OUT_CH,), jnp.float32)
    return {"x": x, "edge_index": edge_index,
            "W0_self": W0_self, "W0_neigh": W0_neigh, "b0": b0,
            "W1_self": W1_self, "W1_neigh": W1_neigh, "b1": b1}


def _projective_sage_conv(h, edge_index, W_self, W_neigh, b):
    # h: [N, in_c + 1] homogeneous coords; last column is the projective weight.
    spatial = h[:, :-1]
    w = h[:, -1:]
    proj = spatial / (jnp.abs(w) + EPS)  # project to affine chart
    src = edge_index[0]
    dst = edge_index[1]
    msgs = jnp.take(proj, src, axis=0)                      # gather (SparseCore)
    agg = jax.ops.segment_sum(msgs, dst, num_segments=proj.shape[0])  # scatter-add
    deg = jax.ops.segment_sum(jnp.ones_like(dst, dtype=proj.dtype), dst,
                              num_segments=proj.shape[0])
    mean = agg / jnp.maximum(deg, 1.0)[:, None]
    out = proj @ W_self + mean @ W_neigh + b                # [N, out_c]
    ones = jnp.ones((out.shape[0], 1), out.dtype)
    return jnp.concatenate([out, ones], axis=1)             # re-lift to homogeneous


def reference(x, edge_index, W0_self, W0_neigh, b0, W1_self, W1_neigh, b1):
    h = _projective_sage_conv(x, edge_index, W0_self, W0_neigh, b0)
    spatial = jax.nn.relu(h[:, :-1])
    h = jnp.concatenate([spatial, h[:, -1:]], axis=1)
    # dropout is identity in eval mode
    h = _projective_sage_conv(h, edge_index, W1_self, W1_neigh, b1)
    return h[:, :-1]

if __name__ == "__main__":
    import jax
    _d = setup_inputs()
    print(jax.jit(kernel)(*tuple(_d.values())))

</pallas_src>

<mosaic_0001>
#map = affine_map<(d0, d1) -> (0, 0)>
#map1 = affine_map<(d0, d1) -> (0, 0, 0)>
module attributes {stable_mosaic.version = 14 : i64} {
  func.func @k(%arg0: i32, %arg1: i32, %arg2: memref<10000x128xf32, #tpu.memory_space<hbm>>, %arg3: memref<32x80x128xi32, #tpu.memory_space<hbm>>, %arg4: memref<32x80x128xi32, #tpu.memory_space<hbm>>, %arg5: memref<128x128xf32, #tpu.memory_space<hbm>>, %arg6: memref<2x10240x128xf32, #tpu.memory_space<hbm>>, %arg7: memref<2x8x128xi32, #tpu.memory_space<vmem>>, %arg8: memref<2x8x128xi32, #tpu.memory_space<vmem>>, %arg9: memref<128x128xf32, #tpu.memory_space<vmem>>, %arg10: memref<128x128xf32, #tpu.memory_space<vmem>>, %arg11: memref<10240x128xf32, #tpu.memory_space<vmem_shared>>, %arg12: memref<!tpu.dma_semaphore, #tpu.memory_space<semaphore_mem>>, %arg13: memref<!tpu.dma_semaphore, #tpu.memory_space<semaphore_mem>>, %arg14: memref<!tpu.dma_semaphore, #tpu.memory_space<semaphore_mem>>, %arg15: memref<!tpu.dma_semaphore, #tpu.memory_space<semaphore_mem>>) attributes {dimension_semantics = [#tpu.dimension_semantics<core_parallel>, #tpu.dimension_semantics<subcore_parallel>], iteration_bounds = array<i64: 2, 16>, scalar_prefetch = 0 : i64, scratch_operands = 9 : i64, tpu.core_type = #tpu.core_type<sc_vector_subcore>, window_params = [{transform_indices = #map}, {transform_indices = #map1}, {transform_indices = #map1}, {transform_indices = #map}, {transform_indices = #map1}]} {
    %mul3A = arith.constant 2 : i32
    %mul3A_0 = arith.muli %arg1, %mul3A : i32
    %add3A = arith.addi %mul3A_0, %arg0 : i32
    %dma_start3A = arith.constant 0 : i32
    %dma_start3A_1 = arith.constant 0 : i32
    %dma_start3A_2 = arith.constant 0 : i32
    %dma_start3A_3 = tpu.memref_slice %arg7[%dma_start3A, %dma_start3A_1, %dma_start3A_2] : memref<2x8x128xi32, #tpu.memory_space<vmem>> -> memref<1x8x128xi32, #tpu.memory_space<vmem>>
    %dma_start3A_4 = tpu.memref_squeeze %dma_start3A_3 : memref<1x8x128xi32, #tpu.memory_space<vmem>> -> memref<8x128xi32, #tpu.memory_space<vmem>>
    %dma_start3A_5 = arith.constant 0 : i32
    %dma_start3A_6 = arith.constant 0 : i32
    %dma_start3A_7 = tpu.memref_slice %arg3[%add3A, %dma_start3A_5, %dma_start3A_6] : memref<32x80x128xi32, #tpu.memory_space<hbm>> -> memref<1x8x128xi32, #tpu.memory_space<hbm>>
    %dma_start3A_8 = tpu.memref_squeeze %dma_start3A_7 : memref<1x8x128xi32, #tpu.memory_space<hbm>> -> memref<8x128xi32, #tpu.memory_space<hbm>>
    %dma_start3A_9 = arith.constant 0 : i32
    %dma_start3A_10 = arith.constant 0 : i32
    %dma_start3A_11 = tpu.memref_slice %arg7[%dma_start3A, %dma_start3A_9, %dma_start3A_10] : memref<2x8x128xi32, #tpu.memory_space<vmem>> -> memref<1x8x128xi32, #tpu.memory_space<vmem>>
    %dma_start3A_12 = tpu.memref_squeeze %dma_start3A_11 : memref<1x8x128xi32, #tpu.memory_space<vmem>> -> memref<8x128xi32, #tpu.memory_space<vmem>>
    %dma_start3A_13 = arith.constant 0 : i32
    %dma_start3A_14 = arith.constant 0 : i32
    %dma_start3A_15 = tpu.memref_slice %arg3[%add3A, %dma_start3A_13, %dma_start3A_14] : memref<32x80x128xi32, #tpu.memory_space<hbm>> -> memref<1x8x128xi32, #tpu.memory_space<hbm>>
    %dma_start3A_16 = tpu.memref_squeeze %dma_start3A_15 : memref<1x8x128xi32, #tpu.memory_space<hbm>> -> memref<8x128xi32, #tpu.memory_space<hbm>>
    tpu.enqueue_dma source(%dma_start3A_16 : memref<8x128xi32, #tpu.memory_space<hbm>>) target(%dma_start3A_12 : memref<8x128xi32, #tpu.memory_space<vmem>>) target_semaphore(%arg14 : memref<!tpu.dma_semaphore, #tpu.memory_space<semaphore_mem>>)
    %dma_start3A_17 = arith.constant 0 : i32
    %dma_start3A_18 = arith.constant 0 : i32
    %dma_start3A_19 = arith.constant 0 : i32
    %dma_start3A_20 = tpu.memref_slice %arg8[%dma_start3A_17, %dma_start3A_18, %dma_start3A_19] : memref<2x8x128xi32, #tpu.memory_space<vmem>> -> memref<1x8x128xi32, #tpu.memory_space<vmem>>
    %dma_start3A_21 = tpu.memref_squeeze %dma_start3A_20 : memref<1x8x128xi32, #tpu.memory_space<vmem>> -> memref<8x128xi32, #tpu.memory_space<vmem>>
    %dma_start3A_22 = arith.constant 0 : i32
    %dma_start3A_23 = arith.constant 0 : i32
    %dma_start3A_24 = tpu.memref_slice %arg4[%add3A, %dma_start3A_22, %dma_start3A_23] : memref<32x80x128xi32, #tpu.memory_space<hbm>> -> memref<1x8x128xi32, #tpu.memory_space<hbm>>
    %dma_start3A_25 = tpu.memref_squeeze %dma_start3A_24 : memref<1x8x128xi32, #tpu.memory_space<hbm>> -> memref<8x128xi32, #tpu.memory_space<hbm>>
    %dma_start3A_26 = arith.constant 0 : i32
    %dma_start3A_27 = arith.constant 0 : i32
    %dma_start3A_28 = tpu.memref_slice %arg8[%dma_start3A_17, %dma_start3A_26, %dma_start3A_27] : memref<2x8x128xi32, #tpu.memory_space<vmem>> -> memref<1x8x128xi32, #tpu.memory_space<vmem>>
    %dma_start3A_29 = tpu.memref_squeeze %dma_start3A_28 : memref<1x8x128xi32, #tpu.memory_space<vmem>> -> memref<8x128xi32, #tpu.memory_space<vmem>>
    %dma_start3A_30 = arith.constant 0 : i32
    %dma_start3A_31 = arith.constant 0 : i32
    %dma_start3A_32 = tpu.memref_slice %arg4[%add3A, %dma_start3A_30, %dma_start3A_31] : memref<32x80x128xi32, #tpu.memory_space<hbm>> -> memref<1x8x128xi32, #tpu.memory_space<hbm>>
    %dma_start3A_33 = tpu.memref_squeeze %dma_start3A_32 : memref<1x8x128xi32, #tpu.memory_space<hbm>> -> memref<8x128xi32, #tpu.memory_space<hbm>>
    tpu.enqueue_dma source(%dma_start3A_33 : memref<8x128xi32, #tpu.memory_space<hbm>>) target(%dma_start3A_29 : memref<8x128xi32, #tpu.memory_space<vmem>>) target_semaphore(%arg15 : memref<!tpu.dma_semaphore, #tpu.memory_space<semaphore_mem>>)
    "tpu.region"() ({
      %run_scoped3A = tpu.sem_alloc : memref<!tpu.dma_semaphore, #tpu.memory_space<semaphore_mem>>
      tpu.enqueue_dma source(%arg5 : memref<128x128xf32, #tpu.memory_space<hbm>>) target(%arg9 : memref<128x128xf32, #tpu.memory_space<vmem>>) target_semaphore(%run_scoped3A : memref<!tpu.dma_semaphore, #tpu.memory_space<semaphore_mem>>)
      tpu.wait_dma2 semaphore(%run_scoped3A : memref<!tpu.dma_semaphore, #tpu.memory_space<semaphore_mem>>) src(%arg5 : memref<128x128xf32, #tpu.memory_space<hbm>>) dst(%arg9 : memref<128x128xf32, #tpu.memory_space<vmem>>)
      tpu.yield
    }) : () -> ()
    %mul3A_34 = arith.constant 640 : i32
    %mul3A_35 = arith.muli %arg1, %mul3A_34 : i32
    %add3A_36 = arith.constant 0 : i32
    %add3A_37 = arith.addi %mul3A_35, %add3A_36 : i32
    "tpu.region"() ({
      %run_scoped3A = tpu.sem_alloc : memref<!tpu.dma_semaphore, #tpu.memory_space<semaphore_mem>>
      %dma_start3A_104 = arith.constant 0 : i32
      %dma_start3A_105 = tpu.memref_slice %arg11[%add3A_37, %dma_start3A_104] : memref<10240x128xf32, #tpu.memory_space<vmem_shared>> -> memref<128x128xf32, #tpu.memory_space<vmem_shared>>
      %dma_start3A_106 = arith.constant 0 : i32
      %dma_start3A_107 = tpu.memref_slice %arg11[%add3A_37, %dma_start3A_106] : memref<10240x128xf32, #tpu.memory_space<vmem_shared>> -> memref<128x128xf32, #tpu.memory_space<vmem_shared>>
      tpu.enqueue_dma source(%arg9 : memref<128x128xf32, #tpu.memory_space<vmem>>) target(%dma_start3A_107 : memref<128x128xf32, #tpu.memory_space<vmem_shared>>) target_semaphore(%run_scoped3A : memref<!tpu.dma_semaphore, #tpu.memory_space<semaphore_mem>>)
      %dma_wait3A_108 = arith.constant 0 : i32
      %dma_wait3A_109 = tpu.memref_slice %arg11[%add3A_37, %dma_wait3A_108] : memref<10240x128xf32, #tpu.memory_space<vmem_shared>> -> memref<128x128xf32, #tpu.memory_space<vmem_shared>>
      %dma_wait3A_110 = arith.constant 0 : i32
      %dma_wait3A_111 = tpu.memref_slice %arg11[%add3A_37, %dma_wait3A_110] : memref<10240x128xf32, #tpu.memory_space<vmem_shared>> -> memref<128x128xf32, #tpu.memory_space<vmem_shared>>
      tpu.wait_dma2 semaphore(%run_scoped3A : memref<!tpu.dma_semaphore, #tpu.memory_space<semaphore_mem>>) src(%arg9 : memref<128x128xf32, #tpu.memory_space<vmem>>) dst(%dma_wait3A_111 : memref<128x128xf32, #tpu.memory_space<vmem_shared>>)
      tpu.yield
    }) : () -> ()
    %mul3A_38 = arith.constant 640 : i32
    %mul3A_39 = arith.muli %arg1, %mul3A_38 : i32
    %add3A_40 = arith.constant 128 : i32
    %add3A_41 = arith.addi %mul3A_39, %add3A_40 : i32
    "tpu.region"() ({
      %run_scoped3A = tpu.sem_alloc : memref<!tpu.dma_semaphore, #tpu.memory_space<semaphore_mem>>
      %dma_start3A_104 = arith.constant 0 : i32
      %dma_start3A_105 = tpu.memref_slice %arg11[%add3A_41, %dma_start3A_104] : memref<10240x128xf32, #tpu.memory_space<vmem_shared>> -> memref<128x128xf32, #tpu.memory_space<vmem_shared>>
      %dma_start3A_106 = arith.constant 0 : i32
      %dma_start3A_107 = tpu.memref_slice %arg11[%add3A_41, %dma_start3A_106] : memref<10240x128xf32, #tpu.memory_space<vmem_shared>> -> memref<128x128xf32, #tpu.memory_space<vmem_shared>>
      tpu.enqueue_dma source(%arg9 : memref<128x128xf32, #tpu.memory_space<vmem>>) target(%dma_start3A_107 : memref<128x128xf32, #tpu.memory_space<vmem_shared>>) target_semaphore(%run_scoped3A : memref<!tpu.dma_semaphore, #tpu.memory_space<semaphore_mem>>)
      %dma_wait3A_108 = arith.constant 0 : i32
      %dma_wait3A_109 = tpu.memref_slice %arg11[%add3A_41, %dma_wait3A_108] : memref<10240x128xf32, #tpu.memory_space<vmem_shared>> -> memref<128x128xf32, #tpu.memory_space<vmem_shared>>
      %dma_wait3A_110 = arith.constant 0 : i32
      %dma_wait3A_111 = tpu.memref_slice %arg11[%add3A_41, %dma_wait3A_110] : memref<10240x128xf32, #tpu.memory_space<vmem_shared>> -> memref<128x128xf32, #tpu.memory_space<vmem_shared>>
      tpu.wait_dma2 semaphore(%run_scoped3A : memref<!tpu.dma_semaphore, #tpu.memory_space<semaphore_mem>>) src(%arg9 : memref<128x128xf32, #tpu.memory_space<vmem>>) dst(%dma_wait3A_111 : memref<128x128xf32, #tpu.memory_space<vmem_shared>>)
      tpu.yield
    }) : () -> ()
    %mul3A_42 = arith.constant 640 : i32
    %mul3A_43 = arith.muli %arg1, %mul3A_42 : i32
    %add3A_44 = arith.constant 256 : i32
    %add3A_45 = arith.addi %mul3A_43, %add3A_44 : i32
    "tpu.region"() ({
      %run_scoped3A = tpu.sem_alloc : memref<!tpu.dma_semaphore, #tpu.memory_space<semaphore_mem>>
      %dma_start3A_104 = arith.constant 0 : i32
      %dma_start3A_105 = tpu.memref_slice %arg11[%add3A_45, %dma_start3A_104] : memref<10240x128xf32, #tpu.memory_space<vmem_shared>> -> memref<128x128xf32, #tpu.memory_space<vmem_shared>>
      %dma_start3A_106 = arith.constant 0 : i32
      %dma_start3A_107 = tpu.memref_slice %arg11[%add3A_45, %dma_start3A_106] : memref<10240x128xf32, #tpu.memory_space<vmem_shared>> -> memref<128x128xf32, #tpu.memory_space<vmem_shared>>
      tpu.enqueue_dma source(%arg9 : memref<128x128xf32, #tpu.memory_space<vmem>>) target(%dma_start3A_107 : memref<128x128xf32, #tpu.memory_space<vmem_shared>>) target_semaphore(%run_scoped3A : memref<!tpu.dma_semaphore, #tpu.memory_space<semaphore_mem>>)
      %dma_wait3A_108 = arith.constant 0 : i32
      %dma_wait3A_109 = tpu.memref_slice %arg11[%add3A_45, %dma_wait3A_108] : memref<10240x128xf32, #tpu.memory_space<vmem_shared>> -> memref<128x128xf32, #tpu.memory_space<vmem_shared>>
      %dma_wait3A_110 = arith.constant 0 : i32
      %dma_wait3A_111 = tpu.memref_slice %arg11[%add3A_45, %dma_wait3A_110] : memref<10240x128xf32, #tpu.memory_space<vmem_shared>> -> memref<128x128xf32, #tpu.memory_space<vmem_shared>>
      tpu.wait_dma2 semaphore(%run_scoped3A : memref<!tpu.dma_semaphore, #tpu.memory_space<semaphore_mem>>) src(%arg9 : memref<128x128xf32, #tpu.memory_space<vmem>>) dst(%dma_wait3A_111 : memref<128x128xf32, #tpu.memory_space<vmem_shared>>)
      tpu.yield
    }) : () -> ()
    %mul3A_46 = arith.constant 640 : i32
    %mul3A_47 = arith.muli %arg1, %mul3A_46 : i32
    %add3A_48 = arith.constant 384 : i32
    %add3A_49 = arith.addi %mul3A_47, %add3A_48 : i32
    "tpu.region"() ({
      %run_scoped3A = tpu.sem_alloc : memref<!tpu.dma_semaphore, #tpu.memory_space<semaphore_mem>>
      %dma_start3A_104 = arith.constant 0 : i32
      %dma_start3A_105 = tpu.memref_slice %arg11[%add3A_49, %dma_start3A_104] : memref<10240x128xf32, #tpu.memory_space<vmem_shared>> -> memref<128x128xf32, #tpu.memory_space<vmem_shared>>
      %dma_start3A_106 = arith.constant 0 : i32
      %dma_start3A_107 = tpu.memref_slice %arg11[%add3A_49, %dma_start3A_106] : memref<10240x128xf32, #tpu.memory_space<vmem_shared>> -> memref<128x128xf32, #tpu.memory_space<vmem_shared>>
      tpu.enqueue_dma source(%arg9 : memref<128x128xf32, #tpu.memory_space<vmem>>) target(%dma_start3A_107 : memref<128x128xf32, #tpu.memory_space<vmem_shared>>) target_semaphore(%run_scoped3A : memref<!tpu.dma_semaphore, #tpu.memory_space<semaphore_mem>>)
      %dma_wait3A_108 = arith.constant 0 : i32
      %dma_wait3A_109 = tpu.memref_slice %arg11[%add3A_49, %dma_wait3A_108] : memref<10240x128xf32, #tpu.memory_space<vmem_shared>> -> memref<128x128xf32, #tpu.memory_space<vmem_shared>>
      %dma_wait3A_110 = arith.constant 0 : i32
      %dma_wait3A_111 = tpu.memref_slice %arg11[%add3A_49, %dma_wait3A_110] : memref<10240x128xf32, #tpu.memory_space<vmem_shared>> -> memref<128x128xf32, #tpu.memory_space<vmem_shared>>
      tpu.wait_dma2 semaphore(%run_scoped3A : memref<!tpu.dma_semaphore, #tpu.memory_space<semaphore_mem>>) src(%arg9 : memref<128x128xf32, #tpu.memory_space<vmem>>) dst(%dma_wait3A_111 : memref<128x128xf32, #tpu.memory_space<vmem_shared>>)
      tpu.yield
    }) : () -> ()
    %mul3A_50 = arith.constant 640 : i32
    %mul3A_51 = arith.muli %arg1, %mul3A_50 : i32
    %add3A_52 = arith.constant 512 : i32
    %add3A_53 = arith.addi %mul3A_51, %add3A_52 : i32
    "tpu.region"() ({
      %run_scoped3A = tpu.sem_alloc : memref<!tpu.dma_semaphore, #tpu.memory_space<semaphore_mem>>
      %dma_start3A_104 = arith.constant 0 : i32
      %dma_start3A_105 = tpu.memref_slice %arg11[%add3A_53, %dma_start3A_104] : memref<10240x128xf32, #tpu.memory_space<vmem_shared>> -> memref<128x128xf32, #tpu.memory_space<vmem_shared>>
      %dma_start3A_106 = arith.constant 0 : i32
      %dma_start3A_107 = tpu.memref_slice %arg11[%add3A_53, %dma_start3A_106] : memref<10240x128xf32, #tpu.memory_space<vmem_shared>> -> memref<128x128xf32, #tpu.memory_space<vmem_shared>>
      tpu.enqueue_dma source(%arg9 : memref<128x128xf32, #tpu.memory_space<vmem>>) target(%dma_start3A_107 : memref<128x128xf32, #tpu.memory_space<vmem_shared>>) target_semaphore(%run_scoped3A : memref<!tpu.dma_semaphore, #tpu.memory_space<semaphore_mem>>)
      %dma_wait3A_108 = arith.constant 0 : i32
      %dma_wait3A_109 = tpu.memref_slice %arg11[%add3A_53, %dma_wait3A_108] : memref<10240x128xf32, #tpu.memory_space<vmem_shared>> -> memref<128x128xf32, #tpu.memory_space<vmem_shared>>
      %dma_wait3A_110 = arith.constant 0 : i32
      %dma_wait3A_111 = tpu.memref_slice %arg11[%add3A_53, %dma_wait3A_110] : memref<10240x128xf32, #tpu.memory_space<vmem_shared>> -> memref<128x128xf32, #tpu.memory_space<vmem_shared>>
      tpu.wait_dma2 semaphore(%run_scoped3A : memref<!tpu.dma_semaphore, #tpu.memory_space<semaphore_mem>>) src(%arg9 : memref<128x128xf32, #tpu.memory_space<vmem>>) dst(%dma_wait3A_111 : memref<128x128xf32, #tpu.memory_space<vmem_shared>>)
      tpu.yield
    }) : () -> ()
    %barrier3A = arith.constant 0 : index
    tpu.barrier barrier_id(%barrier3A)
    %dma_wait3A = arith.constant 0 : i32
    %dma_wait3A_54 = arith.constant 0 : i32
    %dma_wait3A_55 = arith.constant 0 : i32
    %dma_wait3A_56 = tpu.memref_slice %arg7[%dma_wait3A, %dma_wait3A_54, %dma_wait3A_55] : memref<2x8x128xi32, #tpu.memory_space<vmem>> -> memref<1x8x128xi32, #tpu.memory_space<vmem>>
    %dma_wait3A_57 = tpu.memref_squeeze %dma_wait3A_56 : memref<1x8x128xi32, #tpu.memory_space<vmem>> -> memref<8x128xi32, #tpu.memory_space<vmem>>
    %dma_wait3A_58 = arith.constant 0 : i32
    %dma_wait3A_59 = arith.constant 0 : i32
    %dma_wait3A_60 = tpu.memref_slice %arg3[%add3A, %dma_wait3A_58, %dma_wait3A_59] : memref<32x80x128xi32, #tpu.memory_space<hbm>> -> memref<1x8x128xi32, #tpu.memory_space<hbm>>
    %dma_wait3A_61 = tpu.memref_squeeze %dma_wait3A_60 : memref<1x8x128xi32, #tpu.memory_space<hbm>> -> memref<8x128xi32, #tpu.memory_space<hbm>>
    %dma_wait3A_62 = arith.constant 0 : i32
    %dma_wait3A_63 = arith.constant 0 : i32
    %dma_wait3A_64 = tpu.memref_slice %arg7[%dma_wait3A, %dma_wait3A_62, %dma_wait3A_63] : memref<2x8x128xi32, #tpu.memory_space<vmem>> -> memref<1x8x128xi32, #tpu.memory_space<vmem>>
    %dma_wait3A_65 = tpu.memref_squeeze %dma_wait3A_64 : memref<1x8x128xi32, #tpu.memory_space<vmem>> -> memref<8x128xi32, #tpu.memory_space<vmem>>
    %dma_wait3A_66 = arith.constant 0 : i32
    %dma_wait3A_67 = arith.constant 0 : i32
    %dma_wait3A_68 = tpu.memref_slice %arg3[%add3A, %dma_wait3A_66, %dma_wait3A_67] : memref<32x80x128xi32, #tpu.memory_space<hbm>> -> memref<1x8x128xi32, #tpu.memory_space<hbm>>
    %dma_wait3A_69 = tpu.memref_squeeze %dma_wait3A_68 : memref<1x8x128xi32, #tpu.memory_space<hbm>> -> memref<8x128xi32, #tpu.memory_space<hbm>>
    tpu.wait_dma2 semaphore(%arg14 : memref<!tpu.dma_semaphore, #tpu.memory_space<semaphore_mem>>) src(%dma_wait3A_69 : memref<8x128xi32, #tpu.memory_space<hbm>>) dst(%dma_wait3A_65 : memref<8x128xi32, #tpu.memory_space<vmem>>)
    %dma_wait3A_70 = arith.constant 0 : i32
    %dma_wait3A_71 = arith.constant 0 : i32
    %dma_wait3A_72 = arith.constant 0 : i32
    %dma_wait3A_73 = tpu.memref_slice %arg8[%dma_wait3A_70, %dma_wait3A_71, %dma_wait3A_72] : memref<2x8x128xi32, #tpu.memory_space<vmem>> -> memref<1x8x128xi32, #tpu.memory_space<vmem>>
    %dma_wait3A_74 = tpu.memref_squeeze %dma_wait3A_73 : memref<1x8x128xi32, #tpu.memory_space<vmem>> -> memref<8x128xi32, #tpu.memory_space<vmem>>
    %dma_wait3A_75 = arith.constant 0 : i32
    %dma_wait3A_76 = arith.constant 0 : i32
    %dma_wait3A_77 = tpu.memref_slice %arg4[%add3A, %dma_wait3A_75, %dma_wait3A_76] : memref<32x80x128xi32, #tpu.memory_space<hbm>> -> memref<1x8x128xi32, #tpu.memory_space<hbm>>
    %dma_wait3A_78 = tpu.memref_squeeze %dma_wait3A_77 : memref<1x8x128xi32, #tpu.memory_space<hbm>> -> memref<8x128xi32, #tpu.memory_space<hbm>>
    %dma_wait3A_79 = arith.constant 0 : i32
    %dma_wait3A_80 = arith.constant 0 : i32
    %dma_wait3A_81 = tpu.memref_slice %arg8[%dma_wait3A_70, %dma_wait3A_79, %dma_wait3A_80] : memref<2x8x128xi32, #tpu.memory_space<vmem>> -> memref<1x8x128xi32, #tpu.memory_space<vmem>>
    %dma_wait3A_82 = tpu.memref_squeeze %dma_wait3A_81 : memref<1x8x128xi32, #tpu.memory_space<vmem>> -> memref<8x128xi32, #tpu.memory_space<vmem>>
    %dma_wait3A_83 = arith.constant 0 : i32
    %dma_wait3A_84 = arith.constant 0 : i32
    %dma_wait3A_85 = tpu.memref_slice %arg4[%add3A, %dma_wait3A_83, %dma_wait3A_84] : memref<32x80x128xi32, #tpu.memory_space<hbm>> -> memref<1x8x128xi32, #tpu.memory_space<hbm>>
    %dma_wait3A_86 = tpu.memref_squeeze %dma_wait3A_85 : memref<1x8x128xi32, #tpu.memory_space<hbm>> -> memref<8x128xi32, #tpu.memory_space<hbm>>
    tpu.wait_dma2 semaphore(%arg15 : memref<!tpu.dma_semaphore, #tpu.memory_space<semaphore_mem>>) src(%dma_wait3A_86 : memref<8x128xi32, #tpu.memory_space<hbm>>) dst(%dma_wait3A_82 : memref<8x128xi32, #tpu.memory_space<vmem>>)
    %dma_start3A_87 = arith.constant 0 : i32
    %dma_start3A_88 = arith.constant 0 : i32
    %dma_start3A_89 = arith.constant 0 : i32
    %dma_start3A_90 = tpu.memref_slice %arg7[%dma_start3A_87, %dma_start3A_88, %dma_start3A_89] : memref<2x8x128xi32, #tpu.memory_space<vmem>> -> memref<1x1x128xi32, #tpu.memory_space<vmem>>
    %dma_start3A_91 = tpu.memref_squeeze %dma_start3A_90 : memref<1x1x128xi32, #tpu.memory_space<vmem>> -> memref<128xi32, #tpu.memory_space<vmem>>
    %dma_start3A_92 = arith.constant 0 : i32
    %dma_start3A_93 = arith.constant 0 : i32
    %dma_start3A_94 = tpu.memref_slice %arg2[%dma_start3A_92, %dma_start3A_93] : memref<10000x128xf32, #tpu.memory_space<hbm>> -> memref<10000x128xf32, #tpu.memory_space<hbm>>
    tpu.enqueue_indirect_dma source(%dma_start3A_94 : memref<10000x128xf32, #tpu.memory_space<hbm>>) target(%arg9 : memref<128x128xf32, #tpu.memory_space<vmem>>) offsets(%dma_start3A_91 : memref<128xi32, #tpu.memory_space<vmem>>) semaphore(%arg12 : memref<!tpu.dma_semaphore, #tpu.memory_space<semaphore_mem>>)
    %scan3A = arith.constant 0 : i32
    %scan3A_95 = arith.constant 10 : i32
    %scan3A_96 = arith.addi %scan3A, %scan3A_95 : i32
    %scan3A_97 = arith.constant 1 : i32
    scf.for %scan3A_104 = %scan3A to %scan3A_96 step %scan3A_97  : i32 {
      %mul3A_105 = arith.constant 1 : i32
      %mul3A_106 = arith.muli %scan3A_104, %mul3A_105 : i32
      %add3A_107 = arith.constant 0 : i32
      %add3A_108 = arith.addi %add3A_107, %mul3A_106 : i32
      %rem3A = arith.constant 2 : i32
      %rem3A_109 = arith.remsi %add3A_108, %rem3A : i32
      %add3A_110 = arith.constant 1 : i32
      %add3A_111 = arith.addi %add3A_108, %add3A_110 : i32
      %lt3A = arith.constant 10 : i32
      %lt3A_112 = arith.cmpi slt, %add3A_111, %lt3A : i32
      %convert_element_type3A = arith.extui %lt3A_112 : i1 to i32
      %cond3A = arith.constant 0 : i32
      %cond3A_113 = arith.cmpi ne, %convert_element_type3A, %cond3A : i32
      scf.if %cond3A_113 {
        %add3A_233 = arith.constant 1 : i32
        %add3A_234 = arith.addi %add3A_108, %add3A_233 : i32
        %mul3A_235 = arith.constant 8 : i32
        %mul3A_236 = arith.muli %add3A_234, %mul3A_235 : i32
        %sub3A = arith.constant 1 : i32
        %sub3A_237 = arith.subi %sub3A, %rem3A_109 : i32
        %dma_start3A_238 = arith.constant 0 : i32
        %dma_start3A_239 = arith.constant 0 : i32
        %dma_start3A_240 = tpu.memref_slice %arg7[%sub3A_237, %dma_start3A_238, %dma_start3A_239] : memref<2x8x128xi32, #tpu.memory_space<vmem>> -> memref<1x8x128xi32, #tpu.memory_space<vmem>>
        %dma_start3A_241 = tpu.memref_squeeze %dma_start3A_240 : memref<1x8x128xi32, #tpu.memory_space<vmem>> -> memref<8x128xi32, #tpu.memory_space<vmem>>
        %dma_start3A_242 = arith.constant 0 : i32
        %dma_start3A_243 = tpu.memref_slice %arg3[%add3A, %mul3A_236, %dma_start3A_242] : memref<32x80x128xi32, #tpu.memory_space<hbm>> -> memref<1x8x128xi32, #tpu.memory_space<hbm>>
        %dma_start3A_244 = tpu.memref_squeeze %dma_start3A_243 : memref<1x8x128xi32, #tpu.memory_space<hbm>> -> memref<8x128xi32, #tpu.memory_space<hbm>>
        %dma_start3A_245 = arith.constant 0 : i32
        %dma_start3A_246 = arith.constant 0 : i32
        %dma_start3A_247 = tpu.memref_slice %arg7[%sub3A_237, %dma_start3A_245, %dma_start3A_246] : memref<2x8x128xi32, #tpu.memory_space<vmem>> -> memref<1x8x128xi32, #tpu.memory_space<vmem>>
        %dma_start3A_248 = tpu.memref_squeeze %dma_start3A_247 : memref<1x8x128xi32, #tpu.memory_space<vmem>> -> memref<8x128xi32, #tpu.memory_space<vmem>>
        %dma_start3A_249 = arith.constant 0 : i32
        %dma_start3A_250 = tpu.memref_slice %arg3[%add3A, %mul3A_236, %dma_start3A_249] : memref<32x80x128xi32, #tpu.memory_space<hbm>> -> memref<1x8x128xi32, #tpu.memory_space<hbm>>
        %dma_start3A_251 = tpu.memref_squeeze %dma_start3A_250 : memref<1x8x128xi32, #tpu.memory_space<hbm>> -> memref<8x128xi32, #tpu.memory_space<hbm>>
        tpu.enqueue_dma source(%dma_start3A_251 : memref<8x128xi32, #tpu.memory_space<hbm>>) target(%dma_start3A_248 : memref<8x128xi32, #tpu.memory_space<vmem>>) target_semaphore(%arg14 : memref<!tpu.dma_semaphore, #tpu.memory_space<semaphore_mem>>)
        %sub3A_252 = arith.constant 1 : i32
        %sub3A_253 = arith.subi %sub3A_252, %rem3A_109 : i32
        %dma_start3A_254 = arith.constant 0 : i32
        %dma_start3A_255 = arith.constant 0 : i32
        %dma_start3A_256 = tpu.memref_slice %arg8[%sub3A_253, %dma_start3A_254, %dma_start3A_255] : memref<2x8x128xi32, #tpu.memory_space<vmem>> -> memref<1x8x128xi32, #tpu.memory_space<vmem>>
        %dma_start3A_257 = tpu.memref_squeeze %dma_start3A_256 : memref<1x8x128xi32, #tpu.memory_space<vmem>> -> memref<8x128xi32, #tpu.memory_space<vmem>>
        %dma_start3A_258 = arith.constant 0 : i32
        %dma_start3A_259 = tpu.memref_slice %arg4[%add3A, %mul3A_236, %dma_start3A_258] : memref<32x80x128xi32, #tpu.memory_space<hbm>> -> memref<1x8x128xi32, #tpu.memory_space<hbm>>
        %dma_start3A_260 = tpu.memref_squeeze %dma_start3A_259 : memref<1x8x128xi32, #tpu.memory_space<hbm>> -> memref<8x128xi32, #tpu.memory_space<hbm>>
        %dma_start3A_261 = arith.constant 0 : i32
        %dma_start3A_262 = arith.constant 0 : i32
        %dma_start3A_263 = tpu.memref_slice %arg8[%sub3A_253, %dma_start3A_261, %dma_start3A_262] : memref<2x8x128xi32, #tpu.memory_space<vmem>> -> memref<1x8x128xi32, #tpu.memory_space<vmem>>
        %dma_start3A_264 = tpu.memref_squeeze %dma_start3A_263 : memref<1x8x128xi32, #tpu.memory_space<vmem>> -> memref<8x128xi32, #tpu.memory_space<vmem>>
        %dma_start3A_265 = arith.constant 0 : i32
        %dma_start3A_266 = tpu.memref_slice %arg4[%add3A, %mul3A_236, %dma_start3A_265] : memref<32x80x128xi32, #tpu.memory_space<hbm>> -> memref<1x8x128xi32, #tpu.memory_space<hbm>>
        %dma_start3A_267 = tpu.memref_squeeze %dma_start3A_266 : memref<1x8x128xi32, #tpu.memory_space<hbm>> -> memref<8x128xi32, #tpu.memory_space<hbm>>
        tpu.enqueue_dma source(%dma_start3A_267 : memref<8x128xi32, #tpu.memory_space<hbm>>) target(%dma_start3A_264 : memref<8x128xi32, #tpu.memory_space<vmem>>) target_semaphore(%arg15 : memref<!tpu.dma_semaphore, #tpu.memory_space<semaphore_mem>>)
      } else {
      }
      %dma_start3A_114 = arith.constant 1 : i32
      %dma_start3A_115 = arith.constant 0 : i32
      %dma_start3A_116 = tpu.memref_slice %arg7[%rem3A_109, %dma_start3A_114, %dma_start3A_115] : memref<2x8x128xi32, #tpu.memory_space<vmem>> -> memref<1x1x128xi32, #tpu.memory_space<vmem>>
      %dma_start3A_117 = tpu.memref_squeeze %dma_start3A_116 : memref<1x1x128xi32, #tpu.memory_space<vmem>> -> memref<128xi32, #tpu.memory_space<vmem>>
      %dma_start3A_118 = arith.constant 0 : i32
      %dma_start3A_119 = arith.constant 0 : i32
      %dma_start3A_120 = tpu.memref_slice %arg2[%dma_start3A_118, %dma_start3A_119] : memref<10000x128xf32, #tpu.memory_space<hbm>> -> memref<10000x128xf32, #tpu.memory_space<hbm>>
      tpu.enqueue_indirect_dma source(%dma_start3A_120 : memref<10000x128xf32, #tpu.memory_space<hbm>>) target(%arg10 : memref<128x128xf32, #tpu.memory_space<vmem>>) offsets(%dma_start3A_117 : memref<128xi32, #tpu.memory_space<vmem>>) semaphore(%arg13 : memref<!tpu.dma_semaphore, #tpu.memory_space<semaphore_mem>>)
      %dma_wait3A_121 = arith.constant 0 : i32
      %dma_wait3A_122 = arith.constant 0 : i32
      %dma_wait3A_123 = tpu.memref_slice %arg7[%rem3A_109, %dma_wait3A_121, %dma_wait3A_122] : memref<2x8x128xi32, #tpu.memory_space<vmem>> -> memref<1x1x128xi32, #tpu.memory_space<vmem>>
      %dma_wait3A_124 = tpu.memref_squeeze %dma_wait3A_123 : memref<1x1x128xi32, #tpu.memory_space<vmem>> -> memref<128xi32, #tpu.memory_space<vmem>>
      %dma_wait3A_125 = arith.constant 0 : i32
      %dma_wait3A_126 = arith.constant 0 : i32
      %dma_wait3A_127 = tpu.memref_slice %arg2[%dma_wait3A_125, %dma_wait3A_126] : memref<10000x128xf32, #tpu.memory_space<hbm>> -> memref<10000x128xf32, #tpu.memory_space<hbm>>
      tpu.wait_indirect_dma semaphore(%arg12 : memref<!tpu.dma_semaphore, #tpu.memory_space<semaphore_mem>>) src(%dma_wait3A_127 : memref<10000x128xf32, #tpu.memory_space<hbm>>) dst(%arg9 : memref<128x128xf32, #tpu.memory_space<vmem>>)
      %run_scoped3A = arith.constant 0 : i32
      "tpu.region"() ({
        %run_scoped3A_233 = tpu.sem_alloc : memref<!tpu.dma_semaphore, #tpu.memory_space<semaphore_mem>>
        %dma_start3A_234 = arith.constant 0 : i32
        %dma_start3A_235 = tpu.memref_slice %arg8[%rem3A_109, %run_scoped3A, %dma_start3A_234] : memref<2x8x128xi32, #tpu.memory_space<vmem>> -> memref<1x1x128xi32, #tpu.memory_space<vmem>>
        %dma_start3A_236 = tpu.memref_squeeze %dma_start3A_235 : memref<1x1x128xi32, #tpu.memory_space<vmem>> -> memref<128xi32, #tpu.memory_space<vmem>>
        %dma_start3A_237 = arith.constant 0 : i32
        %dma_start3A_238 = arith.constant 0 : i32
        %dma_start3A_239 = tpu.memref_slice %arg11[%dma_start3A_237, %dma_start3A_238] : memref<10240x128xf32, #tpu.memory_space<vmem_shared>> -> memref<10240x128xf32, #tpu.memory_space<vmem_shared>>
        tpu.enqueue_indirect_dma source(%arg9 : memref<128x128xf32, #tpu.memory_space<vmem>>) target(%dma_start3A_239 : memref<10240x128xf32, #tpu.memory_space<vmem_shared>>) offsets(%dma_start3A_236 : memref<128xi32, #tpu.memory_space<vmem>>) semaphore(%run_scoped3A_233 : memref<!tpu.dma_semaphore, #tpu.memory_space<semaphore_mem>>) {add = true}
        %dma_wait3A_240 = arith.constant 0 : i32
        %dma_wait3A_241 = tpu.memref_slice %arg8[%rem3A_109, %run_scoped3A, %dma_wait3A_240] : memref<2x8x128xi32, #tpu.memory_space<vmem>> -> memref<1x1x128xi32, #tpu.memory_space<vmem>>
        %dma_wait3A_242 = tpu.memref_squeeze %dma_wait3A_241 : memref<1x1x128xi32, #tpu.memory_space<vmem>> -> memref<128xi32, #tpu.memory_space<vmem>>
        %dma_wait3A_243 = arith.constant 0 : i32
        %dma_wait3A_244 = arith.constant 0 : i32
        %dma_wait3A_245 = tpu.memref_slice %arg11[%dma_wait3A_243, %dma_wait3A_244] : memref<10240x128xf32, #tpu.memory_space<vmem_shared>> -> memref<10240x128xf32, #tpu.memory_space<vmem_shared>>
        tpu.wait_indirect_dma semaphore(%run_scoped3A_233 : memref<!tpu.dma_semaphore, #tpu.memory_space<semaphore_mem>>) src(%arg9 : memref<128x128xf32, #tpu.memory_space<vmem>>) dst(%dma_wait3A_245 : memref<10240x128xf32, #tpu.memory_space<vmem_shared>>)
        tpu.yield
      }) : () -> ()
      %dma_start3A_128 = arith.constant 2 : i32
      %dma_start3A_129 = arith.constant 0 : i32
      %dma_start3A_130 = tpu.memref_slice %arg7[%rem3A_109, %dma_start3A_128, %dma_start3A_129] : memref<2x8x128xi32, #tpu.memory_space<vmem>> -> memref<1x1x128xi32, #tpu.memory_space<vmem>>
      %dma_start3A_131 = tpu.memref_squeeze %dma_start3A_130 : memref<1x1x128xi32, #tpu.memory_space<vmem>> -> memref<128xi32, #tpu.memory_space<vmem>>
      %dma_start3A_132 = arith.constant 0 : i32
      %dma_start3A_133 = arith.constant 0 : i32
      %dma_start3A_134 = tpu.memref_slice %arg2[%dma_start3A_132, %dma_start3A_133] : memref<10000x128xf32, #tpu.memory_space<hbm>> -> memref<10000x128xf32, #tpu.memory_space<hbm>>
      tpu.enqueue_indirect_dma source(%dma_start3A_134 : memref<10000x128xf32, #tpu.memory_space<hbm>>) target(%arg9 : memref<128x128xf32, #tpu.memory_space<vmem>>) offsets(%dma_start3A_131 : memref<128xi32, #tpu.memory_space<vmem>>) semaphore(%arg12 : memref<!tpu.dma_semaphore, #tpu.memory_space<semaphore_mem>>)
      %dma_wait3A_135 = arith.constant 1 : i32
      %dma_wait3A_136 = arith.constant 0 : i32
      %dma_wait3A_137 = tpu.memref_slice %arg7[%rem3A_109, %dma_wait3A_135, %dma_wait3A_136] : memref<2x8x128xi32, #tpu.memory_space<vmem>> -> memref<1x1x128xi32, #tpu.memory_space<vmem>>
      %dma_wait3A_138 = tpu.memref_squeeze %dma_wait3A_137 : memref<1x1x128xi32, #tpu.memory_space<vmem>> -> memref<128xi32, #tpu.memory_space<vmem>>
      %dma_wait3A_139 = arith.constant 0 : i32
      %dma_wait3A_140 = arith.constant 0 : i32
      %dma_wait3A_141 = tpu.memref_slice %arg2[%dma_wait3A_139, %dma_wait3A_140] : memref<10000x128xf32, #tpu.memory_space<hbm>> -> memref<10000x128xf32, #tpu.memory_space<hbm>>
      tpu.wait_indirect_dma semaphore(%arg13 : memref<!tpu.dma_semaphore, #tpu.memory_space<semaphore_mem>>) src(%dma_wait3A_141 : memref<10000x128xf32, #tpu.memory_space<hbm>>) dst(%arg10 : memref<128x128xf32, #tpu.memory_space<vmem>>)
      %run_scoped3A_142 = arith.constant 1 : i32
      "tpu.region"() ({
        %run_scoped3A_233 = tpu.sem_alloc : memref<!tpu.dma_semaphore, #tpu.memory_space<semaphore_mem>>
        %dma_start3A_234 = arith.constant 0 : i32
        %dma_start3A_235 = tpu.memref_slice %arg8[%rem3A_109, %run_scoped3A_142, %dma_start3A_234] : memref<2x8x128xi32, #tpu.memory_space<vmem>> -> memref<1x1x128xi32, #tpu.memory_space<vmem>>
        %dma_start3A_236 = tpu.memref_squeeze %dma_start3A_235 : memref<1x1x128xi32, #tpu.memory_space<vmem>> -> memref<128xi32, #tpu.memory_space<vmem>>
        %dma_start3A_237 = arith.constant 0 : i32
        %dma_start3A_238 = arith.constant 0 : i32
        %dma_start3A_239 = tpu.memref_slice %arg11[%dma_start3A_237, %dma_start3A_238] : memref<10240x128xf32, #tpu.memory_space<vmem_shared>> -> memref<10240x128xf32, #tpu.memory_space<vmem_shared>>
        tpu.enqueue_indirect_dma source(%arg10 : memref<128x128xf32, #tpu.memory_space<vmem>>) target(%dma_start3A_239 : memref<10240x128xf32, #tpu.memory_space<vmem_shared>>) offsets(%dma_start3A_236 : memref<128xi32, #tpu.memory_space<vmem>>) semaphore(%run_scoped3A_233 : memref<!tpu.dma_semaphore, #tpu.memory_space<semaphore_mem>>) {add = true}
        %dma_wait3A_240 = arith.constant 0 : i32
        %dma_wait3A_241 = tpu.memref_slice %arg8[%rem3A_109, %run_scoped3A_142, %dma_wait3A_240] : memref<2x8x128xi32, #tpu.memory_space<vmem>> -> memref<1x1x128xi32, #tpu.memory_space<vmem>>
        %dma_wait3A_242 = tpu.memref_squeeze %dma_wait3A_241 : memref<1x1x128xi32, #tpu.memory_space<vmem>> -> memref<128xi32, #tpu.memory_space<vmem>>
        %dma_wait3A_243 = arith.constant 0 : i32
        %dma_wait3A_244 = arith.constant 0 : i32
        %dma_wait3A_245 = tpu.memref_slice %arg11[%dma_wait3A_243, %dma_wait3A_244] : memref<10240x128xf32, #tpu.memory_space<vmem_shared>> -> memref<10240x128xf32, #tpu.memory_space<vmem_shared>>
        tpu.wait_indirect_dma semaphore(%run_scoped3A_233 : memref<!tpu.dma_semaphore, #tpu.memory_space<semaphore_mem>>) src(%arg10 : memref<128x128xf32, #tpu.memory_space<vmem>>) dst(%dma_wait3A_245 : memref<10240x128xf32, #tpu.memory_space<vmem_shared>>)
        tpu.yield
      }) : () -> ()
      %dma_start3A_143 = arith.constant 3 : i32
      %dma_start3A_144 = arith.constant 0 : i32
      %dma_start3A_145 = tpu.memref_slice %arg7[%rem3A_109, %dma_start3A_143, %dma_start3A_144] : memref<2x8x128xi32, #tpu.memory_space<vmem>> -> memref<1x1x128xi32, #tpu.memory_space<vmem>>
      %dma_start3A_146 = tpu.memref_squeeze %dma_start3A_145 : memref<1x1x128xi32, #tpu.memory_space<vmem>> -> memref<128xi32, #tpu.memory_space<vmem>>
      %dma_start3A_147 = arith.constant 0 : i32
      %dma_start3A_148 = arith.constant 0 : i32
      %dma_start3A_149 = tpu.memref_slice %arg2[%dma_start3A_147, %dma_start3A_148] : memref<10000x128xf32, #tpu.memory_space<hbm>> -> memref<10000x128xf32, #tpu.memory_space<hbm>>
      tpu.enqueue_indirect_dma source(%dma_start3A_149 : memref<10000x128xf32, #tpu.memory_space<hbm>>) target(%arg10 : memref<128x128xf32, #tpu.memory_space<vmem>>) offsets(%dma_start3A_146 : memref<128xi32, #tpu.memory_space<vmem>>) semaphore(%arg13 : memref<!tpu.dma_semaphore, #tpu.memory_space<semaphore_mem>>)
      %dma_wait3A_150 = arith.constant 2 : i32
      %dma_wait3A_151 = arith.constant 0 : i32
      %dma_wait3A_152 = tpu.memref_slice %arg7[%rem3A_109, %dma_wait3A_150, %dma_wait3A_151] : memref<2x8x128xi32, #tpu.memory_space<vmem>> -> memref<1x1x128xi32, #tpu.memory_space<vmem>>
      %dma_wait3A_153 = tpu.memref_squeeze %dma_wait3A_152 : memref<1x1x128xi32, #tpu.memory_space<vmem>> -> memref<128xi32, #tpu.memory_space<vmem>>
      %dma_wait3A_154 = arith.constant 0 : i32
      %dma_wait3A_155 = arith.constant 0 : i32
      %dma_wait3A_156 = tpu.memref_slice %arg2[%dma_wait3A_154, %dma_wait3A_155] : memref<10000x128xf32, #tpu.memory_space<hbm>> -> memref<10000x128xf32, #tpu.memory_space<hbm>>
      tpu.wait_indirect_dma semaphore(%arg12 : memref<!tpu.dma_semaphore, #tpu.memory_space<semaphore_mem>>) src(%dma_wait3A_156 : memref<10000x128xf32, #tpu.memory_space<hbm>>) dst(%arg9 : memref<128x128xf32, #tpu.memory_space<vmem>>)
      %run_scoped3A_157 = arith.constant 2 : i32
      "tpu.region"() ({
        %run_scoped3A_233 = tpu.sem_alloc : memref<!tpu.dma_semaphore, #tpu.memory_space<semaphore_mem>>
        %dma_start3A_234 = arith.constant 0 : i32
        %dma_start3A_235 = tpu.memref_slice %arg8[%rem3A_109, %run_scoped3A_157, %dma_start3A_234] : memref<2x8x128xi32, #tpu.memory_space<vmem>> -> memref<1x1x128xi32, #tpu.memory_space<vmem>>
        %dma_start3A_236 = tpu.memref_squeeze %dma_start3A_235 : memref<1x1x128xi32, #tpu.memory_space<vmem>> -> memref<128xi32, #tpu.memory_space<vmem>>
        %dma_start3A_237 = arith.constant 0 : i32
        %dma_start3A_238 = arith.constant 0 : i32
        %dma_start3A_239 = tpu.memref_slice %arg11[%dma_start3A_237, %dma_start3A_238] : memref<10240x128xf32, #tpu.memory_space<vmem_shared>> -> memref<10240x128xf32, #tpu.memory_space<vmem_shared>>
        tpu.enqueue_indirect_dma source(%arg9 : memref<128x128xf32, #tpu.memory_space<vmem>>) target(%dma_start3A_239 : memref<10240x128xf32, #tpu.memory_space<vmem_shared>>) offsets(%dma_start3A_236 : memref<128xi32, #tpu.memory_space<vmem>>) semaphore(%run_scoped3A_233 : memref<!tpu.dma_semaphore, #tpu.memory_space<semaphore_mem>>) {add = true}
        %dma_wait3A_240 = arith.constant 0 : i32
        %dma_wait3A_241 = tpu.memref_slice %arg8[%rem3A_109, %run_scoped3A_157, %dma_wait3A_240] : memref<2x8x128xi32, #tpu.memory_space<vmem>> -> memref<1x1x128xi32, #tpu.memory_space<vmem>>
        %dma_wait3A_242 = tpu.memref_squeeze %dma_wait3A_241 : memref<1x1x128xi32, #tpu.memory_space<vmem>> -> memref<128xi32, #tpu.memory_space<vmem>>
        %dma_wait3A_243 = arith.constant 0 : i32
        %dma_wait3A_244 = arith.constant 0 : i32
        %dma_wait3A_245 = tpu.memref_slice %arg11[%dma_wait3A_243, %dma_wait3A_244] : memref<10240x128xf32, #tpu.memory_space<vmem_shared>> -> memref<10240x128xf32, #tpu.memory_space<vmem_shared>>
        tpu.wait_indirect_dma semaphore(%run_scoped3A_233 : memref<!tpu.dma_semaphore, #tpu.memory_space<semaphore_mem>>) src(%arg9 : memref<128x128xf32, #tpu.memory_space<vmem>>) dst(%dma_wait3A_245 : memref<10240x128xf32, #tpu.memory_space<vmem_shared>>)
        tpu.yield
      }) : () -> ()
      %dma_start3A_158 = arith.constant 4 : i32
      %dma_start3A_159 = arith.constant 0 : i32
      %dma_start3A_160 = tpu.memref_slice %arg7[%rem3A_109, %dma_start3A_158, %dma_start3A_159] : memref<2x8x128xi32, #tpu.memory_space<vmem>> -> memref<1x1x128xi32, #tpu.memory_space<vmem>>
      %dma_start3A_161 = tpu.memref_squeeze %dma_start3A_160 : memref<1x1x128xi32, #tpu.memory_space<vmem>> -> memref<128xi32, #tpu.memory_space<vmem>>
      %dma_start3A_162 = arith.constant 0 : i32
      %dma_start3A_163 = arith.constant 0 : i32
      %dma_start3A_164 = tpu.memref_slice %arg2[%dma_start3A_162, %dma_start3A_163] : memref<10000x128xf32, #tpu.memory_space<hbm>> -> memref<10000x128xf32, #tpu.memory_space<hbm>>
      tpu.enqueue_indirect_dma source(%dma_start3A_164 : memref<10000x128xf32, #tpu.memory_space<hbm>>) target(%arg9 : memref<128x128xf32, #tpu.memory_space<vmem>>) offsets(%dma_start3A_161 : memref<128xi32, #tpu.memory_space<vmem>>) semaphore(%arg12 : memref<!tpu.dma_semaphore, #tpu.memory_space<semaphore_mem>>)
      %dma_wait3A_165 = arith.constant 3 : i32
      %dma_wait3A_166 = arith.constant 0 : i32
      %dma_wait3A_167 = tpu.memref_slice %arg7[%rem3A_109, %dma_wait3A_165, %dma_wait3A_166] : memref<2x8x128xi32, #tpu.memory_space<vmem>> -> memref<1x1x128xi32, #tpu.memory_space<vmem>>
      %dma_wait3A_168 = tpu.memref_squeeze %dma_wait3A_167 : memref<1x1x128xi32, #tpu.memory_space<vmem>> -> memref<128xi32, #tpu.memory_space<vmem>>
      %dma_wait3A_169 = arith.constant 0 : i32
      %dma_wait3A_170 = arith.constant 0 : i32
      %dma_wait3A_171 = tpu.memref_slice %arg2[%dma_wait3A_169, %dma_wait3A_170] : memref<10000x128xf32, #tpu.memory_space<hbm>> -> memref<10000x128xf32, #tpu.memory_space<hbm>>
      tpu.wait_indirect_dma semaphore(%arg13 : memref<!tpu.dma_semaphore, #tpu.memory_space<semaphore_mem>>) src(%dma_wait3A_171 : memref<10000x128xf32, #tpu.memory_space<hbm>>) dst(%arg10 : memref<128x128xf32, #tpu.memory_space<vmem>>)
      %run_scoped3A_172 = arith.constant 3 : i32
      "tpu.region"() ({
        %run_scoped3A_233 = tpu.sem_alloc : memref<!tpu.dma_semaphore, #tpu.memory_space<semaphore_mem>>
        %dma_start3A_234 = arith.constant 0 : i32
        %dma_start3A_235 = tpu.memref_slice %arg8[%rem3A_109, %run_scoped3A_172, %dma_start3A_234] : memref<2x8x128xi32, #tpu.memory_space<vmem>> -> memref<1x1x128xi32, #tpu.memory_space<vmem>>
        %dma_start3A_236 = tpu.memref_squeeze %dma_start3A_235 : memref<1x1x128xi32, #tpu.memory_space<vmem>> -> memref<128xi32, #tpu.memory_space<vmem>>
        %dma_start3A_237 = arith.constant 0 : i32
        %dma_start3A_238 = arith.constant 0 : i32
        %dma_start3A_239 = tpu.memref_slice %arg11[%dma_start3A_237, %dma_start3A_238] : memref<10240x128xf32, #tpu.memory_space<vmem_shared>> -> memref<10240x128xf32, #tpu.memory_space<vmem_shared>>
        tpu.enqueue_indirect_dma source(%arg10 : memref<128x128xf32, #tpu.memory_space<vmem>>) target(%dma_start3A_239 : memref<10240x128xf32, #tpu.memory_space<vmem_shared>>) offsets(%dma_start3A_236 : memref<128xi32, #tpu.memory_space<vmem>>) semaphore(%run_scoped3A_233 : memref<!tpu.dma_semaphore, #tpu.memory_space<semaphore_mem>>) {add = true}
        %dma_wait3A_240 = arith.constant 0 : i32
        %dma_wait3A_241 = tpu.memref_slice %arg8[%rem3A_109, %run_scoped3A_172, %dma_wait3A_240] : memref<2x8x128xi32, #tpu.memory_space<vmem>> -> memref<1x1x128xi32, #tpu.memory_space<vmem>>
        %dma_wait3A_242 = tpu.memref_squeeze %dma_wait3A_241 : memref<1x1x128xi32, #tpu.memory_space<vmem>> -> memref<128xi32, #tpu.memory_space<vmem>>
        %dma_wait3A_243 = arith.constant 0 : i32
        %dma_wait3A_244 = arith.constant 0 : i32
        %dma_wait3A_245 = tpu.memref_slice %arg11[%dma_wait3A_243, %dma_wait3A_244] : memref<10240x128xf32, #tpu.memory_space<vmem_shared>> -> memref<10240x128xf32, #tpu.memory_space<vmem_shared>>
        tpu.wait_indirect_dma semaphore(%run_scoped3A_233 : memref<!tpu.dma_semaphore, #tpu.memory_space<semaphore_mem>>) src(%arg10 : memref<128x128xf32, #tpu.memory_space<vmem>>) dst(%dma_wait3A_245 : memref<10240x128xf32, #tpu.memory_space<vmem_shared>>)
        tpu.yield
      }) : () -> ()
      %dma_start3A_173 = arith.constant 5 : i32
      %dma_start3A_174 = arith.constant 0 : i32
      %dma_start3A_175 = tpu.memref_slice %arg7[%rem3A_109, %dma_start3A_173, %dma_start3A_174] : memref<2x8x128xi32, #tpu.memory_space<vmem>> -> memref<1x1x128xi32, #tpu.memory_space<vmem>>
      %dma_start3A_176 = tpu.memref_squeeze %dma_start3A_175 : memref<1x1x128xi32, #tpu.memory_space<vmem>> -> memref<128xi32, #tpu.memory_space<vmem>>
      %dma_start3A_177 = arith.constant 0 : i32
      %dma_start3A_178 = arith.constant 0 : i32
      %dma_start3A_179 = tpu.memref_slice %arg2[%dma_start3A_177, %dma_start3A_178] : memref<10000x128xf32, #tpu.memory_space<hbm>> -> memref<10000x128xf32, #tpu.memory_space<hbm>>
      tpu.enqueue_indirect_dma source(%dma_start3A_179 : memref<10000x128xf32, #tpu.memory_space<hbm>>) target(%arg10 : memref<128x128xf32, #tpu.memory_space<vmem>>) offsets(%dma_start3A_176 : memref<128xi32, #tpu.memory_space<vmem>>) semaphore(%arg13 : memref<!tpu.dma_semaphore, #tpu.memory_space<semaphore_mem>>)
      %dma_wait3A_180 = arith.constant 4 : i32
      %dma_wait3A_181 = arith.constant 0 : i32
      %dma_wait3A_182 = tpu.memref_slice %arg7[%rem3A_109, %dma_wait3A_180, %dma_wait3A_181] : memref<2x8x128xi32, #tpu.memory_space<vmem>> -> memref<1x1x128xi32, #tpu.memory_space<vmem>>
      %dma_wait3A_183 = tpu.memref_squeeze %dma_wait3A_182 : memref<1x1x128xi32, #tpu.memory_space<vmem>> -> memref<128xi32, #tpu.memory_space<vmem>>
      %dma_wait3A_184 = arith.constant 0 : i32
      %dma_wait3A_185 = arith.constant 0 : i32
      %dma_wait3A_186 = tpu.memref_slice %arg2[%dma_wait3A_184, %dma_wait3A_185] : memref<10000x128xf32, #tpu.memory_space<hbm>> -> memref<10000x128xf32, #tpu.memory_space<hbm>>
      tpu.wait_indirect_dma semaphore(%arg12 : memref<!tpu.dma_semaphore, #tpu.memory_space<semaphore_mem>>) src(%dma_wait3A_186 : memref<10000x128xf32, #tpu.memory_space<hbm>>) dst(%arg9 : memref<128x128xf32, #tpu.memory_space<vmem>>)
      %run_scoped3A_187 = arith.constant 4 : i32
      "tpu.region"() ({
        %run_scoped3A_233 = tpu.sem_alloc : memref<!tpu.dma_semaphore, #tpu.memory_space<semaphore_mem>>
        %dma_start3A_234 = arith.constant 0 : i32
        %dma_start3A_235 = tpu.memref_slice %arg8[%rem3A_109, %run_scoped3A_187, %dma_start3A_234] : memref<2x8x128xi32, #tpu.memory_space<vmem>> -> memref<1x1x128xi32, #tpu.memory_space<vmem>>
        %dma_start3A_236 = tpu.memref_squeeze %dma_start3A_235 : memref<1x1x128xi32, #tpu.memory_space<vmem>> -> memref<128xi32, #tpu.memory_space<vmem>>
        %dma_start3A_237 = arith.constant 0 : i32
        %dma_start3A_238 = arith.constant 0 : i32
        %dma_start3A_239 = tpu.memref_slice %arg11[%dma_start3A_237, %dma_start3A_238] : memref<10240x128xf32, #tpu.memory_space<vmem_shared>> -> memref<10240x128xf32, #tpu.memory_space<vmem_shared>>
        tpu.enqueue_indirect_dma source(%arg9 : memref<128x128xf32, #tpu.memory_space<vmem>>) target(%dma_start3A_239 : memref<10240x128xf32, #tpu.memory_space<vmem_shared>>) offsets(%dma_start3A_236 : memref<128xi32, #tpu.memory_space<vmem>>) semaphore(%run_scoped3A_233 : memref<!tpu.dma_semaphore, #tpu.memory_space<semaphore_mem>>) {add = true}
        %dma_wait3A_240 = arith.constant 0 : i32
        %dma_wait3A_241 = tpu.memref_slice %arg8[%rem3A_109, %run_scoped3A_187, %dma_wait3A_240] : memref<2x8x128xi32, #tpu.memory_space<vmem>> -> memref<1x1x128xi32, #tpu.memory_space<vmem>>
        %dma_wait3A_242 = tpu.memref_squeeze %dma_wait3A_241 : memref<1x1x128xi32, #tpu.memory_space<vmem>> -> memref<128xi32, #tpu.memory_space<vmem>>
        %dma_wait3A_243 = arith.constant 0 : i32
        %dma_wait3A_244 = arith.constant 0 : i32
        %dma_wait3A_245 = tpu.memref_slice %arg11[%dma_wait3A_243, %dma_wait3A_244] : memref<10240x128xf32, #tpu.memory_space<vmem_shared>> -> memref<10240x128xf32, #tpu.memory_space<vmem_shared>>
        tpu.wait_indirect_dma semaphore(%run_scoped3A_233 : memref<!tpu.dma_semaphore, #tpu.memory_space<semaphore_mem>>) src(%arg9 : memref<128x128xf32, #tpu.memory_space<vmem>>) dst(%dma_wait3A_245 : memref<10240x128xf32, #tpu.memory_space<vmem_shared>>)
        tpu.yield
      }) : () -> ()
      %dma_start3A_188 = arith.constant 6 : i32
      %dma_start3A_189 = arith.constant 0 : i32
      %dma_start3A_190 = tpu.memref_slice %arg7[%rem3A_109, %dma_start3A_188, %dma_start3A_189] : memref<2x8x128xi32, #tpu.memory_space<vmem>> -> memref<1x1x128xi32, #tpu.memory_space<vmem>>
      %dma_start3A_191 = tpu.memref_squeeze %dma_start3A_190 : memref<1x1x128xi32, #tpu.memory_space<vmem>> -> memref<128xi32, #tpu.memory_space<vmem>>
      %dma_start3A_192 = arith.constant 0 : i32
      %dma_start3A_193 = arith.constant 0 : i32
      %dma_start3A_194 = tpu.memref_slice %arg2[%dma_start3A_192, %dma_start3A_193] : memref<10000x128xf32, #tpu.memory_space<hbm>> -> memref<10000x128xf32, #tpu.memory_space<hbm>>
      tpu.enqueue_indirect_dma source(%dma_start3A_194 : memref<10000x128xf32, #tpu.memory_space<hbm>>) target(%arg9 : memref<128x128xf32, #tpu.memory_space<vmem>>) offsets(%dma_start3A_191 : memref<128xi32, #tpu.memory_space<vmem>>) semaphore(%arg12 : memref<!tpu.dma_semaphore, #tpu.memory_space<semaphore_mem>>)
      %dma_wait3A_195 = arith.constant 5 : i32
      %dma_wait3A_196 = arith.constant 0 : i32
      %dma_wait3A_197 = tpu.memref_slice %arg7[%rem3A_109, %dma_wait3A_195, %dma_wait3A_196] : memref<2x8x128xi32, #tpu.memory_space<vmem>> -> memref<1x1x128xi32, #tpu.memory_space<vmem>>
      %dma_wait3A_198 = tpu.memref_squeeze %dma_wait3A_197 : memref<1x1x128xi32, #tpu.memory_space<vmem>> -> memref<128xi32, #tpu.memory_space<vmem>>
      %dma_wait3A_199 = arith.constant 0 : i32
      %dma_wait3A_200 = arith.constant 0 : i32
      %dma_wait3A_201 = tpu.memref_slice %arg2[%dma_wait3A_199, %dma_wait3A_200] : memref<10000x128xf32, #tpu.memory_space<hbm>> -> memref<10000x128xf32, #tpu.memory_space<hbm>>
      tpu.wait_indirect_dma semaphore(%arg13 : memref<!tpu.dma_semaphore, #tpu.memory_space<semaphore_mem>>) src(%dma_wait3A_201 : memref<10000x128xf32, #tpu.memory_space<hbm>>) dst(%arg10 : memref<128x128xf32, #tpu.memory_space<vmem>>)
      %run_scoped3A_202 = arith.constant 5 : i32
      "tpu.region"() ({
        %run_scoped3A_233 = tpu.sem_alloc : memref<!tpu.dma_semaphore, #tpu.memory_space<semaphore_mem>>
        %dma_start3A_234 = arith.constant 0 : i32
        %dma_start3A_235 = tpu.memref_slice %arg8[%rem3A_109, %run_scoped3A_202, %dma_start3A_234] : memref<2x8x128xi32, #tpu.memory_space<vmem>> -> memref<1x1x128xi32, #tpu.memory_space<vmem>>
        %dma_start3A_236 = tpu.memref_squeeze %dma_start3A_235 : memref<1x1x128xi32, #tpu.memory_space<vmem>> -> memref<128xi32, #tpu.memory_space<vmem>>
        %dma_start3A_237 = arith.constant 0 : i32
        %dma_start3A_238 = arith.constant 0 : i32
        %dma_start3A_239 = tpu.memref_slice %arg11[%dma_start3A_237, %dma_start3A_238] : memref<10240x128xf32, #tpu.memory_space<vmem_shared>> -> memref<10240x128xf32, #tpu.memory_space<vmem_shared>>
        tpu.enqueue_indirect_dma source(%arg10 : memref<128x128xf32, #tpu.memory_space<vmem>>) target(%dma_start3A_239 : memref<10240x128xf32, #tpu.memory_space<vmem_shared>>) offsets(%dma_start3A_236 : memref<128xi32, #tpu.memory_space<vmem>>) semaphore(%run_scoped3A_233 : memref<!tpu.dma_semaphore, #tpu.memory_space<semaphore_mem>>) {add = true}
        %dma_wait3A_240 = arith.constant 0 : i32
        %dma_wait3A_241 = tpu.memref_slice %arg8[%rem3A_109, %run_scoped3A_202, %dma_wait3A_240] : memref<2x8x128xi32, #tpu.memory_space<vmem>> -> memref<1x1x128xi32, #tpu.memory_space<vmem>>
        %dma_wait3A_242 = tpu.memref_squeeze %dma_wait3A_241 : memref<1x1x128xi32, #tpu.memory_space<vmem>> -> memref<128xi32, #tpu.memory_space<vmem>>
        %dma_wait3A_243 = arith.constant 0 : i32
        %dma_wait3A_244 = arith.constant 0 : i32
        %dma_wait3A_245 = tpu.memref_slice %arg11[%dma_wait3A_243, %dma_wait3A_244] : memref<10240x128xf32, #tpu.memory_space<vmem_shared>> -> memref<10240x128xf32, #tpu.memory_space<vmem_shared>>
        tpu.wait_indirect_dma semaphore(%run_scoped3A_233 : memref<!tpu.dma_semaphore, #tpu.memory_space<semaphore_mem>>) src(%arg10 : memref<128x128xf32, #tpu.memory_space<vmem>>) dst(%dma_wait3A_245 : memref<10240x128xf32, #tpu.memory_space<vmem_shared>>)
        tpu.yield
      }) : () -> ()
      %dma_start3A_203 = arith.constant 7 : i32
      %dma_start3A_204 = arith.constant 0 : i32
      %dma_start3A_205 = tpu.memref_slice %arg7[%rem3A_109, %dma_start3A_203, %dma_start3A_204] : memref<2x8x128xi32, #tpu.memory_space<vmem>> -> memref<1x1x128xi32, #tpu.memory_space<vmem>>
      %dma_start3A_206 = tpu.memref_squeeze %dma_start3A_205 : memref<1x1x128xi32, #tpu.memory_space<vmem>> -> memref<128xi32, #tpu.memory_space<vmem>>
      %dma_start3A_207 = arith.constant 0 : i32
      %dma_start3A_208 = arith.constant 0 : i32
      %dma_start3A_209 = tpu.memref_slice %arg2[%dma_start3A_207, %dma_start3A_208] : memref<10000x128xf32, #tpu.memory_space<hbm>> -> memref<10000x128xf32, #tpu.memory_space<hbm>>
      tpu.enqueue_indirect_dma source(%dma_start3A_209 : memref<10000x128xf32, #tpu.memory_space<hbm>>) target(%arg10 : memref<128x128xf32, #tpu.memory_space<vmem>>) offsets(%dma_start3A_206 : memref<128xi32, #tpu.memory_space<vmem>>) semaphore(%arg13 : memref<!tpu.dma_semaphore, #tpu.memory_space<semaphore_mem>>)
      %dma_wait3A_210 = arith.constant 6 : i32
      %dma_wait3A_211 = arith.constant 0 : i32
      %dma_wait3A_212 = tpu.memref_slice %arg7[%rem3A_109, %dma_wait3A_210, %dma_wait3A_211] : memref<2x8x128xi32, #tpu.memory_space<vmem>> -> memref<1x1x128xi32, #tpu.memory_space<vmem>>
      %dma_wait3A_213 = tpu.memref_squeeze %dma_wait3A_212 : memref<1x1x128xi32, #tpu.memory_space<vmem>> -> memref<128xi32, #tpu.memory_space<vmem>>
      %dma_wait3A_214 = arith.constant 0 : i32
      %dma_wait3A_215 = arith.constant 0 : i32
      %dma_wait3A_216 = tpu.memref_slice %arg2[%dma_wait3A_214, %dma_wait3A_215] : memref<10000x128xf32, #tpu.memory_space<hbm>> -> memref<10000x128xf32, #tpu.memory_space<hbm>>
      tpu.wait_indirect_dma semaphore(%arg12 : memref<!tpu.dma_semaphore, #tpu.memory_space<semaphore_mem>>) src(%dma_wait3A_216 : memref<10000x128xf32, #tpu.memory_space<hbm>>) dst(%arg9 : memref<128x128xf32, #tpu.memory_space<vmem>>)
      %run_scoped3A_217 = arith.constant 6 : i32
      "tpu.region"() ({
        %run_scoped3A_233 = tpu.sem_alloc : memref<!tpu.dma_semaphore, #tpu.memory_space<semaphore_mem>>
        %dma_start3A_234 = arith.constant 0 : i32
        %dma_start3A_235 = tpu.memref_slice %arg8[%rem3A_109, %run_scoped3A_217, %dma_start3A_234] : memref<2x8x128xi32, #tpu.memory_space<vmem>> -> memref<1x1x128xi32, #tpu.memory_space<vmem>>
        %dma_start3A_236 = tpu.memref_squeeze %dma_start3A_235 : memref<1x1x128xi32, #tpu.memory_space<vmem>> -> memref<128xi32, #tpu.memory_space<vmem>>
        %dma_start3A_237 = arith.constant 0 : i32
        %dma_start3A_238 = arith.constant 0 : i32
        %dma_start3A_239 = tpu.memref_slice %arg11[%dma_start3A_237, %dma_start3A_238] : memref<10240x128xf32, #tpu.memory_space<vmem_shared>> -> memref<10240x128xf32, #tpu.memory_space<vmem_shared>>
        tpu.enqueue_indirect_dma source(%arg9 : memref<128x128xf32, #tpu.memory_space<vmem>>) target(%dma_start3A_239 : memref<10240x128xf32, #tpu.memory_space<vmem_shared>>) offsets(%dma_start3A_236 : memref<128xi32, #tpu.memory_space<vmem>>) semaphore(%run_scoped3A_233 : memref<!tpu.dma_semaphore, #tpu.memory_space<semaphore_mem>>) {add = true}
        %dma_wait3A_240 = arith.constant 0 : i32
        %dma_wait3A_241 = tpu.memref_slice %arg8[%rem3A_109, %run_scoped3A_217, %dma_wait3A_240] : memref<2x8x128xi32, #tpu.memory_space<vmem>> -> memref<1x1x128xi32, #tpu.memory_space<vmem>>
        %dma_wait3A_242 = tpu.memref_squeeze %dma_wait3A_241 : memref<1x1x128xi32, #tpu.memory_space<vmem>> -> memref<128xi32, #tpu.memory_space<vmem>>
        %dma_wait3A_243 = arith.constant 0 : i32
        %dma_wait3A_244 = arith.constant 0 : i32
        %dma_wait3A_245 = tpu.memref_slice %arg11[%dma_wait3A_243, %dma_wait3A_244] : memref<10240x128xf32, #tpu.memory_space<vmem_shared>> -> memref<10240x128xf32, #tpu.memory_space<vmem_shared>>
        tpu.wait_indirect_dma semaphore(%run_scoped3A_233 : memref<!tpu.dma_semaphore, #tpu.memory_space<semaphore_mem>>) src(%arg9 : memref<128x128xf32, #tpu.memory_space<vmem>>) dst(%dma_wait3A_245 : memref<10240x128xf32, #tpu.memory_space<vmem_shared>>)
        tpu.yield
      }) : () -> ()
      %add3A_218 = arith.constant 1 : i32
      %add3A_219 = arith.addi %add3A_108, %add3A_218 : i32
      %lt3A_220 = arith.constant 10 : i32
      %lt3A_221 = arith.cmpi slt, %add3A_219, %lt3A_220 : i32
      %convert_element_type3A_222 = arith.extui %lt3A_221 : i1 to i32
      %cond3A_223 = arith.constant 0 : i32
      %cond3A_224 = arith.cmpi ne, %convert_element_type3A_222, %cond3A_223 : i32
      scf.if %cond3A_224 {
        %add3A_233 = arith.constant 1 : i32
        %add3A_234 = arith.addi %add3A_108, %add3A_233 : i32
        %mul3A_235 = arith.constant 8 : i32
        %mul3A_236 = arith.muli %add3A_234, %mul3A_235 : i32
        %sub3A = arith.constant 1 : i32
        %sub3A_237 = arith.subi %sub3A, %rem3A_109 : i32
        %dma_wait3A_238 = arith.constant 0 : i32
        %dma_wait3A_239 = arith.constant 0 : i32
        %dma_wait3A_240 = tpu.memref_slice %arg7[%sub3A_237, %dma_wait3A_238, %dma_wait3A_239] : memref<2x8x128xi32, #tpu.memory_space<vmem>> -> memref<1x8x128xi32, #tpu.memory_space<vmem>>
        %dma_wait3A_241 = tpu.memref_squeeze %dma_wait3A_240 : memref<1x8x128xi32, #tpu.memory_space<vmem>> -> memref<8x128xi32, #tpu.memory_space<vmem>>
        %dma_wait3A_242 = arith.constant 0 : i32
        %dma_wait3A_243 = tpu.memref_slice %arg3[%add3A, %mul3A_236, %dma_wait3A_242] : memref<32x80x128xi32, #tpu.memory_space<hbm>> -> memref<1x8x128xi32, #tpu.memory_space<hbm>>
        %dma_wait3A_244 = tpu.memref_squeeze %dma_wait3A_243 : memref<1x8x128xi32, #tpu.memory_space<hbm>> -> memref<8x128xi32, #tpu.memory_space<hbm>>
        %dma_wait3A_245 = arith.constant 0 : i32
        %dma_wait3A_246 = arith.constant 0 : i32
        %dma_wait3A_247 = tpu.memref_slice %arg7[%sub3A_237, %dma_wait3A_245, %dma_wait3A_246] : memref<2x8x128xi32, #tpu.memory_space<vmem>> -> memref<1x8x128xi32, #tpu.memory_space<vmem>>
        %dma_wait3A_248 = tpu.memref_squeeze %dma_wait3A_247 : memref<1x8x128xi32, #tpu.memory_space<vmem>> -> memref<8x128xi32, #tpu.memory_space<vmem>>
        %dma_wait3A_249 = arith.constant 0 : i32
        %dma_wait3A_250 = tpu.memref_slice %arg3[%add3A, %mul3A_236, %dma_wait3A_249] : memref<32x80x128xi32, #tpu.memory_space<hbm>> -> memref<1x8x128xi32, #tpu.memory_space<hbm>>
        %dma_wait3A_251 = tpu.memref_squeeze %dma_wait3A_250 : memref<1x8x128xi32, #tpu.memory_space<hbm>> -> memref<8x128xi32, #tpu.memory_space<hbm>>
        tpu.wait_dma2 semaphore(%arg14 : memref<!tpu.dma_semaphore, #tpu.memory_space<semaphore_mem>>) src(%dma_wait3A_251 : memref<8x128xi32, #tpu.memory_space<hbm>>) dst(%dma_wait3A_248 : memref<8x128xi32, #tpu.memory_space<vmem>>)
        %add3A_252 = arith.constant 1 : i32
        %add3A_253 = arith.addi %add3A_108, %add3A_252 : i32
        %mul3A_254 = arith.constant 8 : i32
        %mul3A_255 = arith.muli %add3A_253, %mul3A_254 : i32
        %sub3A_256 = arith.constant 1 : i32
        %sub3A_257 = arith.subi %sub3A_256, %rem3A_109 : i32
        %dma_wait3A_258 = arith.constant 0 : i32
        %dma_wait3A_259 = arith.constant 0 : i32
        %dma_wait3A_260 = tpu.memref_slice %arg8[%sub3A_257, %dma_wait3A_258, %dma_wait3A_259] : memref<2x8x128xi32, #tpu.memory_space<vmem>> -> memref<1x8x128xi32, #tpu.memory_space<vmem>>
        %dma_wait3A_261 = tpu.memref_squeeze %dma_wait3A_260 : memref<1x8x128xi32, #tpu.memory_space<vmem>> -> memref<8x128xi32, #tpu.memory_space<vmem>>
        %dma_wait3A_262 = arith.constant 0 : i32
        %dma_wait3A_263 = tpu.memref_slice %arg4[%add3A, %mul3A_255, %dma_wait3A_262] : memref<32x80x128xi32, #tpu.memory_space<hbm>> -> memref<1x8x128xi32, #tpu.memory_space<hbm>>
        %dma_wait3A_264 = tpu.memref_squeeze %dma_wait3A_263 : memref<1x8x128xi32, #tpu.memory_space<hbm>> -> memref<8x128xi32, #tpu.memory_space<hbm>>
        %dma_wait3A_265 = arith.constant 0 : i32
        %dma_wait3A_266 = arith.constant 0 : i32
        %dma_wait3A_267 = tpu.memref_slice %arg8[%sub3A_257, %dma_wait3A_265, %dma_wait3A_266] : memref<2x8x128xi32, #tpu.memory_space<vmem>> -> memref<1x8x128xi32, #tpu.memory_space<vmem>>
        %dma_wait3A_268 = tpu.memref_squeeze %dma_wait3A_267 : memref<1x8x128xi32, #tpu.memory_space<vmem>> -> memref<8x128xi32, #tpu.memory_space<vmem>>
        %dma_wait3A_269 = arith.constant 0 : i32
        %dma_wait3A_270 = tpu.memref_slice %arg4[%add3A, %mul3A_255, %dma_wait3A_269] : memref<32x80x128xi32, #tpu.memory_space<hbm>> -> memref<1x8x128xi32, #tpu.memory_space<hbm>>
        %dma_wait3A_271 = tpu.memref_squeeze %dma_wait3A_270 : memref<1x8x128xi32, #tpu.memory_space<hbm>> -> memref<8x128xi32, #tpu.memory_space<hbm>>
        tpu.wait_dma2 semaphore(%arg15 : memref<!tpu.dma_semaphore, #tpu.memory_space<semaphore_mem>>) src(%dma_wait3A_271 : memref<8x128xi32, #tpu.memory_space<hbm>>) dst(%dma_wait3A_268 : memref<8x128xi32, #tpu.memory_space<vmem>>)
        %sub3A_272 = arith.constant 1 : i32
        %sub3A_273 = arith.subi %sub3A_272, %rem3A_109 : i32
        %dma_start3A_274 = arith.constant 0 : i32
        %dma_start3A_275 = arith.constant 0 : i32
        %dma_start3A_276 = tpu.memref_slice %arg7[%sub3A_273, %dma_start3A_274, %dma_start3A_275] : memref<2x8x128xi32, #tpu.memory_space<vmem>> -> memref<1x1x128xi32, #tpu.memory_space<vmem>>
        %dma_start3A_277 = tpu.memref_squeeze %dma_start3A_276 : memref<1x1x128xi32, #tpu.memory_space<vmem>> -> memref<128xi32, #tpu.memory_space<vmem>>
        %dma_start3A_278 = arith.constant 0 : i32
        %dma_start3A_279 = arith.constant 0 : i32
        %dma_start3A_280 = tpu.memref_slice %arg2[%dma_start3A_278, %dma_start3A_279] : memref<10000x128xf32, #tpu.memory_space<hbm>> -> memref<10000x128xf32, #tpu.memory_space<hbm>>
        tpu.enqueue_indirect_dma source(%dma_start3A_280 : memref<10000x128xf32, #tpu.memory_space<hbm>>) target(%arg9 : memref<128x128xf32, #tpu.memory_space<vmem>>) offsets(%dma_start3A_277 : memref<128xi32, #tpu.memory_space<vmem>>) semaphore(%arg12 : memref<!tpu.dma_semaphore, #tpu.memory_space<semaphore_mem>>)
      } else {
      }
      %dma_wait3A_225 = arith.constant 7 : i32
      %dma_wait3A_226 = arith.constant 0 : i32
      %dma_wait3A_227 = tpu.memref_slice %arg7[%rem3A_109, %dma_wait3A_225, %dma_wait3A_226] : memref<2x8x128xi32, #tpu.memory_space<vmem>> -> memref<1x1x128xi32, #tpu.memory_space<vmem>>
      %dma_wait3A_228 = tpu.memref_squeeze %dma_wait3A_227 : memref<1x1x128xi32, #tpu.memory_space<vmem>> -> memref<128xi32, #tpu.memory_space<vmem>>
      %dma_wait3A_229 = arith.constant 0 : i32
      %dma_wait3A_230 = arith.constant 0 : i32
      %dma_wait3A_231 = tpu.memref_slice %arg2[%dma_wait3A_229, %dma_wait3A_230] : memref<10000x128xf32, #tpu.memory_space<hbm>> -> memref<10000x128xf32, #tpu.memory_space<hbm>>
      tpu.wait_indirect_dma semaphore(%arg13 : memref<!tpu.dma_semaphore, #tpu.memory_space<semaphore_mem>>) src(%dma_wait3A_231 : memref<10000x128xf32, #tpu.memory_space<hbm>>) dst(%arg10 : memref<128x128xf32, #tpu.memory_space<vmem>>)
      %run_scoped3A_232 = arith.constant 7 : i32
      "tpu.region"() ({
        %run_scoped3A_233 = tpu.sem_alloc : memref<!tpu.dma_semaphore, #tpu.memory_space<semaphore_mem>>
        %dma_start3A_234 = arith.constant 0 : i32
        %dma_start3A_235 = tpu.memref_slice %arg8[%rem3A_109, %run_scoped3A_232, %dma_start3A_234] : memref<2x8x128xi32, #tpu.memory_space<vmem>> -> memref<1x1x128xi32, #tpu.memory_space<vmem>>
        %dma_start3A_236 = tpu.memref_squeeze %dma_start3A_235 : memref<1x1x128xi32, #tpu.memory_space<vmem>> -> memref<128xi32, #tpu.memory_space<vmem>>
        %dma_start3A_237 = arith.constant 0 : i32
        %dma_start3A_238 = arith.constant 0 : i32
        %dma_start3A_239 = tpu.memref_slice %arg11[%dma_start3A_237, %dma_start3A_238] : memref<10240x128xf32, #tpu.memory_space<vmem_shared>> -> memref<10240x128xf32, #tpu.memory_space<vmem_shared>>
        tpu.enqueue_indirect_dma source(%arg10 : memref<128x128xf32, #tpu.memory_space<vmem>>) target(%dma_start3A_239 : memref<10240x128xf32, #tpu.memory_space<vmem_shared>>) offsets(%dma_start3A_236 : memref<128xi32, #tpu.memory_space<vmem>>) semaphore(%run_scoped3A_233 : memref<!tpu.dma_semaphore, #tpu.memory_space<semaphore_mem>>) {add = true}
        %dma_wait3A_240 = arith.constant 0 : i32
        %dma_wait3A_241 = tpu.memref_slice %arg8[%rem3A_109, %run_scoped3A_232, %dma_wait3A_240] : memref<2x8x128xi32, #tpu.memory_space<vmem>> -> memref<1x1x128xi32, #tpu.memory_space<vmem>>
        %dma_wait3A_242 = tpu.memref_squeeze %dma_wait3A_241 : memref<1x1x128xi32, #tpu.memory_space<vmem>> -> memref<128xi32, #tpu.memory_space<vmem>>
        %dma_wait3A_243 = arith.constant 0 : i32
        %dma_wait3A_244 = arith.constant 0 : i32
        %dma_wait3A_245 = tpu.memref_slice %arg11[%dma_wait3A_243, %dma_wait3A_244] : memref<10240x128xf32, #tpu.memory_space<vmem_shared>> -> memref<10240x128xf32, #tpu.memory_space<vmem_shared>>
        tpu.wait_indirect_dma semaphore(%run_scoped3A_233 : memref<!tpu.dma_semaphore, #tpu.memory_space<semaphore_mem>>) src(%arg10 : memref<128x128xf32, #tpu.memory_space<vmem>>) dst(%dma_wait3A_245 : memref<10240x128xf32, #tpu.memory_space<vmem_shared>>)
        tpu.yield
      }) : () -> ()
    }
    %scan3A_98 = arith.constant 10 : i32
    %barrier3A_99 = arith.constant 0 : index
    tpu.barrier barrier_id(%barrier3A_99)
    %mul3A_100 = arith.constant 640 : i32
    %mul3A_101 = arith.muli %arg1, %mul3A_100 : i32
    %mul3A_102 = arith.constant 640 : i32
    %mul3A_103 = arith.muli %arg1, %mul3A_102 : i32
    "tpu.region"() ({
      %run_scoped3A = tpu.sem_alloc : memref<!tpu.dma_semaphore, #tpu.memory_space<semaphore_mem>>
      %dma_start3A_104 = arith.constant 0 : i32
      %dma_start3A_105 = tpu.memref_slice %arg6[%arg0, %mul3A_103, %dma_start3A_104] : memref<2x10240x128xf32, #tpu.memory_space<hbm>> -> memref<1x640x128xf32, #tpu.memory_space<hbm>>
      %dma_start3A_106 = tpu.memref_squeeze %dma_start3A_105 : memref<1x640x128xf32, #tpu.memory_space<hbm>> -> memref<640x128xf32, #tpu.memory_space<hbm>>
      %dma_start3A_107 = arith.constant 0 : i32
      %dma_start3A_108 = tpu.memref_slice %arg11[%mul3A_101, %dma_start3A_107] : memref<10240x128xf32, #tpu.memory_space<vmem_shared>> -> memref<640x128xf32, #tpu.memory_space<vmem_shared>>
      tpu.enqueue_dma source(%dma_start3A_108 : memref<640x128xf32, #tpu.memory_space<vmem_shared>>) target(%dma_start3A_106 : memref<640x128xf32, #tpu.memory_space<hbm>>) target_semaphore(%run_scoped3A : memref<!tpu.dma_semaphore, #tpu.memory_space<semaphore_mem>>)
      %dma_wait3A_109 = arith.constant 0 : i32
      %dma_wait3A_110 = tpu.memref_slice %arg6[%arg0, %mul3A_103, %dma_wait3A_109] : memref<2x10240x128xf32, #tpu.memory_space<hbm>> -> memref<1x640x128xf32, #tpu.memory_space<hbm>>
      %dma_wait3A_111 = tpu.memref_squeeze %dma_wait3A_110 : memref<1x640x128xf32, #tpu.memory_space<hbm>> -> memref<640x128xf32, #tpu.memory_space<hbm>>
      %dma_wait3A_112 = arith.constant 0 : i32
      %dma_wait3A_113 = tpu.memref_slice %arg11[%mul3A_101, %dma_wait3A_112] : memref<10240x128xf32, #tpu.memory_space<vmem_shared>> -> memref<640x128xf32, #tpu.memory_space<vmem_shared>>
      tpu.wait_dma2 semaphore(%run_scoped3A : memref<!tpu.dma_semaphore, #tpu.memory_space<semaphore_mem>>) src(%dma_wait3A_113 : memref<640x128xf32, #tpu.memory_space<vmem_shared>>) dst(%dma_wait3A_111 : memref<640x128xf32, #tpu.memory_space<hbm>>)
      tpu.yield
    }) : () -> ()
    return
  }
}

#map = affine_map<(d0, d1) -> (0, 0)>
#map1 = affine_map<(d0, d1) -> (0, 0, 0)>
module attributes {stable_mosaic.version = 14 : i64} {
  func.func @k(%arg0: i32, %arg1: i32, %arg2: memref<10000x128xf32, #tpu.memory_space<hbm>>, %arg3: memref<32x80x128xi32, #tpu.memory_space<hbm>>, %arg4: memref<32x80x128xi32, #tpu.memory_space<hbm>>, %arg5: memref<128x128xf32, #tpu.memory_space<hbm>>, %arg6: memref<2x10240x128xf32, #tpu.memory_space<hbm>>, %arg7: memref<2x8x128xi32, #tpu.memory_space<vmem>>, %arg8: memref<2x8x128xi32, #tpu.memory_space<vmem>>, %arg9: memref<128x128xf32, #tpu.memory_space<vmem>>, %arg10: memref<128x128xf32, #tpu.memory_space<vmem>>, %arg11: memref<10240x128xf32, #tpu.memory_space<vmem_shared>>, %arg12: memref<!tpu.dma_semaphore, #tpu.memory_space<semaphore_mem>>, %arg13: memref<!tpu.dma_semaphore, #tpu.memory_space<semaphore_mem>>, %arg14: memref<!tpu.dma_semaphore, #tpu.memory_space<semaphore_mem>>, %arg15: memref<!tpu.dma_semaphore, #tpu.memory_space<semaphore_mem>>) attributes {dimension_semantics = [#tpu.dimension_semantics<core_parallel>, #tpu.dimension_semantics<subcore_parallel>], iteration_bounds = array<i64: 2, 16>, scalar_prefetch = 0 : i64, scratch_operands = 9 : i64, tpu.core_type = #tpu.core_type<sc_vector_subcore>, window_params = [{transform_indices = #map}, {transform_indices = #map1}, {transform_indices = #map1}, {transform_indices = #map}, {transform_indices = #map1}]} {
    %mul3A = arith.constant 2 : i32
    %mul3A_0 = arith.muli %arg1, %mul3A : i32
    %add3A = arith.addi %mul3A_0, %arg0 : i32
    %dma_start3A = arith.constant 0 : i32
    %dma_start3A_1 = arith.constant 0 : i32
    %dma_start3A_2 = arith.constant 0 : i32
    %dma_start3A_3 = tpu.memref_slice %arg7[%dma_start3A, %dma_start3A_1, %dma_start3A_2] : memref<2x8x128xi32, #tpu.memory_space<vmem>> -> memref<1x8x128xi32, #tpu.memory_space<vmem>>
    %dma_start3A_4 = tpu.memref_squeeze %dma_start3A_3 : memref<1x8x128xi32, #tpu.memory_space<vmem>> -> memref<8x128xi32, #tpu.memory_space<vmem>>
    %dma_start3A_5 = arith.constant 0 : i32
    %dma_start3A_6 = arith.constant 0 : i32
    %dma_start3A_7 = tpu.memref_slice %arg3[%add3A, %dma_start3A_5, %dma_start3A_6] : memref<32x80x128xi32, #tpu.memory_space<hbm>> -> memref<1x8x128xi32, #tpu.memory_space<hbm>>
    %dma_start3A_8 = tpu.memref_squeeze %dma_start3A_7 : memref<1x8x128xi32, #tpu.memory_space<hbm>> -> memref<8x128xi32, #tpu.memory_space<hbm>>
    %dma_start3A_9 = arith.constant 0 : i32
    %dma_start3A_10 = arith.constant 0 : i32
    %dma_start3A_11 = tpu.memref_slice %arg7[%dma_start3A, %dma_start3A_9, %dma_start3A_10] : memref<2x8x128xi32, #tpu.memory_space<vmem>> -> memref<1x8x128xi32, #tpu.memory_space<vmem>>
    %dma_start3A_12 = tpu.memref_squeeze %dma_start3A_11 : memref<1x8x128xi32, #tpu.memory_space<vmem>> -> memref<8x128xi32, #tpu.memory_space<vmem>>
    %dma_start3A_13 = arith.constant 0 : i32
    %dma_start3A_14 = arith.constant 0 : i32
    %dma_start3A_15 = tpu.memref_slice %arg3[%add3A, %dma_start3A_13, %dma_start3A_14] : memref<32x80x128xi32, #tpu.memory_space<hbm>> -> memref<1x8x128xi32, #tpu.memory_space<hbm>>
    %dma_start3A_16 = tpu.memref_squeeze %dma_start3A_15 : memref<1x8x128xi32, #tpu.memory_space<hbm>> -> memref<8x128xi32, #tpu.memory_space<hbm>>
    tpu.enqueue_dma source(%dma_start3A_16 : memref<8x128xi32, #tpu.memory_space<hbm>>) target(%dma_start3A_12 : memref<8x128xi32, #tpu.memory_space<vmem>>) target_semaphore(%arg14 : memref<!tpu.dma_semaphore, #tpu.memory_space<semaphore_mem>>)
    %dma_start3A_17 = arith.constant 0 : i32
    %dma_start3A_18 = arith.constant 0 : i32
    %dma_start3A_19 = arith.constant 0 : i32
    %dma_start3A_20 = tpu.memref_slice %arg8[%dma_start3A_17, %dma_start3A_18, %dma_start3A_19] : memref<2x8x128xi32, #tpu.memory_space<vmem>> -> memref<1x8x128xi32, #tpu.memory_space<vmem>>
    %dma_start3A_21 = tpu.memref_squeeze %dma_start3A_20 : memref<1x8x128xi32, #tpu.memory_space<vmem>> -> memref<8x128xi32, #tpu.memory_space<vmem>>
    %dma_start3A_22 = arith.constant 0 : i32
    %dma_start3A_23 = arith.constant 0 : i32
    %dma_start3A_24 = tpu.memref_slice %arg4[%add3A, %dma_start3A_22, %dma_start3A_23] : memref<32x80x128xi32, #tpu.memory_space<hbm>> -> memref<1x8x128xi32, #tpu.memory_space<hbm>>
    %dma_start3A_25 = tpu.memref_squeeze %dma_start3A_24 : memref<1x8x128xi32, #tpu.memory_space<hbm>> -> memref<8x128xi32, #tpu.memory_space<hbm>>
    %dma_start3A_26 = arith.constant 0 : i32
    %dma_start3A_27 = arith.constant 0 : i32
    %dma_start3A_28 = tpu.memref_slice %arg8[%dma_start3A_17, %dma_start3A_26, %dma_start3A_27] : memref<2x8x128xi32, #tpu.memory_space<vmem>> -> memref<1x8x128xi32, #tpu.memory_space<vmem>>
    %dma_start3A_29 = tpu.memref_squeeze %dma_start3A_28 : memref<1x8x128xi32, #tpu.memory_space<vmem>> -> memref<8x128xi32, #tpu.memory_space<vmem>>
    %dma_start3A_30 = arith.constant 0 : i32
    %dma_start3A_31 = arith.constant 0 : i32
    %dma_start3A_32 = tpu.memref_slice %arg4[%add3A, %dma_start3A_30, %dma_start3A_31] : memref<32x80x128xi32, #tpu.memory_space<hbm>> -> memref<1x8x128xi32, #tpu.memory_space<hbm>>
    %dma_start3A_33 = tpu.memref_squeeze %dma_start3A_32 : memref<1x8x128xi32, #tpu.memory_space<hbm>> -> memref<8x128xi32, #tpu.memory_space<hbm>>
    tpu.enqueue_dma source(%dma_start3A_33 : memref<8x128xi32, #tpu.memory_space<hbm>>) target(%dma_start3A_29 : memref<8x128xi32, #tpu.memory_space<vmem>>) target_semaphore(%arg15 : memref<!tpu.dma_semaphore, #tpu.memory_space<semaphore_mem>>)
    "tpu.region"() ({
      %run_scoped3A = tpu.sem_alloc : memref<!tpu.dma_semaphore, #tpu.memory_space<semaphore_mem>>
      tpu.enqueue_dma source(%arg5 : memref<128x128xf32, #tpu.memory_space<hbm>>) target(%arg9 : memref<128x128xf32, #tpu.memory_space<vmem>>) target_semaphore(%run_scoped3A : memref<!tpu.dma_semaphore, #tpu.memory_space<semaphore_mem>>)
      tpu.wait_dma2 semaphore(%run_scoped3A : memref<!tpu.dma_semaphore, #tpu.memory_space<semaphore_mem>>) src(%arg5 : memref<128x128xf32, #tpu.memory_space<hbm>>) dst(%arg9 : memref<128x128xf32, #tpu.memory_space<vmem>>)
      tpu.yield
    }) : () -> ()
    %mul3A_34 = arith.constant 640 : i32
    %mul3A_35 = arith.muli %arg1, %mul3A_34 : i32
    %add3A_36 = arith.constant 0 : i32
    %add3A_37 = arith.addi %mul3A_35, %add3A_36 : i32
    "tpu.region"() ({
      %run_scoped3A = tpu.sem_alloc : memref<!tpu.dma_semaphore, #tpu.memory_space<semaphore_mem>>
      %dma_start3A_104 = arith.constant 0 : i32
      %dma_start3A_105 = tpu.memref_slice %arg11[%add3A_37, %dma_start3A_104] : memref<10240x128xf32, #tpu.memory_space<vmem_shared>> -> memref<128x128xf32, #tpu.memory_space<vmem_shared>>
      %dma_start3A_106 = arith.constant 0 : i32
      %dma_start3A_107 = tpu.memref_slice %arg11[%add3A_37, %dma_start3A_106] : memref<10240x128xf32, #tpu.memory_space<vmem_shared>> -> memref<128x128xf32, #tpu.memory_space<vmem_shared>>
      tpu.enqueue_dma source(%arg9 : memref<128x128xf32, #tpu.memory_space<vmem>>) target(%dma_start3A_107 : memref<128x128xf32, #tpu.memory_space<vmem_shared>>) target_semaphore(%run_scoped3A : memref<!tpu.dma_semaphore, #tpu.memory_space<semaphore_mem>>)
      %dma_wait3A_108 = arith.constant 0 : i32
      %dma_wait3A_109 = tpu.memref_slice %arg11[%add3A_37, %dma_wait3A_108] : memref<10240x128xf32, #tpu.memory_space<vmem_shared>> -> memref<128x128xf32, #tpu.memory_space<vmem_shared>>
      %dma_wait3A_110 = arith.constant 0 : i32
      %dma_wait3A_111 = tpu.memref_slice %arg11[%add3A_37, %dma_wait3A_110] : memref<10240x128xf32, #tpu.memory_space<vmem_shared>> -> memref<128x128xf32, #tpu.memory_space<vmem_shared>>
      tpu.wait_dma2 semaphore(%run_scoped3A : memref<!tpu.dma_semaphore, #tpu.memory_space<semaphore_mem>>) src(%arg9 : memref<128x128xf32, #tpu.memory_space<vmem>>) dst(%dma_wait3A_111 : memref<128x128xf32, #tpu.memory_space<vmem_shared>>)
      tpu.yield
    }) : () -> ()
    %mul3A_38 = arith.constant 640 : i32
    %mul3A_39 = arith.muli %arg1, %mul3A_38 : i32
    %add3A_40 = arith.constant 128 : i32
    %add3A_41 = arith.addi %mul3A_39, %add3A_40 : i32
    "tpu.region"() ({
      %run_scoped3A = tpu.sem_alloc : memref<!tpu.dma_semaphore, #tpu.memory_space<semaphore_mem>>
      %dma_start3A_104 = arith.constant 0 : i32
      %dma_start3A_105 = tpu.memref_slice %arg11[%add3A_41, %dma_start3A_104] : memref<10240x128xf32, #tpu.memory_space<vmem_shared>> -> memref<128x128xf32, #tpu.memory_space<vmem_shared>>
      %dma_start3A_106 = arith.constant 0 : i32
      %dma_start3A_107 = tpu.memref_slice %arg11[%add3A_41, %dma_start3A_106] : memref<10240x128xf32, #tpu.memory_space<vmem_shared>> -> memref<128x128xf32, #tpu.memory_space<vmem_shared>>
      tpu.enqueue_dma source(%arg9 : memref<128x128xf32, #tpu.memory_space<vmem>>) target(%dma_start3A_107 : memref<128x128xf32, #tpu.memory_space<vmem_shared>>) target_semaphore(%run_scoped3A : memref<!tpu.dma_semaphore, #tpu.memory_space<semaphore_mem>>)
      %dma_wait3A_108 = arith.constant 0 : i32
      %dma_wait3A_109 = tpu.memref_slice %arg11[%add3A_41, %dma_wait3A_108] : memref<10240x128xf32, #tpu.memory_space<vmem_shared>> -> memref<128x128xf32, #tpu.memory_space<vmem_shared>>
      %dma_wait3A_110 = arith.constant 0 : i32
      %dma_wait3A_111 = tpu.memref_slice %arg11[%add3A_41, %dma_wait3A_110] : memref<10240x128xf32, #tpu.memory_space<vmem_shared>> -> memref<128x128xf32, #tpu.memory_space<vmem_shared>>
      tpu.wait_dma2 semaphore(%run_scoped3A : memref<!tpu.dma_semaphore, #tpu.memory_space<semaphore_mem>>) src(%arg9 : memref<128x128xf32, #tpu.memory_space<vmem>>) dst(%dma_wait3A_111 : memref<128x128xf32, #tpu.memory_space<vmem_shared>>)
      tpu.yield
    }) : () -> ()
    %mul3A_42 = arith.constant 640 : i32
    %mul3A_43 = arith.muli %arg1, %mul3A_42 : i32
    %add3A_44 = arith.constant 256 : i32
    %add3A_45 = arith.addi %mul3A_43, %add3A_44 : i32
    "tpu.region"() ({
      %run_scoped3A = tpu.sem_alloc : memref<!tpu.dma_semaphore, #tpu.memory_space<semaphore_mem>>
      %dma_start3A_104 = arith.constant 0 : i32
      %dma_start3A_105 = tpu.memref_slice %arg11[%add3A_45, %dma_start3A_104] : memref<10240x128xf32, #tpu.memory_space<vmem_shared>> -> memref<128x128xf32, #tpu.memory_space<vmem_shared>>
      %dma_start3A_106 = arith.constant 0 : i32
      %dma_start3A_107 = tpu.memref_slice %arg11[%add3A_45, %dma_start3A_106] : memref<10240x128xf32, #tpu.memory_space<vmem_shared>> -> memref<128x128xf32, #tpu.memory_space<vmem_shared>>
      tpu.enqueue_dma source(%arg9 : memref<128x128xf32, #tpu.memory_space<vmem>>) target(%dma_start3A_107 : memref<128x128xf32, #tpu.memory_space<vmem_shared>>) target_semaphore(%run_scoped3A : memref<!tpu.dma_semaphore, #tpu.memory_space<semaphore_mem>>)
      %dma_wait3A_108 = arith.constant 0 : i32
      %dma_wait3A_109 = tpu.memref_slice %arg11[%add3A_45, %dma_wait3A_108] : memref<10240x128xf32, #tpu.memory_space<vmem_shared>> -> memref<128x128xf32, #tpu.memory_space<vmem_shared>>
      %dma_wait3A_110 = arith.constant 0 : i32
      %dma_wait3A_111 = tpu.memref_slice %arg11[%add3A_45, %dma_wait3A_110] : memref<10240x128xf32, #tpu.memory_space<vmem_shared>> -> memref<128x128xf32, #tpu.memory_space<vmem_shared>>
      tpu.wait_dma2 semaphore(%run_scoped3A : memref<!tpu.dma_semaphore, #tpu.memory_space<semaphore_mem>>) src(%arg9 : memref<128x128xf32, #tpu.memory_space<vmem>>) dst(%dma_wait3A_111 : memref<128x128xf32, #tpu.memory_space<vmem_shared>>)
      tpu.yield
    }) : () -> ()
    %mul3A_46 = arith.constant 640 : i32
    %mul3A_47 = arith.muli %arg1, %mul3A_46 : i32
    %add3A_48 = arith.constant 384 : i32
    %add3A_49 = arith.addi %mul3A_47, %add3A_48 : i32
    "tpu.region"() ({
      %run_scoped3A = tpu.sem_alloc : memref<!tpu.dma_semaphore, #tpu.memory_space<semaphore_mem>>
      %dma_start3A_104 = arith.constant 0 : i32
      %dma_start3A_105 = tpu.memref_slice %arg11[%add3A_49, %dma_start3A_104] : memref<10240x128xf32, #tpu.memory_space<vmem_shared>> -> memref<128x128xf32, #tpu.memory_space<vmem_shared>>
      %dma_start3A_106 = arith.constant 0 : i32
      %dma_start3A_107 = tpu.memref_slice %arg11[%add3A_49, %dma_start3A_106] : memref<10240x128xf32, #tpu.memory_space<vmem_shared>> -> memref<128x128xf32, #tpu.memory_space<vmem_shared>>
      tpu.enqueue_dma source(%arg9 : memref<128x128xf32, #tpu.memory_space<vmem>>) target(%dma_start3A_107 : memref<128x128xf32, #tpu.memory_space<vmem_shared>>) target_semaphore(%run_scoped3A : memref<!tpu.dma_semaphore, #tpu.memory_space<semaphore_mem>>)
      %dma_wait3A_108 = arith.constant 0 : i32
      %dma_wait3A_109 = tpu.memref_slice %arg11[%add3A_49, %dma_wait3A_108] : memref<10240x128xf32, #tpu.memory_space<vmem_shared>> -> memref<128x128xf32, #tpu.memory_space<vmem_shared>>
      %dma_wait3A_110 = arith.constant 0 : i32
      %dma_wait3A_111 = tpu.memref_slice %arg11[%add3A_49, %dma_wait3A_110] : memref<10240x128xf32, #tpu.memory_space<vmem_shared>> -> memref<128x128xf32, #tpu.memory_space<vmem_shared>>
      tpu.wait_dma2 semaphore(%run_scoped3A : memref<!tpu.dma_semaphore, #tpu.memory_space<semaphore_mem>>) src(%arg9 : memref<128x128xf32, #tpu.memory_space<vmem>>) dst(%dma_wait3A_111 : memref<128x128xf32, #tpu.memory_space<vmem_shared>>)
      tpu.yield
    }) : () -> ()
    %mul3A_50 = arith.constant 640 : i32
    %mul3A_51 = arith.muli %arg1, %mul3A_50 : i32
    %add3A_52 = arith.constant 512 : i32
    %add3A_53 = arith.addi %mul3A_51, %add3A_52 : i32
    "tpu.region"() ({
      %run_scoped3A = tpu.sem_alloc : memref<!tpu.dma_semaphore, #tpu.memory_space<semaphore_mem>>
      %dma_start3A_104 = arith.constant 0 : i32
      %dma_start3A_105 = tpu.memref_slice %arg11[%add3A_53, %dma_start3A_104] : memref<10240x128xf32, #tpu.memory_space<vmem_shared>> -> memref<128x128xf32, #tpu.memory_space<vmem_shared>>
      %dma_start3A_106 = arith.constant 0 : i32
      %dma_start3A_107 = tpu.memref_slice %arg11[%add3A_53, %dma_start3A_106] : memref<10240x128xf32, #tpu.memory_space<vmem_shared>> -> memref<128x128xf32, #tpu.memory_space<vmem_shared>>
      tpu.enqueue_dma source(%arg9 : memref<128x128xf32, #tpu.memory_space<vmem>>) target(%dma_start3A_107 : memref<128x128xf32, #tpu.memory_space<vmem_shared>>) target_semaphore(%run_scoped3A : memref<!tpu.dma_semaphore, #tpu.memory_space<semaphore_mem>>)
      %dma_wait3A_108 = arith.constant 0 : i32
      %dma_wait3A_109 = tpu.memref_slice %arg11[%add3A_53, %dma_wait3A_108] : memref<10240x128xf32, #tpu.memory_space<vmem_shared>> -> memref<128x128xf32, #tpu.memory_space<vmem_shared>>
      %dma_wait3A_110 = arith.constant 0 : i32
      %dma_wait3A_111 = tpu.memref_slice %arg11[%add3A_53, %dma_wait3A_110] : memref<10240x128xf32, #tpu.memory_space<vmem_shared>> -> memref<128x128xf32, #tpu.memory_space<vmem_shared>>
      tpu.wait_dma2 semaphore(%run_scoped3A : memref<!tpu.dma_semaphore, #tpu.memory_space<semaphore_mem>>) src(%arg9 : memref<128x128xf32, #tpu.memory_space<vmem>>) dst(%dma_wait3A_111 : memref<128x128xf32, #tpu.memory_space<vmem_shared>>)
      tpu.yield
    }) : () -> ()
    %barrier3A = arith.constant 0 : index
    tpu.barrier barrier_id(%barrier3A)
    %dma_wait3A = arith.constant 0 : i32
    %dma_wait3A_54 = arith.constant 0 : i32
    %dma_wait3A_55 = arith.constant 0 : i32
    %dma_wait3A_56 = tpu.memref_slice %arg7[%dma_wait3A, %dma_wait3A_54, %dma_wait3A_55] : memref<2x8x128xi32, #tpu.memory_space<vmem>> -> memref<1x8x128xi32, #tpu.memory_space<vmem>>
    %dma_wait3A_57 = tpu.memref_squeeze %dma_wait3A_56 : memref<1x8x128xi32, #tpu.memory_space<vmem>> -> memref<8x128xi32, #tpu.memory_space<vmem>>
    %dma_wait3A_58 = arith.constant 0 : i32
    %dma_wait3A_59 = arith.constant 0 : i32
    %dma_wait3A_60 = tpu.memref_slice %arg3[%add3A, %dma_wait3A_58, %dma_wait3A_59] : memref<32x80x128xi32, #tpu.memory_space<hbm>> -> memref<1x8x128xi32, #tpu.memory_space<hbm>>
    %dma_wait3A_61 = tpu.memref_squeeze %dma_wait3A_60 : memref<1x8x128xi32, #tpu.memory_space<hbm>> -> memref<8x128xi32, #tpu.memory_space<hbm>>
    %dma_wait3A_62 = arith.constant 0 : i32
    %dma_wait3A_63 = arith.constant 0 : i32
    %dma_wait3A_64 = tpu.memref_slice %arg7[%dma_wait3A, %dma_wait3A_62, %dma_wait3A_63] : memref<2x8x128xi32, #tpu.memory_space<vmem>> -> memref<1x8x128xi32, #tpu.memory_space<vmem>>
    %dma_wait3A_65 = tpu.memref_squeeze %dma_wait3A_64 : memref<1x8x128xi32, #tpu.memory_space<vmem>> -> memref<8x128xi32, #tpu.memory_space<vmem>>
    %dma_wait3A_66 = arith.constant 0 : i32
    %dma_wait3A_67 = arith.constant 0 : i32
    %dma_wait3A_68 = tpu.memref_slice %arg3[%add3A, %dma_wait3A_66, %dma_wait3A_67] : memref<32x80x128xi32, #tpu.memory_space<hbm>> -> memref<1x8x128xi32, #tpu.memory_space<hbm>>
    %dma_wait3A_69 = tpu.memref_squeeze %dma_wait3A_68 : memref<1x8x128xi32, #tpu.memory_space<hbm>> -> memref<8x128xi32, #tpu.memory_space<hbm>>
    tpu.wait_dma2 semaphore(%arg14 : memref<!tpu.dma_semaphore, #tpu.memory_space<semaphore_mem>>) src(%dma_wait3A_69 : memref<8x128xi32, #tpu.memory_space<hbm>>) dst(%dma_wait3A_65 : memref<8x128xi32, #tpu.memory_space<vmem>>)
    %dma_wait3A_70 = arith.constant 0 : i32
    %dma_wait3A_71 = arith.constant 0 : i32
    %dma_wait3A_72 = arith.constant 0 : i32
    %dma_wait3A_73 = tpu.memref_slice %arg8[%dma_wait3A_70, %dma_wait3A_71, %dma_wait3A_72] : memref<2x8x128xi32, #tpu.memory_space<vmem>> -> memref<1x8x128xi32, #tpu.memory_space<vmem>>
    %dma_wait3A_74 = tpu.memref_squeeze %dma_wait3A_73 : memref<1x8x128xi32, #tpu.memory_space<vmem>> -> memref<8x128xi32, #tpu.memory_space<vmem>>
    %dma_wait3A_75 = arith.constant 0 : i32
    %dma_wait3A_76 = arith.constant 0 : i32
    %dma_wait3A_77 = tpu.memref_slice %arg4[%add3A, %dma_wait3A_75, %dma_wait3A_76] : memref<32x80x128xi32, #tpu.memory_space<hbm>> -> memref<1x8x128xi32, #tpu.memory_space<hbm>>
    %dma_wait3A_78 = tpu.memref_squeeze %dma_wait3A_77 : memref<1x8x128xi32, #tpu.memory_space<hbm>> -> memref<8x128xi32, #tpu.memory_space<hbm>>
    %dma_wait3A_79 = arith.constant 0 : i32
    %dma_wait3A_80 = arith.constant 0 : i32
    %dma_wait3A_81 = tpu.memref_slice %arg8[%dma_wait3A_70, %dma_wait3A_79, %dma_wait3A_80] : memref<2x8x128xi32, #tpu.memory_space<vmem>> -> memref<1x8x128xi32, #tpu.memory_space<vmem>>
    %dma_wait3A_82 = tpu.memref_squeeze %dma_wait3A_81 : memref<1x8x128xi32, #tpu.memory_space<vmem>> -> memref<8x128xi32, #tpu.memory_space<vmem>>
    %dma_wait3A_83 = arith.constant 0 : i32
    %dma_wait3A_84 = arith.constant 0 : i32
    %dma_wait3A_85 = tpu.memref_slice %arg4[%add3A, %dma_wait3A_83, %dma_wait3A_84] : memref<32x80x128xi32, #tpu.memory_space<hbm>> -> memref<1x8x128xi32, #tpu.memory_space<hbm>>
    %dma_wait3A_86 = tpu.memref_squeeze %dma_wait3A_85 : memref<1x8x128xi32, #tpu.memory_space<hbm>> -> memref<8x128xi32, #tpu.memory_space<hbm>>
    tpu.wait_dma2 semaphore(%arg15 : memref<!tpu.dma_semaphore, #tpu.memory_space<semaphore_mem>>) src(%dma_wait3A_86 : memref<8x128xi32, #tpu.memory_space<hbm>>) dst(%dma_wait3A_82 : memref<8x128xi32, #tpu.memory_space<vmem>>)
    %dma_start3A_87 = arith.constant 0 : i32
    %dma_start3A_88 = arith.constant 0 : i32
    %dma_start3A_89 = arith.constant 0 : i32
    %dma_start3A_90 = tpu.memref_slice %arg7[%dma_start3A_87, %dma_start3A_88, %dma_start3A_89] : memref<2x8x128xi32, #tpu.memory_space<vmem>> -> memref<1x1x128xi32, #tpu.memory_space<vmem>>
    %dma_start3A_91 = tpu.memref_squeeze %dma_start3A_90 : memref<1x1x128xi32, #tpu.memory_space<vmem>> -> memref<128xi32, #tpu.memory_space<vmem>>
    %dma_start3A_92 = arith.constant 0 : i32
    %dma_start3A_93 = arith.constant 0 : i32
    %dma_start3A_94 = tpu.memref_slice %arg2[%dma_start3A_92, %dma_start3A_93] : memref<10000x128xf32, #tpu.memory_space<hbm>> -> memref<10000x128xf32, #tpu.memory_space<hbm>>
    tpu.enqueue_indirect_dma source(%dma_start3A_94 : memref<10000x128xf32, #tpu.memory_space<hbm>>) target(%arg9 : memref<128x128xf32, #tpu.memory_space<vmem>>) offsets(%dma_start3A_91 : memref<128xi32, #tpu.memory_space<vmem>>) semaphore(%arg12 : memref<!tpu.dma_semaphore, #tpu.memory_space<semaphore_mem>>)
    %scan3A = arith.constant 0 : i32
    %scan3A_95 = arith.constant 10 : i32
    %scan3A_96 = arith.addi %scan3A, %scan3A_95 : i32
    %scan3A_97 = arith.constant 1 : i32
    scf.for %scan3A_104 = %scan3A to %scan3A_96 step %scan3A_97  : i32 {
      %mul3A_105 = arith.constant 1 : i32
      %mul3A_106 = arith.muli %scan3A_104, %mul3A_105 : i32
      %add3A_107 = arith.constant 0 : i32
      %add3A_108 = arith.addi %add3A_107, %mul3A_106 : i32
      %rem3A = arith.constant 2 : i32
      %rem3A_109 = arith.remsi %add3A_108, %rem3A : i32
      %add3A_110 = arith.constant 1 : i32
      %add3A_111 = arith.addi %add3A_108, %add3A_110 : i32
      %lt3A = arith.constant 10 : i32
      %lt3A_112 = arith.cmpi slt, %add3A_111, %lt3A : i32
      %convert_element_type3A = arith.extui %lt3A_112 : i1 to i32
      %cond3A = arith.constant 0 : i32
      %cond3A_113 = arith.cmpi ne, %convert_element_type3A, %cond3A : i32
      scf.if %cond3A_113 {
        %add3A_233 = arith.constant 1 : i32
        %add3A_234 = arith.addi %add3A_108, %add3A_233 : i32
        %mul3A_235 = arith.constant 8 : i32
        %mul3A_236 = arith.muli %add3A_234, %mul3A_235 : i32
        %sub3A = arith.constant 1 : i32
        %sub3A_237 = arith.subi %sub3A, %rem3A_109 : i32
        %dma_start3A_238 = arith.constant 0 : i32
        %dma_start3A_239 = arith.constant 0 : i32
        %dma_start3A_240 = tpu.memref_slice %arg7[%sub3A_237, %dma_start3A_238, %dma_start3A_239] : memref<2x8x128xi32, #tpu.memory_space<vmem>> -> memref<1x8x128xi32, #tpu.memory_space<vmem>>
        %dma_start3A_241 = tpu.memref_squeeze %dma_start3A_240 : memref<1x8x128xi32, #tpu.memory_space<vmem>> -> memref<8x128xi32, #tpu.memory_space<vmem>>
        %dma_start3A_242 = arith.constant 0 : i32
        %dma_start3A_243 = tpu.memref_slice %arg3[%add3A, %mul3A_236, %dma_start3A_242] : memref<32x80x128xi32, #tpu.memory_space<hbm>> -> memref<1x8x128xi32, #tpu.memory_space<hbm>>
        %dma_start3A_244 = tpu.memref_squeeze %dma_start3A_243 : memref<1x8x128xi32, #tpu.memory_space<hbm>> -> memref<8x128xi32, #tpu.memory_space<hbm>>
        %dma_start3A_245 = arith.constant 0 : i32
        %dma_start3A_246 = arith.constant 0 : i32
        %dma_start3A_247 = tpu.memref_slice %arg7[%sub3A_237, %dma_start3A_245, %dma_start3A_246] : memref<2x8x128xi32, #tpu.memory_space<vmem>> -> memref<1x8x128xi32, #tpu.memory_space<vmem>>
        %dma_start3A_248 = tpu.memref_squeeze %dma_start3A_247 : memref<1x8x128xi32, #tpu.memory_space<vmem>> -> memref<8x128xi32, #tpu.memory_space<vmem>>
        %dma_start3A_249 = arith.constant 0 : i32
        %dma_start3A_250 = tpu.memref_slice %arg3[%add3A, %mul3A_236, %dma_start3A_249] : memref<32x80x128xi32, #tpu.memory_space<hbm>> -> memref<1x8x128xi32, #tpu.memory_space<hbm>>
        %dma_start3A_251 = tpu.memref_squeeze %dma_start3A_250 : memref<1x8x128xi32, #tpu.memory_space<hbm>> -> memref<8x128xi32, #tpu.memory_space<hbm>>
        tpu.enqueue_dma source(%dma_start3A_251 : memref<8x128xi32, #tpu.memory_space<hbm>>) target(%dma_start3A_248 : memref<8x128xi32, #tpu.memory_space<vmem>>) target_semaphore(%arg14 : memref<!tpu.dma_semaphore, #tpu.memory_space<semaphore_mem>>)
        %sub3A_252 = arith.constant 1 : i32
        %sub3A_253 = arith.subi %sub3A_252, %rem3A_109 : i32
        %dma_start3A_254 = arith.constant 0 : i32
        %dma_start3A_255 = arith.constant 0 : i32
        %dma_start3A_256 = tpu.memref_slice %arg8[%sub3A_253, %dma_start3A_254, %dma_start3A_255] : memref<2x8x128xi32, #tpu.memory_space<vmem>> -> memref<1x8x128xi32, #tpu.memory_space<vmem>>
        %dma_start3A_257 = tpu.memref_squeeze %dma_start3A_256 : memref<1x8x128xi32, #tpu.memory_space<vmem>> -> memref<8x128xi32, #tpu.memory_space<vmem>>
        %dma_start3A_258 = arith.constant 0 : i32
        %dma_start3A_259 = tpu.memref_slice %arg4[%add3A, %mul3A_236, %dma_start3A_258] : memref<32x80x128xi32, #tpu.memory_space<hbm>> -> memref<1x8x128xi32, #tpu.memory_space<hbm>>
        %dma_start3A_260 = tpu.memref_squeeze %dma_start3A_259 : memref<1x8x128xi32, #tpu.memory_space<hbm>> -> memref<8x128xi32, #tpu.memory_space<hbm>>
        %dma_start3A_261 = arith.constant 0 : i32
        %dma_start3A_262 = arith.constant 0 : i32
        %dma_start3A_263 = tpu.memref_slice %arg8[%sub3A_253, %dma_start3A_261, %dma_start3A_262] : memref<2x8x128xi32, #tpu.memory_space<vmem>> -> memref<1x8x128xi32, #tpu.memory_space<vmem>>
        %dma_start3A_264 = tpu.memref_squeeze %dma_start3A_263 : memref<1x8x128xi32, #tpu.memory_space<vmem>> -> memref<8x128xi32, #tpu.memory_space<vmem>>
        %dma_start3A_265 = arith.constant 0 : i32
        %dma_start3A_266 = tpu.memref_slice %arg4[%add3A, %mul3A_236, %dma_start3A_265] : memref<32x80x128xi32, #tpu.memory_space<hbm>> -> memref<1x8x128xi32, #tpu.memory_space<hbm>>
        %dma_start3A_267 = tpu.memref_squeeze %dma_start3A_266 : memref<1x8x128xi32, #tpu.memory_space<hbm>> -> memref<8x128xi32, #tpu.memory_space<hbm>>
        tpu.enqueue_dma source(%dma_start3A_267 : memref<8x128xi32, #tpu.memory_space<hbm>>) target(%dma_start3A_264 : memref<8x128xi32, #tpu.memory_space<vmem>>) target_semaphore(%arg15 : memref<!tpu.dma_semaphore, #tpu.memory_space<semaphore_mem>>)
      } else {
      }
      %dma_start3A_114 = arith.constant 1 : i32
      %dma_start3A_115 = arith.constant 0 : i32
      %dma_start3A_116 = tpu.memref_slice %arg7[%rem3A_109, %dma_start3A_114, %dma_start3A_115] : memref<2x8x128xi32, #tpu.memory_space<vmem>> -> memref<1x1x128xi32, #tpu.memory_space<vmem>>
      %dma_start3A_117 = tpu.memref_squeeze %dma_start3A_116 : memref<1x1x128xi32, #tpu.memory_space<vmem>> -> memref<128xi32, #tpu.memory_space<vmem>>
      %dma_start3A_118 = arith.constant 0 : i32
      %dma_start3A_119 = arith.constant 0 : i32
      %dma_start3A_120 = tpu.memref_slice %arg2[%dma_start3A_118, %dma_start3A_119] : memref<10000x128xf32, #tpu.memory_space<hbm>> -> memref<10000x128xf32, #tpu.memory_space<hbm>>
      tpu.enqueue_indirect_dma source(%dma_start3A_120 : memref<10000x128xf32, #tpu.memory_space<hbm>>) target(%arg10 : memref<128x128xf32, #tpu.memory_space<vmem>>) offsets(%dma_start3A_117 : memref<128xi32, #tpu.memory_space<vmem>>) semaphore(%arg13 : memref<!tpu.dma_semaphore, #tpu.memory_space<semaphore_mem>>)
      %dma_wait3A_121 = arith.constant 0 : i32
      %dma_wait3A_122 = arith.constant 0 : i32
      %dma_wait3A_123 = tpu.memref_slice %arg7[%rem3A_109, %dma_wait3A_121, %dma_wait3A_122] : memref<2x8x128xi32, #tpu.memory_space<vmem>> -> memref<1x1x128xi32, #tpu.memory_space<vmem>>
      %dma_wait3A_124 = tpu.memref_squeeze %dma_wait3A_123 : memref<1x1x128xi32, #tpu.memory_space<vmem>> -> memref<128xi32, #tpu.memory_space<vmem>>
      %dma_wait3A_125 = arith.constant 0 : i32
      %dma_wait3A_126 = arith.constant 0 : i32
      %dma_wait3A_127 = tpu.memref_slice %arg2[%dma_wait3A_125, %dma_wait3A_126] : memref<10000x128xf32, #tpu.memory_space<hbm>> -> memref<10000x128xf32, #tpu.memory_space<hbm>>
      tpu.wait_indirect_dma semaphore(%arg12 : memref<!tpu.dma_semaphore, #tpu.memory_space<semaphore_mem>>) src(%dma_wait3A_127 : memref<10000x128xf32, #tpu.memory_space<hbm>>) dst(%arg9 : memref<128x128xf32, #tpu.memory_space<vmem>>)
      %run_scoped3A = arith.constant 0 : i32
      "tpu.region"() ({
        %run_scoped3A_233 = tpu.sem_alloc : memref<!tpu.dma_semaphore, #tpu.memory_space<semaphore_mem>>
        %dma_start3A_234 = arith.constant 0 : i32
        %dma_start3A_235 = tpu.memref_slice %arg8[%rem3A_109, %run_scoped3A, %dma_start3A_234] : memref<2x8x128xi32, #tpu.memory_space<vmem>> -> memref<1x1x128xi32, #tpu.memory_space<vmem>>
        %dma_start3A_236 = tpu.memref_squeeze %dma_start3A_235 : memref<1x1x128xi32, #tpu.memory_space<vmem>> -> memref<128xi32, #tpu.memory_space<vmem>>
        %dma_start3A_237 = arith.constant 0 : i32
        %dma_start3A_238 = arith.constant 0 : i32
        %dma_start3A_239 = tpu.memref_slice %arg11[%dma_start3A_237, %dma_start3A_238] : memref<10240x128xf32, #tpu.memory_space<vmem_shared>> -> memref<10240x128xf32, #tpu.memory_space<vmem_shared>>
        tpu.enqueue_indirect_dma source(%arg9 : memref<128x128xf32, #tpu.memory_space<vmem>>) target(%dma_start3A_239 : memref<10240x128xf32, #tpu.memory_space<vmem_shared>>) offsets(%dma_start3A_236 : memref<128xi32, #tpu.memory_space<vmem>>) semaphore(%run_scoped3A_233 : memref<!tpu.dma_semaphore, #tpu.memory_space<semaphore_mem>>) {add = true}
        %dma_wait3A_240 = arith.constant 0 : i32
        %dma_wait3A_241 = tpu.memref_slice %arg8[%rem3A_109, %run_scoped3A, %dma_wait3A_240] : memref<2x8x128xi32, #tpu.memory_space<vmem>> -> memref<1x1x128xi32, #tpu.memory_space<vmem>>
        %dma_wait3A_242 = tpu.memref_squeeze %dma_wait3A_241 : memref<1x1x128xi32, #tpu.memory_space<vmem>> -> memref<128xi32, #tpu.memory_space<vmem>>
        %dma_wait3A_243 = arith.constant 0 : i32
        %dma_wait3A_244 = arith.constant 0 : i32
        %dma_wait3A_245 = tpu.memref_slice %arg11[%dma_wait3A_243, %dma_wait3A_244] : memref<10240x128xf32, #tpu.memory_space<vmem_shared>> -> memref<10240x128xf32, #tpu.memory_space<vmem_shared>>
        tpu.wait_indirect_dma semaphore(%run_scoped3A_233 : memref<!tpu.dma_semaphore, #tpu.memory_space<semaphore_mem>>) src(%arg9 : memref<128x128xf32, #tpu.memory_space<vmem>>) dst(%dma_wait3A_245 : memref<10240x128xf32, #tpu.memory_space<vmem_shared>>)
        tpu.yield
      }) : () -> ()
      %dma_start3A_128 = arith.constant 2 : i32
      %dma_start3A_129 = arith.constant 0 : i32
      %dma_start3A_130 = tpu.memref_slice %arg7[%rem3A_109, %dma_start3A_128, %dma_start3A_129] : memref<2x8x128xi32, #tpu.memory_space<vmem>> -> memref<1x1x128xi32, #tpu.memory_space<vmem>>
      %dma_start3A_131 = tpu.memref_squeeze %dma_start3A_130 : memref<1x1x128xi32, #tpu.memory_space<vmem>> -> memref<128xi32, #tpu.memory_space<vmem>>
      %dma_start3A_132 = arith.constant 0 : i32
      %dma_start3A_133 = arith.constant 0 : i32
      %dma_start3A_134 = tpu.memref_slice %arg2[%dma_start3A_132, %dma_start3A_133] : memref<10000x128xf32, #tpu.memory_space<hbm>> -> memref<10000x128xf32, #tpu.memory_space<hbm>>
      tpu.enqueue_indirect_dma source(%dma_start3A_134 : memref<10000x128xf32, #tpu.memory_space<hbm>>) target(%arg9 : memref<128x128xf32, #tpu.memory_space<vmem>>) offsets(%dma_start3A_131 : memref<128xi32, #tpu.memory_space<vmem>>) semaphore(%arg12 : memref<!tpu.dma_semaphore, #tpu.memory_space<semaphore_mem>>)
      %dma_wait3A_135 = arith.constant 1 : i32
      %dma_wait3A_136 = arith.constant 0 : i32
      %dma_wait3A_137 = tpu.memref_slice %arg7[%rem3A_109, %dma_wait3A_135, %dma_wait3A_136] : memref<2x8x128xi32, #tpu.memory_space<vmem>> -> memref<1x1x128xi32, #tpu.memory_space<vmem>>
      %dma_wait3A_138 = tpu.memref_squeeze %dma_wait3A_137 : memref<1x1x128xi32, #tpu.memory_space<vmem>> -> memref<128xi32, #tpu.memory_space<vmem>>
      %dma_wait3A_139 = arith.constant 0 : i32
      %dma_wait3A_140 = arith.constant 0 : i32
      %dma_wait3A_141 = tpu.memref_slice %arg2[%dma_wait3A_139, %dma_wait3A_140] : memref<10000x128xf32, #tpu.memory_space<hbm>> -> memref<10000x128xf32, #tpu.memory_space<hbm>>
      tpu.wait_indirect_dma semaphore(%arg13 : memref<!tpu.dma_semaphore, #tpu.memory_space<semaphore_mem>>) src(%dma_wait3A_141 : memref<10000x128xf32, #tpu.memory_space<hbm>>) dst(%arg10 : memref<128x128xf32, #tpu.memory_space<vmem>>)
      %run_scoped3A_142 = arith.constant 1 : i32
      "tpu.region"() ({
        %run_scoped3A_233 = tpu.sem_alloc : memref<!tpu.dma_semaphore, #tpu.memory_space<semaphore_mem>>
        %dma_start3A_234 = arith.constant 0 : i32
        %dma_start3A_235 = tpu.memref_slice %arg8[%rem3A_109, %run_scoped3A_142, %dma_start3A_234] : memref<2x8x128xi32, #tpu.memory_space<vmem>> -> memref<1x1x128xi32, #tpu.memory_space<vmem>>
        %dma_start3A_236 = tpu.memref_squeeze %dma_start3A_235 : memref<1x1x128xi32, #tpu.memory_space<vmem>> -> memref<128xi32, #tpu.memory_space<vmem>>
        %dma_start3A_237 = arith.constant 0 : i32
        %dma_start3A_238 = arith.constant 0 : i32
        %dma_start3A_239 = tpu.memref_slice %arg11[%dma_start3A_237, %dma_start3A_238] : memref<10240x128xf32, #tpu.memory_space<vmem_shared>> -> memref<10240x128xf32, #tpu.memory_space<vmem_shared>>
        tpu.enqueue_indirect_dma source(%arg10 : memref<128x128xf32, #tpu.memory_space<vmem>>) target(%dma_start3A_239 : memref<10240x128xf32, #tpu.memory_space<vmem_shared>>) offsets(%dma_start3A_236 : memref<128xi32, #tpu.memory_space<vmem>>) semaphore(%run_scoped3A_233 : memref<!tpu.dma_semaphore, #tpu.memory_space<semaphore_mem>>) {add = true}
        %dma_wait3A_240 = arith.constant 0 : i32
        %dma_wait3A_241 = tpu.memref_slice %arg8[%rem3A_109, %run_scoped3A_142, %dma_wait3A_240] : memref<2x8x128xi32, #tpu.memory_space<vmem>> -> memref<1x1x128xi32, #tpu.memory_space<vmem>>
        %dma_wait3A_242 = tpu.memref_squeeze %dma_wait3A_241 : memref<1x1x128xi32, #tpu.memory_space<vmem>> -> memref<128xi32, #tpu.memory_space<vmem>>
        %dma_wait3A_243 = arith.constant 0 : i32
        %dma_wait3A_244 = arith.constant 0 : i32
        %dma_wait3A_245 = tpu.memref_slice %arg11[%dma_wait3A_243, %dma_wait3A_244] : memref<10240x128xf32, #tpu.memory_space<vmem_shared>> -> memref<10240x128xf32, #tpu.memory_space<vmem_shared>>
        tpu.wait_indirect_dma semaphore(%run_scoped3A_233 : memref<!tpu.dma_semaphore, #tpu.memory_space<semaphore_mem>>) src(%arg10 : memref<128x128xf32, #tpu.memory_space<vmem>>) dst(%dma_wait3A_245 : memref<10240x128xf32, #tpu.memory_space<vmem_shared>>)
        tpu.yield
      }) : () -> ()
      %dma_start3A_143 = arith.constant 3 : i32
      %dma_start3A_144 = arith.constant 0 : i32
      %dma_start3A_145 = tpu.memref_slice %arg7[%rem3A_109, %dma_start3A_143, %dma_start3A_144] : memref<2x8x128xi32, #tpu.memory_space<vmem>> -> memref<1x1x128xi32, #tpu.memory_space<vmem>>
      %dma_start3A_146 = tpu.memref_squeeze %dma_start3A_145 : memref<1x1x128xi32, #tpu.memory_space<vmem>> -> memref<128xi32, #tpu.memory_space<vmem>>
      %dma_start3A_147 = arith.constant 0 : i32
      %dma_start3A_148 = arith.constant 0 : i32
      %dma_start3A_149 = tpu.memref_slice %arg2[%dma_start3A_147, %dma_start3A_148] : memref<10000x128xf32, #tpu.memory_space<hbm>> -> memref<10000x128xf32, #tpu.memory_space<hbm>>
      tpu.enqueue_indirect_dma source(%dma_start3A_149 : memref<10000x128xf32, #tpu.memory_space<hbm>>) target(%arg10 : memref<128x128xf32, #tpu.memory_space<vmem>>) offsets(%dma_start3A_146 : memref<128xi32, #tpu.memory_space<vmem>>) semaphore(%arg13 : memref<!tpu.dma_semaphore, #tpu.memory_space<semaphore_mem>>)
      %dma_wait3A_150 = arith.constant 2 : i32
      %dma_wait3A_151 = arith.constant 0 : i32
      %dma_wait3A_152 = tpu.memref_slice %arg7[%rem3A_109, %dma_wait3A_150, %dma_wait3A_151] : memref<2x8x128xi32, #tpu.memory_space<vmem>> -> memref<1x1x128xi32, #tpu.memory_space<vmem>>
      %dma_wait3A_153 = tpu.memref_squeeze %dma_wait3A_152 : memref<1x1x128xi32, #tpu.memory_space<vmem>> -> memref<128xi32, #tpu.memory_space<vmem>>
      %dma_wait3A_154 = arith.constant 0 : i32
      %dma_wait3A_155 = arith.constant 0 : i32
      %dma_wait3A_156 = tpu.memref_slice %arg2[%dma_wait3A_154, %dma_wait3A_155] : memref<10000x128xf32, #tpu.memory_space<hbm>> -> memref<10000x128xf32, #tpu.memory_space<hbm>>
      tpu.wait_indirect_dma semaphore(%arg12 : memref<!tpu.dma_semaphore, #tpu.memory_space<semaphore_mem>>) src(%dma_wait3A_156 : memref<10000x128xf32, #tpu.memory_space<hbm>>) dst(%arg9 : memref<128x128xf32, #tpu.memory_space<vmem>>)
      %run_scoped3A_157 = arith.constant 2 : i32
      "tpu.region"() ({
        %run_scoped3A_233 = tpu.sem_alloc : memref<!tpu.dma_semaphore, #tpu.memory_space<semaphore_mem>>
        %dma_start3A_234 = arith.constant 0 : i32
        %dma_start3A_235 = tpu.memref_slice %arg8[%rem3A_109, %run_scoped3A_157, %dma_start3A_234] : memref<2x8x128xi32, #tpu.memory_space<vmem>> -> memref<1x1x128xi32, #tpu.memory_space<vmem>>
        %dma_start3A_236 = tpu.memref_squeeze %dma_start3A_235 : memref<1x1x128xi32, #tpu.memory_space<vmem>> -> memref<128xi32, #tpu.memory_space<vmem>>
        %dma_start3A_237 = arith.constant 0 : i32
        %dma_start3A_238 = arith.constant 0 : i32
        %dma_start3A_239 = tpu.memref_slice %arg11[%dma_start3A_237, %dma_start3A_238] : memref<10240x128xf32, #tpu.memory_space<vmem_shared>> -> memref<10240x128xf32, #tpu.memory_space<vmem_shared>>
        tpu.enqueue_indirect_dma source(%arg9 : memref<128x128xf32, #tpu.memory_space<vmem>>) target(%dma_start3A_239 : memref<10240x128xf32, #tpu.memory_space<vmem_shared>>) offsets(%dma_start3A_236 : memref<128xi32, #tpu.memory_space<vmem>>) semaphore(%run_scoped3A_233 : memref<!tpu.dma_semaphore, #tpu.memory_space<semaphore_mem>>) {add = true}
        %dma_wait3A_240 = arith.constant 0 : i32
        %dma_wait3A_241 = tpu.memref_slice %arg8[%rem3A_109, %run_scoped3A_157, %dma_wait3A_240] : memref<2x8x128xi32, #tpu.memory_space<vmem>> -> memref<1x1x128xi32, #tpu.memory_space<vmem>>
        %dma_wait3A_242 = tpu.memref_squeeze %dma_wait3A_241 : memref<1x1x128xi32, #tpu.memory_space<vmem>> -> memref<128xi32, #tpu.memory_space<vmem>>
        %dma_wait3A_243 = arith.constant 0 : i32
        %dma_wait3A_244 = arith.constant 0 : i32
        %dma_wait3A_245 = tpu.memref_slice %arg11[%dma_wait3A_243, %dma_wait3A_244] : memref<10240x128xf32, #tpu.memory_space<vmem_shared>> -> memref<10240x128xf32, #tpu.memory_space<vmem_shared>>
        tpu.wait_indirect_dma semaphore(%run_scoped3A_233 : memref<!tpu.dma_semaphore, #tpu.memory_space<semaphore_mem>>) src(%arg9 : memref<128x128xf32, #tpu.memory_space<vmem>>) dst(%dma_wait3A_245 : memref<10240x128xf32, #tpu.memory_space<vmem_shared>>)
        tpu.yield
      }) : () -> ()
      %dma_start3A_158 = arith.constant 4 : i32
      %dma_start3A_159 = arith.constant 0 : i32
      %dma_start3A_160 = tpu.memref_slice %arg7[%rem3A_109, %dma_start3A_158, %dma_start3A_159] : memref<2x8x128xi32, #tpu.memory_space<vmem>> -> memref<1x1x128xi32, #tpu.memory_space<vmem>>
      %dma_start3A_161 = tpu.memref_squeeze %dma_start3A_160 : memref<1x1x128xi32, #tpu.memory_space<vmem>> -> memref<128xi32, #tpu.memory_space<vmem>>
      %dma_start3A_162 = arith.constant 0 : i32
      %dma_start3A_163 = arith.constant 0 : i32
      %dma_start3A_164 = tpu.memref_slice %arg2[%dma_start3A_162, %dma_start3A_163] : memref<10000x128xf32, #tpu.memory_space<hbm>> -> memref<10000x128xf32, #tpu.memory_space<hbm>>
      tpu.enqueue_indirect_dma source(%dma_start3A_164 : memref<10000x128xf32, #tpu.memory_space<hbm>>) target(%arg9 : memref<128x128xf32, #tpu.memory_space<vmem>>) offsets(%dma_start3A_161 : memref<128xi32, #tpu.memory_space<vmem>>) semaphore(%arg12 : memref<!tpu.dma_semaphore, #tpu.memory_space<semaphore_mem>>)
      %dma_wait3A_165 = arith.constant 3 : i32
      %dma_wait3A_166 = arith.constant 0 : i32
      %dma_wait3A_167 = tpu.memref_slice %arg7[%rem3A_109, %dma_wait3A_165, %dma_wait3A_166] : memref<2x8x128xi32, #tpu.memory_space<vmem>> -> memref<1x1x128xi32, #tpu.memory_space<vmem>>
      %dma_wait3A_168 = tpu.memref_squeeze %dma_wait3A_167 : memref<1x1x128xi32, #tpu.memory_space<vmem>> -> memref<128xi32, #tpu.memory_space<vmem>>
      %dma_wait3A_169 = arith.constant 0 : i32
      %dma_wait3A_170 = arith.constant 0 : i32
      %dma_wait3A_171 = tpu.memref_slice %arg2[%dma_wait3A_169, %dma_wait3A_170] : memref<10000x128xf32, #tpu.memory_space<hbm>> -> memref<10000x128xf32, #tpu.memory_space<hbm>>
      tpu.wait_indirect_dma semaphore(%arg13 : memref<!tpu.dma_semaphore, #tpu.memory_space<semaphore_mem>>) src(%dma_wait3A_171 : memref<10000x128xf32, #tpu.memory_space<hbm>>) dst(%arg10 : memref<128x128xf32, #tpu.memory_space<vmem>>)
      %run_scoped3A_172 = arith.constant 3 : i32
      "tpu.region"() ({
        %run_scoped3A_233 = tpu.sem_alloc : memref<!tpu.dma_semaphore, #tpu.memory_space<semaphore_mem>>
        %dma_start3A_234 = arith.constant 0 : i32
        %dma_start3A_235 = tpu.memref_slice %arg8[%rem3A_109, %run_scoped3A_172, %dma_start3A_234] : memref<2x8x128xi32, #tpu.memory_space<vmem>> -> memref<1x1x128xi32, #tpu.memory_space<vmem>>
        %dma_start3A_236 = tpu.memref_squeeze %dma_start3A_235 : memref<1x1x128xi32, #tpu.memory_space<vmem>> -> memref<128xi32, #tpu.memory_space<vmem>>
        %dma_start3A_237 = arith.constant 0 : i32
        %dma_start3A_238 = arith.constant 0 : i32
        %dma_start3A_239 = tpu.memref_slice %arg11[%dma_start3A_237, %dma_start3A_238] : memref<10240x128xf32, #tpu.memory_space<vmem_shared>> -> memref<10240x128xf32, #tpu.memory_space<vmem_shared>>
        tpu.enqueue_indirect_dma source(%arg10 : memref<128x128xf32, #tpu.memory_space<vmem>>) target(%dma_start3A_239 : memref<10240x128xf32, #tpu.memory_space<vmem_shared>>) offsets(%dma_start3A_236 : memref<128xi32, #tpu.memory_space<vmem>>) semaphore(%run_scoped3A_233 : memref<!tpu.dma_semaphore, #tpu.memory_space<semaphore_mem>>) {add = true}
        %dma_wait3A_240 = arith.constant 0 : i32
        %dma_wait3A_241 = tpu.memref_slice %arg8[%rem3A_109, %run_scoped3A_172, %dma_wait3A_240] : memref<2x8x128xi32, #tpu.memory_space<vmem>> -> memref<1x1x128xi32, #tpu.memory_space<vmem>>
        %dma_wait3A_242 = tpu.memref_squeeze %dma_wait3A_241 : memref<1x1x128xi32, #tpu.memory_space<vmem>> -> memref<128xi32, #tpu.memory_space<vmem>>
        %dma_wait3A_243 = arith.constant 0 : i32
        %dma_wait3A_244 = arith.constant 0 : i32
        %dma_wait3A_245 = tpu.memref_slice %arg11[%dma_wait3A_243, %dma_wait3A_244] : memref<10240x128xf32, #tpu.memory_space<vmem_shared>> -> memref<10240x128xf32, #tpu.memory_space<vmem_shared>>
        tpu.wait_indirect_dma semaphore(%run_scoped3A_233 : memref<!tpu.dma_semaphore, #tpu.memory_space<semaphore_mem>>) src(%arg10 : memref<128x128xf32, #tpu.memory_space<vmem>>) dst(%dma_wait3A_245 : memref<10240x128xf32, #tpu.memory_space<vmem_shared>>)
        tpu.yield
      }) : () -> ()
      %dma_start3A_173 = arith.constant 5 : i32
      %dma_start3A_174 = arith.constant 0 : i32
      %dma_start3A_175 = tpu.memref_slice %arg7[%rem3A_109, %dma_start3A_173, %dma_start3A_174] : memref<2x8x128xi32, #tpu.memory_space<vmem>> -> memref<1x1x128xi32, #tpu.memory_space<vmem>>
      %dma_start3A_176 = tpu.memref_squeeze %dma_start3A_175 : memref<1x1x128xi32, #tpu.memory_space<vmem>> -> memref<128xi32, #tpu.memory_space<vmem>>
      %dma_start3A_177 = arith.constant 0 : i32
      %dma_start3A_178 = arith.constant 0 : i32
      %dma_start3A_179 = tpu.memref_slice %arg2[%dma_start3A_177, %dma_start3A_178] : memref<10000x128xf32, #tpu.memory_space<hbm>> -> memref<10000x128xf32, #tpu.memory_space<hbm>>
      tpu.enqueue_indirect_dma source(%dma_start3A_179 : memref<10000x128xf32, #tpu.memory_space<hbm>>) target(%arg10 : memref<128x128xf32, #tpu.memory_space<vmem>>) offsets(%dma_start3A_176 : memref<128xi32, #tpu.memory_space<vmem>>) semaphore(%arg13 : memref<!tpu.dma_semaphore, #tpu.memory_space<semaphore_mem>>)
      %dma_wait3A_180 = arith.constant 4 : i32
      %dma_wait3A_181 = arith.constant 0 : i32
      %dma_wait3A_182 = tpu.memref_slice %arg7[%rem3A_109, %dma_wait3A_180, %dma_wait3A_181] : memref<2x8x128xi32, #tpu.memory_space<vmem>> -> memref<1x1x128xi32, #tpu.memory_space<vmem>>
      %dma_wait3A_183 = tpu.memref_squeeze %dma_wait3A_182 : memref<1x1x128xi32, #tpu.memory_space<vmem>> -> memref<128xi32, #tpu.memory_space<vmem>>
      %dma_wait3A_184 = arith.constant 0 : i32
      %dma_wait3A_185 = arith.constant 0 : i32
      %dma_wait3A_186 = tpu.memref_slice %arg2[%dma_wait3A_184, %dma_wait3A_185] : memref<10000x128xf32, #tpu.memory_space<hbm>> -> memref<10000x128xf32, #tpu.memory_space<hbm>>
      tpu.wait_indirect_dma semaphore(%arg12 : memref<!tpu.dma_semaphore, #tpu.memory_space<semaphore_mem>>) src(%dma_wait3A_186 : memref<10000x128xf32, #tpu.memory_space<hbm>>) dst(%arg9 : memref<128x128xf32, #tpu.memory_space<vmem>>)
      %run_scoped3A_187 = arith.constant 4 : i32
      "tpu.region"() ({
        %run_scoped3A_233 = tpu.sem_alloc : memref<!tpu.dma_semaphore, #tpu.memory_space<semaphore_mem>>
        %dma_start3A_234 = arith.constant 0 : i32
        %dma_start3A_235 = tpu.memref_slice %arg8[%rem3A_109, %run_scoped3A_187, %dma_start3A_234] : memref<2x8x128xi32, #tpu.memory_space<vmem>> -> memref<1x1x128xi32, #tpu.memory_space<vmem>>
        %dma_start3A_236 = tpu.memref_squeeze %dma_start3A_235 : memref<1x1x128xi32, #tpu.memory_space<vmem>> -> memref<128xi32, #tpu.memory_space<vmem>>
        %dma_start3A_237 = arith.constant 0 : i32
        %dma_start3A_238 = arith.constant 0 : i32
        %dma_start3A_239 = tpu.memref_slice %arg11[%dma_start3A_237, %dma_start3A_238] : memref<10240x128xf32, #tpu.memory_space<vmem_shared>> -> memref<10240x128xf32, #tpu.memory_space<vmem_shared>>
        tpu.enqueue_indirect_dma source(%arg9 : memref<128x128xf32, #tpu.memory_space<vmem>>) target(%dma_start3A_239 : memref<10240x128xf32, #tpu.memory_space<vmem_shared>>) offsets(%dma_start3A_236 : memref<128xi32, #tpu.memory_space<vmem>>) semaphore(%run_scoped3A_233 : memref<!tpu.dma_semaphore, #tpu.memory_space<semaphore_mem>>) {add = true}
        %dma_wait3A_240 = arith.constant 0 : i32
        %dma_wait3A_241 = tpu.memref_slice %arg8[%rem3A_109, %run_scoped3A_187, %dma_wait3A_240] : memref<2x8x128xi32, #tpu.memory_space<vmem>> -> memref<1x1x128xi32, #tpu.memory_space<vmem>>
        %dma_wait3A_242 = tpu.memref_squeeze %dma_wait3A_241 : memref<1x1x128xi32, #tpu.memory_space<vmem>> -> memref<128xi32, #tpu.memory_space<vmem>>
        %dma_wait3A_243 = arith.constant 0 : i32
        %dma_wait3A_244 = arith.constant 0 : i32
        %dma_wait3A_245 = tpu.memref_slice %arg11[%dma_wait3A_243, %dma_wait3A_244] : memref<10240x128xf32, #tpu.memory_space<vmem_shared>> -> memref<10240x128xf32, #tpu.memory_space<vmem_shared>>
        tpu.wait_indirect_dma semaphore(%run_scoped3A_233 : memref<!tpu.dma_semaphore, #tpu.memory_space<semaphore_mem>>) src(%arg9 : memref<128x128xf32, #tpu.memory_space<vmem>>) dst(%dma_wait3A_245 : memref<10240x128xf32, #tpu.memory_space<vmem_shared>>)
        tpu.yield
      }) : () -> ()
      %dma_start3A_188 = arith.constant 6 : i32
      %dma_start3A_189 = arith.constant 0 : i32
      %dma_start3A_190 = tpu.memref_slice %arg7[%rem3A_109, %dma_start3A_188, %dma_start3A_189] : memref<2x8x128xi32, #tpu.memory_space<vmem>> -> memref<1x1x128xi32, #tpu.memory_space<vmem>>
      %dma_start3A_191 = tpu.memref_squeeze %dma_start3A_190 : memref<1x1x128xi32, #tpu.memory_space<vmem>> -> memref<128xi32, #tpu.memory_space<vmem>>
      %dma_start3A_192 = arith.constant 0 : i32
      %dma_start3A_193 = arith.constant 0 : i32
      %dma_start3A_194 = tpu.memref_slice %arg2[%dma_start3A_192, %dma_start3A_193] : memref<10000x128xf32, #tpu.memory_space<hbm>> -> memref<10000x128xf32, #tpu.memory_space<hbm>>
      tpu.enqueue_indirect_dma source(%dma_start3A_194 : memref<10000x128xf32, #tpu.memory_space<hbm>>) target(%arg9 : memref<128x128xf32, #tpu.memory_space<vmem>>) offsets(%dma_start3A_191 : memref<128xi32, #tpu.memory_space<vmem>>) semaphore(%arg12 : memref<!tpu.dma_semaphore, #tpu.memory_space<semaphore_mem>>)
      %dma_wait3A_195 = arith.constant 5 : i32
      %dma_wait3A_196 = arith.constant 0 : i32
      %dma_wait3A_197 = tpu.memref_slice %arg7[%rem3A_109, %dma_wait3A_195, %dma_wait3A_196] : memref<2x8x128xi32, #tpu.memory_space<vmem>> -> memref<1x1x128xi32, #tpu.memory_space<vmem>>
      %dma_wait3A_198 = tpu.memref_squeeze %dma_wait3A_197 : memref<1x1x128xi32, #tpu.memory_space<vmem>> -> memref<128xi32, #tpu.memory_space<vmem>>
      %dma_wait3A_199 = arith.constant 0 : i32
      %dma_wait3A_200 = arith.constant 0 : i32
      %dma_wait3A_201 = tpu.memref_slice %arg2[%dma_wait3A_199, %dma_wait3A_200] : memref<10000x128xf32, #tpu.memory_space<hbm>> -> memref<10000x128xf32, #tpu.memory_space<hbm>>
      tpu.wait_indirect_dma semaphore(%arg13 : memref<!tpu.dma_semaphore, #tpu.memory_space<semaphore_mem>>) src(%dma_wait3A_201 : memref<10000x128xf32, #tpu.memory_space<hbm>>) dst(%arg10 : memref<128x128xf32, #tpu.memory_space<vmem>>)
      %run_scoped3A_202 = arith.constant 5 : i32
      "tpu.region"() ({
        %run_scoped3A_233 = tpu.sem_alloc : memref<!tpu.dma_semaphore, #tpu.memory_space<semaphore_mem>>
        %dma_start3A_234 = arith.constant 0 : i32
        %dma_start3A_235 = tpu.memref_slice %arg8[%rem3A_109, %run_scoped3A_202, %dma_start3A_234] : memref<2x8x128xi32, #tpu.memory_space<vmem>> -> memref<1x1x128xi32, #tpu.memory_space<vmem>>
        %dma_start3A_236 = tpu.memref_squeeze %dma_start3A_235 : memref<1x1x128xi32, #tpu.memory_space<vmem>> -> memref<128xi32, #tpu.memory_space<vmem>>
        %dma_start3A_237 = arith.constant 0 : i32
        %dma_start3A_238 = arith.constant 0 : i32
        %dma_start3A_239 = tpu.memref_slice %arg11[%dma_start3A_237, %dma_start3A_238] : memref<10240x128xf32, #tpu.memory_space<vmem_shared>> -> memref<10240x128xf32, #tpu.memory_space<vmem_shared>>
        tpu.enqueue_indirect_dma source(%arg10 : memref<128x128xf32, #tpu.memory_space<vmem>>) target(%dma_start3A_239 : memref<10240x128xf32, #tpu.memory_space<vmem_shared>>) offsets(%dma_start3A_236 : memref<128xi32, #tpu.memory_space<vmem>>) semaphore(%run_scoped3A_233 : memref<!tpu.dma_semaphore, #tpu.memory_space<semaphore_mem>>) {add = true}
        %dma_wait3A_240 = arith.constant 0 : i32
        %dma_wait3A_241 = tpu.memref_slice %arg8[%rem3A_109, %run_scoped3A_202, %dma_wait3A_240] : memref<2x8x128xi32, #tpu.memory_space<vmem>> -> memref<1x1x128xi32, #tpu.memory_space<vmem>>
        %dma_wait3A_242 = tpu.memref_squeeze %dma_wait3A_241 : memref<1x1x128xi32, #tpu.memory_space<vmem>> -> memref<128xi32, #tpu.memory_space<vmem>>
        %dma_wait3A_243 = arith.constant 0 : i32
        %dma_wait3A_244 = arith.constant 0 : i32
        %dma_wait3A_245 = tpu.memref_slice %arg11[%dma_wait3A_243, %dma_wait3A_244] : memref<10240x128xf32, #tpu.memory_space<vmem_shared>> -> memref<10240x128xf32, #tpu.memory_space<vmem_shared>>
        tpu.wait_indirect_dma semaphore(%run_scoped3A_233 : memref<!tpu.dma_semaphore, #tpu.memory_space<semaphore_mem>>) src(%arg10 : memref<128x128xf32, #tpu.memory_space<vmem>>) dst(%dma_wait3A_245 : memref<10240x128xf32, #tpu.memory_space<vmem_shared>>)
        tpu.yield
      }) : () -> ()
      %dma_start3A_203 = arith.constant 7 : i32
      %dma_start3A_204 = arith.constant 0 : i32
      %dma_start3A_205 = tpu.memref_slice %arg7[%rem3A_109, %dma_start3A_203, %dma_start3A_204] : memref<2x8x128xi32, #tpu.memory_space<vmem>> -> memref<1x1x128xi32, #tpu.memory_space<vmem>>
      %dma_start3A_206 = tpu.memref_squeeze %dma_start3A_205 : memref<1x1x128xi32, #tpu.memory_space<vmem>> -> memref<128xi32, #tpu.memory_space<vmem>>
      %dma_start3A_207 = arith.constant 0 : i32
      %dma_start3A_208 = arith.constant 0 : i32
      %dma_start3A_209 = tpu.memref_slice %arg2[%dma_start3A_207, %dma_start3A_208] : memref<10000x128xf32, #tpu.memory_space<hbm>> -> memref<10000x128xf32, #tpu.memory_space<hbm>>
      tpu.enqueue_indirect_dma source(%dma_start3A_209 : memref<10000x128xf32, #tpu.memory_space<hbm>>) target(%arg10 : memref<128x128xf32, #tpu.memory_space<vmem>>) offsets(%dma_start3A_206 : memref<128xi32, #tpu.memory_space<vmem>>) semaphore(%arg13 : memref<!tpu.dma_semaphore, #tpu.memory_space<semaphore_mem>>)
      %dma_wait3A_210 = arith.constant 6 : i32
      %dma_wait3A_211 = arith.constant 0 : i32
      %dma_wait3A_212 = tpu.memref_slice %arg7[%rem3A_109, %dma_wait3A_210, %dma_wait3A_211] : memref<2x8x128xi32, #tpu.memory_space<vmem>> -> memref<1x1x128xi32, #tpu.memory_space<vmem>>
      %dma_wait3A_213 = tpu.memref_squeeze %dma_wait3A_212 : memref<1x1x128xi32, #tpu.memory_space<vmem>> -> memref<128xi32, #tpu.memory_space<vmem>>
      %dma_wait3A_214 = arith.constant 0 : i32
      %dma_wait3A_215 = arith.constant 0 : i32
      %dma_wait3A_216 = tpu.memref_slice %arg2[%dma_wait3A_214, %dma_wait3A_215] : memref<10000x128xf32, #tpu.memory_space<hbm>> -> memref<10000x128xf32, #tpu.memory_space<hbm>>
      tpu.wait_indirect_dma semaphore(%arg12 : memref<!tpu.dma_semaphore, #tpu.memory_space<semaphore_mem>>) src(%dma_wait3A_216 : memref<10000x128xf32, #tpu.memory_space<hbm>>) dst(%arg9 : memref<128x128xf32, #tpu.memory_space<vmem>>)
      %run_scoped3A_217 = arith.constant 6 : i32
      "tpu.region"() ({
        %run_scoped3A_233 = tpu.sem_alloc : memref<!tpu.dma_semaphore, #tpu.memory_space<semaphore_mem>>
        %dma_start3A_234 = arith.constant 0 : i32
        %dma_start3A_235 = tpu.memref_slice %arg8[%rem3A_109, %run_scoped3A_217, %dma_start3A_234] : memref<2x8x128xi32, #tpu.memory_space<vmem>> -> memref<1x1x128xi32, #tpu.memory_space<vmem>>
        %dma_start3A_236 = tpu.memref_squeeze %dma_start3A_235 : memref<1x1x128xi32, #tpu.memory_space<vmem>> -> memref<128xi32, #tpu.memory_space<vmem>>
        %dma_start3A_237 = arith.constant 0 : i32
        %dma_start3A_238 = arith.constant 0 : i32
        %dma_start3A_239 = tpu.memref_slice %arg11[%dma_start3A_237, %dma_start3A_238] : memref<10240x128xf32, #tpu.memory_space<vmem_shared>> -> memref<10240x128xf32, #tpu.memory_space<vmem_shared>>
        tpu.enqueue_indirect_dma source(%arg9 : memref<128x128xf32, #tpu.memory_space<vmem>>) target(%dma_start3A_239 : memref<10240x128xf32, #tpu.memory_space<vmem_shared>>) offsets(%dma_start3A_236 : memref<128xi32, #tpu.memory_space<vmem>>) semaphore(%run_scoped3A_233 : memref<!tpu.dma_semaphore, #tpu.memory_space<semaphore_mem>>) {add = true}
        %dma_wait3A_240 = arith.constant 0 : i32
        %dma_wait3A_241 = tpu.memref_slice %arg8[%rem3A_109, %run_scoped3A_217, %dma_wait3A_240] : memref<2x8x128xi32, #tpu.memory_space<vmem>> -> memref<1x1x128xi32, #tpu.memory_space<vmem>>
        %dma_wait3A_242 = tpu.memref_squeeze %dma_wait3A_241 : memref<1x1x128xi32, #tpu.memory_space<vmem>> -> memref<128xi32, #tpu.memory_space<vmem>>
        %dma_wait3A_243 = arith.constant 0 : i32
        %dma_wait3A_244 = arith.constant 0 : i32
        %dma_wait3A_245 = tpu.memref_slice %arg11[%dma_wait3A_243, %dma_wait3A_244] : memref<10240x128xf32, #tpu.memory_space<vmem_shared>> -> memref<10240x128xf32, #tpu.memory_space<vmem_shared>>
        tpu.wait_indirect_dma semaphore(%run_scoped3A_233 : memref<!tpu.dma_semaphore, #tpu.memory_space<semaphore_mem>>) src(%arg9 : memref<128x128xf32, #tpu.memory_space<vmem>>) dst(%dma_wait3A_245 : memref<10240x128xf32, #tpu.memory_space<vmem_shared>>)
        tpu.yield
      }) : () -> ()
      %add3A_218 = arith.constant 1 : i32
      %add3A_219 = arith.addi %add3A_108, %add3A_218 : i32
      %lt3A_220 = arith.constant 10 : i32
      %lt3A_221 = arith.cmpi slt, %add3A_219, %lt3A_220 : i32
      %convert_element_type3A_222 = arith.extui %lt3A_221 : i1 to i32
      %cond3A_223 = arith.constant 0 : i32
      %cond3A_224 = arith.cmpi ne, %convert_element_type3A_222, %cond3A_223 : i32
      scf.if %cond3A_224 {
        %add3A_233 = arith.constant 1 : i32
        %add3A_234 = arith.addi %add3A_108, %add3A_233 : i32
        %mul3A_235 = arith.constant 8 : i32
        %mul3A_236 = arith.muli %add3A_234, %mul3A_235 : i32
        %sub3A = arith.constant 1 : i32
        %sub3A_237 = arith.subi %sub3A, %rem3A_109 : i32
        %dma_wait3A_238 = arith.constant 0 : i32
        %dma_wait3A_239 = arith.constant 0 : i32
        %dma_wait3A_240 = tpu.memref_slice %arg7[%sub3A_237, %dma_wait3A_238, %dma_wait3A_239] : memref<2x8x128xi32, #tpu.memory_space<vmem>> -> memref<1x8x128xi32, #tpu.memory_space<vmem>>
        %dma_wait3A_241 = tpu.memref_squeeze %dma_wait3A_240 : memref<1x8x128xi32, #tpu.memory_space<vmem>> -> memref<8x128xi32, #tpu.memory_space<vmem>>
        %dma_wait3A_242 = arith.constant 0 : i32
        %dma_wait3A_243 = tpu.memref_slice %arg3[%add3A, %mul3A_236, %dma_wait3A_242] : memref<32x80x128xi32, #tpu.memory_space<hbm>> -> memref<1x8x128xi32, #tpu.memory_space<hbm>>
        %dma_wait3A_244 = tpu.memref_squeeze %dma_wait3A_243 : memref<1x8x128xi32, #tpu.memory_space<hbm>> -> memref<8x128xi32, #tpu.memory_space<hbm>>
        %dma_wait3A_245 = arith.constant 0 : i32
        %dma_wait3A_246 = arith.constant 0 : i32
        %dma_wait3A_247 = tpu.memref_slice %arg7[%sub3A_237, %dma_wait3A_245, %dma_wait3A_246] : memref<2x8x128xi32, #tpu.memory_space<vmem>> -> memref<1x8x128xi32, #tpu.memory_space<vmem>>
        %dma_wait3A_248 = tpu.memref_squeeze %dma_wait3A_247 : memref<1x8x128xi32, #tpu.memory_space<vmem>> -> memref<8x128xi32, #tpu.memory_space<vmem>>
        %dma_wait3A_249 = arith.constant 0 : i32
        %dma_wait3A_250 = tpu.memref_slice %arg3[%add3A, %mul3A_236, %dma_wait3A_249] : memref<32x80x128xi32, #tpu.memory_space<hbm>> -> memref<1x8x128xi32, #tpu.memory_space<hbm>>
        %dma_wait3A_251 = tpu.memref_squeeze %dma_wait3A_250 : memref<1x8x128xi32, #tpu.memory_space<hbm>> -> memref<8x128xi32, #tpu.memory_space<hbm>>
        tpu.wait_dma2 semaphore(%arg14 : memref<!tpu.dma_semaphore, #tpu.memory_space<semaphore_mem>>) src(%dma_wait3A_251 : memref<8x128xi32, #tpu.memory_space<hbm>>) dst(%dma_wait3A_248 : memref<8x128xi32, #tpu.memory_space<vmem>>)
        %add3A_252 = arith.constant 1 : i32
        %add3A_253 = arith.addi %add3A_108, %add3A_252 : i32
        %mul3A_254 = arith.constant 8 : i32
        %mul3A_255 = arith.muli %add3A_253, %mul3A_254 : i32
        %sub3A_256 = arith.constant 1 : i32
        %sub3A_257 = arith.subi %sub3A_256, %rem3A_109 : i32
        %dma_wait3A_258 = arith.constant 0 : i32
        %dma_wait3A_259 = arith.constant 0 : i32
        %dma_wait3A_260 = tpu.memref_slice %arg8[%sub3A_257, %dma_wait3A_258, %dma_wait3A_259] : memref<2x8x128xi32, #tpu.memory_space<vmem>> -> memref<1x8x128xi32, #tpu.memory_space<vmem>>
        %dma_wait3A_261 = tpu.memref_squeeze %dma_wait3A_260 : memref<1x8x128xi32, #tpu.memory_space<vmem>> -> memref<8x128xi32, #tpu.memory_space<vmem>>
        %dma_wait3A_262 = arith.constant 0 : i32
        %dma_wait3A_263 = tpu.memref_slice %arg4[%add3A, %mul3A_255, %dma_wait3A_262] : memref<32x80x128xi32, #tpu.memory_space<hbm>> -> memref<1x8x128xi32, #tpu.memory_space<hbm>>
        %dma_wait3A_264 = tpu.memref_squeeze %dma_wait3A_263 : memref<1x8x128xi32, #tpu.memory_space<hbm>> -> memref<8x128xi32, #tpu.memory_space<hbm>>
        %dma_wait3A_265 = arith.constant 0 : i32
        %dma_wait3A_266 = arith.constant 0 : i32
        %dma_wait3A_267 = tpu.memref_slice %arg8[%sub3A_257, %dma_wait3A_265, %dma_wait3A_266] : memref<2x8x128xi32, #tpu.memory_space<vmem>> -> memref<1x8x128xi32, #tpu.memory_space<vmem>>
        %dma_wait3A_268 = tpu.memref_squeeze %dma_wait3A_267 : memref<1x8x128xi32, #tpu.memory_space<vmem>> -> memref<8x128xi32, #tpu.memory_space<vmem>>
        %dma_wait3A_269 = arith.constant 0 : i32
        %dma_wait3A_270 = tpu.memref_slice %arg4[%add3A, %mul3A_255, %dma_wait3A_269] : memref<32x80x128xi32, #tpu.memory_space<hbm>> -> memref<1x8x128xi32, #tpu.memory_space<hbm>>
        %dma_wait3A_271 = tpu.memref_squeeze %dma_wait3A_270 : memref<1x8x128xi32, #tpu.memory_space<hbm>> -> memref<8x128xi32, #tpu.memory_space<hbm>>
        tpu.wait_dma2 semaphore(%arg15 : memref<!tpu.dma_semaphore, #tpu.memory_space<semaphore_mem>>) src(%dma_wait3A_271 : memref<8x128xi32, #tpu.memory_space<hbm>>) dst(%dma_wait3A_268 : memref<8x128xi32, #tpu.memory_space<vmem>>)
        %sub3A_272 = arith.constant 1 : i32
        %sub3A_273 = arith.subi %sub3A_272, %rem3A_109 : i32
        %dma_start3A_274 = arith.constant 0 : i32
        %dma_start3A_275 = arith.constant 0 : i32
        %dma_start3A_276 = tpu.memref_slice %arg7[%sub3A_273, %dma_start3A_274, %dma_start3A_275] : memref<2x8x128xi32, #tpu.memory_space<vmem>> -> memref<1x1x128xi32, #tpu.memory_space<vmem>>
        %dma_start3A_277 = tpu.memref_squeeze %dma_start3A_276 : memref<1x1x128xi32, #tpu.memory_space<vmem>> -> memref<128xi32, #tpu.memory_space<vmem>>
        %dma_start3A_278 = arith.constant 0 : i32
        %dma_start3A_279 = arith.constant 0 : i32
        %dma_start3A_280 = tpu.memref_slice %arg2[%dma_start3A_278, %dma_start3A_279] : memref<10000x128xf32, #tpu.memory_space<hbm>> -> memref<10000x128xf32, #tpu.memory_space<hbm>>
        tpu.enqueue_indirect_dma source(%dma_start3A_280 : memref<10000x128xf32, #tpu.memory_space<hbm>>) target(%arg9 : memref<128x128xf32, #tpu.memory_space<vmem>>) offsets(%dma_start3A_277 : memref<128xi32, #tpu.memory_space<vmem>>) semaphore(%arg12 : memref<!tpu.dma_semaphore, #tpu.memory_space<semaphore_mem>>)
      } else {
      }
      %dma_wait3A_225 = arith.constant 7 : i32
      %dma_wait3A_226 = arith.constant 0 : i32
      %dma_wait3A_227 = tpu.memref_slice %arg7[%rem3A_109, %dma_wait3A_225, %dma_wait3A_226] : memref<2x8x128xi32, #tpu.memory_space<vmem>> -> memref<1x1x128xi32, #tpu.memory_space<vmem>>
      %dma_wait3A_228 = tpu.memref_squeeze %dma_wait3A_227 : memref<1x1x128xi32, #tpu.memory_space<vmem>> -> memref<128xi32, #tpu.memory_space<vmem>>
      %dma_wait3A_229 = arith.constant 0 : i32
      %dma_wait3A_230 = arith.constant 0 : i32
      %dma_wait3A_231 = tpu.memref_slice %arg2[%dma_wait3A_229, %dma_wait3A_230] : memref<10000x128xf32, #tpu.memory_space<hbm>> -> memref<10000x128xf32, #tpu.memory_space<hbm>>
      tpu.wait_indirect_dma semaphore(%arg13 : memref<!tpu.dma_semaphore, #tpu.memory_space<semaphore_mem>>) src(%dma_wait3A_231 : memref<10000x128xf32, #tpu.memory_space<hbm>>) dst(%arg10 : memref<128x128xf32, #tpu.memory_space<vmem>>)
      %run_scoped3A_232 = arith.constant 7 : i32
      "tpu.region"() ({
        %run_scoped3A_233 = tpu.sem_alloc : memref<!tpu.dma_semaphore, #tpu.memory_space<semaphore_mem>>
        %dma_start3A_234 = arith.constant 0 : i32
        %dma_start3A_235 = tpu.memref_slice %arg8[%rem3A_109, %run_scoped3A_232, %dma_start3A_234] : memref<2x8x128xi32, #tpu.memory_space<vmem>> -> memref<1x1x128xi32, #tpu.memory_space<vmem>>
        %dma_start3A_236 = tpu.memref_squeeze %dma_start3A_235 : memref<1x1x128xi32, #tpu.memory_space<vmem>> -> memref<128xi32, #tpu.memory_space<vmem>>
        %dma_start3A_237 = arith.constant 0 : i32
        %dma_start3A_238 = arith.constant 0 : i32
        %dma_start3A_239 = tpu.memref_slice %arg11[%dma_start3A_237, %dma_start3A_238] : memref<10240x128xf32, #tpu.memory_space<vmem_shared>> -> memref<10240x128xf32, #tpu.memory_space<vmem_shared>>
        tpu.enqueue_indirect_dma source(%arg10 : memref<128x128xf32, #tpu.memory_space<vmem>>) target(%dma_start3A_239 : memref<10240x128xf32, #tpu.memory_space<vmem_shared>>) offsets(%dma_start3A_236 : memref<128xi32, #tpu.memory_space<vmem>>) semaphore(%run_scoped3A_233 : memref<!tpu.dma_semaphore, #tpu.memory_space<semaphore_mem>>) {add = true}
        %dma_wait3A_240 = arith.constant 0 : i32
        %dma_wait3A_241 = tpu.memref_slice %arg8[%rem3A_109, %run_scoped3A_232, %dma_wait3A_240] : memref<2x8x128xi32, #tpu.memory_space<vmem>> -> memref<1x1x128xi32, #tpu.memory_space<vmem>>
        %dma_wait3A_242 = tpu.memref_squeeze %dma_wait3A_241 : memref<1x1x128xi32, #tpu.memory_space<vmem>> -> memref<128xi32, #tpu.memory_space<vmem>>
        %dma_wait3A_243 = arith.constant 0 : i32
        %dma_wait3A_244 = arith.constant 0 : i32
        %dma_wait3A_245 = tpu.memref_slice %arg11[%dma_wait3A_243, %dma_wait3A_244] : memref<10240x128xf32, #tpu.memory_space<vmem_shared>> -> memref<10240x128xf32, #tpu.memory_space<vmem_shared>>
        tpu.wait_indirect_dma semaphore(%run_scoped3A_233 : memref<!tpu.dma_semaphore, #tpu.memory_space<semaphore_mem>>) src(%arg10 : memref<128x128xf32, #tpu.memory_space<vmem>>) dst(%dma_wait3A_245 : memref<10240x128xf32, #tpu.memory_space<vmem_shared>>)
        tpu.yield
      }) : () -> ()
    }
    %scan3A_98 = arith.constant 10 : i32
    %barrier3A_99 = arith.constant 0 : index
    tpu.barrier barrier_id(%barrier3A_99)
    %mul3A_100 = arith.constant 640 : i32
    %mul3A_101 = arith.muli %arg1, %mul3A_100 : i32
    %mul3A_102 = arith.constant 640 : i32
    %mul3A_103 = arith.muli %arg1, %mul3A_102 : i32
    "tpu.region"() ({
      %run_scoped3A = tpu.sem_alloc : memref<!tpu.dma_semaphore, #tpu.memory_space<semaphore_mem>>
      %dma_start3A_104 = arith.constant 0 : i32
      %dma_start3A_105 = tpu.memref_slice %arg6[%arg0, %mul3A_103, %dma_start3A_104] : memref<2x10240x128xf32, #tpu.memory_space<hbm>> -> memref<1x640x128xf32, #tpu.memory_space<hbm>>
      %dma_start3A_106 = tpu.memref_squeeze %dma_start3A_105 : memref<1x640x128xf32, #tpu.memory_space<hbm>> -> memref<640x128xf32, #tpu.memory_space<hbm>>
      %dma_start3A_107 = arith.constant 0 : i32
      %dma_start3A_108 = tpu.memref_slice %arg11[%mul3A_101, %dma_start3A_107] : memref<10240x128xf32, #tpu.memory_space<vmem_shared>> -> memref<640x128xf32, #tpu.memory_space<vmem_shared>>
      tpu.enqueue_dma source(%dma_start3A_108 : memref<640x128xf32, #tpu.memory_space<vmem_shared>>) target(%dma_start3A_106 : memref<640x128xf32, #tpu.memory_space<hbm>>) target_semaphore(%run_scoped3A : memref<!tpu.dma_semaphore, #tpu.memory_space<semaphore_mem>>)
      %dma_wait3A_109 = arith.constant 0 : i32
      %dma_wait3A_110 = tpu.memref_slice %arg6[%arg0, %mul3A_103, %dma_wait3A_109] : memref<2x10240x128xf32, #tpu.memory_space<hbm>> -> memref<1x640x128xf32, #tpu.memory_space<hbm>>
      %dma_wait3A_111 = tpu.memref_squeeze %dma_wait3A_110 : memref<1x640x128xf32, #tpu.memory_space<hbm>> -> memref<640x128xf32, #tpu.memory_space<hbm>>
      %dma_wait3A_112 = arith.constant 0 : i32
      %dma_wait3A_113 = tpu.memref_slice %arg11[%mul3A_101, %dma_wait3A_112] : memref<10240x128xf32, #tpu.memory_space<vmem_shared>> -> memref<640x128xf32, #tpu.memory_space<vmem_shared>>
      tpu.wait_dma2 semaphore(%run_scoped3A : memref<!tpu.dma_semaphore, #tpu.memory_space<semaphore_mem>>) src(%dma_wait3A_113 : memref<640x128xf32, #tpu.memory_space<vmem_shared>>) dst(%dma_wait3A_111 : memref<640x128xf32, #tpu.memory_space<hbm>>)
      tpu.yield
    }) : () -> ()
    return
  }
}

module attributes {stable_mosaic.version = 14 : i64} {
  func.func @body(%arg0: i32, %arg1: memref<5000x128xf32, #tpu.memory_space<vmem>>, %arg2: memref<5000x128xf32, #tpu.memory_space<vmem>>) attributes {dimension_semantics = [#tpu.dimension_semantics<arbitrary>], iteration_bounds = array<i64: 2>, scalar_prefetch = 0 : i64, scratch_operands = 0 : i64, tpu.core_type = #tpu.core_type<tc>, window_params = [{transform_indices = @transform_0, window_bounds = array<i64: 5000, 128>}, {transform_indices = @transform_1, window_bounds = array<i64: 5000, 128>}]} {
    %get3A = arith.constant 0 : index
    %get3A_0 = arith.constant 0 : index
    %get3A_1 = vector.load %arg1[%get3A, %get3A_0] : memref<5000x128xf32, #tpu.memory_space<vmem>>, vector<5000x128xf32>
    %slice3A = vector.extract_strided_slice %get3A_1 {offsets = [0, 127], sizes = [5000, 1], strides = [1, 1]} : vector<5000x128xf32> to vector<5000x1xf32>
    %abs3A = math.absf %slice3A : vector<5000x1xf32>
    %add3A = arith.constant 9.99999997E-7 : f32
    %add3A_2 = vector.broadcast %add3A : f32 to vector<5000x1xf32>
    %add3A_3 = arith.addf %abs3A, %add3A_2 : vector<5000x1xf32>
    %div3A = vector.broadcast %add3A_3 : vector<5000x1xf32> to vector<5000x128xf32>
    %div3A_4 = arith.divf %get3A_1, %div3A : vector<5000x128xf32>
    %iota3A = tpu.iota {dimensions = array<i32: 1>} : vector<5000x128xi32>
    %eq3A = arith.constant 127 : i32
    %eq3A_5 = vector.broadcast %eq3A : i32 to vector<5000x128xi32>
    %eq3A_6 = arith.cmpi eq, %iota3A, %eq3A_5 : vector<5000x128xi32>
    %jit3A = arith.constant 1.000000e+00 : f32
    %broadcast_in_dim3A = vector.broadcast %jit3A : f32 to vector<5000x128xf32>
    %select_n3A = arith.select %eq3A_6, %broadcast_in_dim3A, %div3A_4 : vector<5000x128xi1>, vector<5000x128xf32>
    %swap3A = arith.constant 0 : index
    %swap3A_7 = arith.constant 0 : index
    %swap3A_8 = vector.load %arg2[%swap3A, %swap3A_7] : memref<5000x128xf32, #tpu.memory_space<vmem>>, vector<5000x128xf32>
    tpu.vector_store %arg2[%swap3A, %swap3A_7], %select_n3A {strides = array<i32>} : memref<5000x128xf32, #tpu.memory_space<vmem>>, vector<5000x128xf32>,
    return
  }
  func.func @transform_0(%arg0: i32) -> (i32, i32) {
    %c0_i32 = arith.constant 0 : i32
    %c0_i32_0 = arith.constant 0 : i32
    return %arg0, %c0_i32 : i32, i32
  }
  func.func @transform_1(%arg0: i32) -> (i32, i32) {
    %c0_i32 = arith.constant 0 : i32
    %c0_i32_0 = arith.constant 0 : i32
    return %arg0, %c0_i32 : i32, i32
  }
}

module attributes {stable_mosaic.version = 14 : i64} {
  func.func @body(%arg0: i32, %arg1: memref<5000x128xf32, #tpu.memory_space<vmem>>, %arg2: memref<128x128xf32, #tpu.memory_space<vmem>>, %arg3: memref<8x128xf32, #tpu.memory_space<vmem>>, %arg4: memref<5000x128xf32, #tpu.memory_space<vmem>>) attributes {dimension_semantics = [#tpu.dimension_semantics<arbitrary>], iteration_bounds = array<i64: 2>, scalar_prefetch = 0 : i64, scratch_operands = 0 : i64, tpu.core_type = #tpu.core_type<tc>, window_params = [{transform_indices = @transform_0, window_bounds = array<i64: 5000, 128>}, {pipeline_mode = #tpu.pipeline_mode<synchronous>, transform_indices = @transform_1, window_bounds = array<i64: 128, 128>}, {pipeline_mode = #tpu.pipeline_mode<synchronous>, transform_indices = @transform_2, window_bounds = array<i64: 8, 128>}, {transform_indices = @transform_3, window_bounds = array<i64: 5000, 128>}]} {
    %get3A = arith.constant 0 : index
    %get3A_0 = arith.constant 0 : index
    %get3A_1 = vector.load %arg1[%get3A, %get3A_0] : memref<5000x128xf32, #tpu.memory_space<vmem>>, vector<5000x128xf32>
    %get3A_2 = arith.constant 0 : index
    %get3A_3 = arith.constant 0 : index
    %get3A_4 = vector.load %arg2[%get3A_2, %get3A_3] : memref<128x128xf32, #tpu.memory_space<vmem>>, vector<128x128xf32>
    %dot_general3A = arith.constant dense<0.000000e+00> : vector<5000x128xf32>
    %dot_general3A_5 = tpu.matmul %get3A_1, %get3A_4, %dot_general3A {dimension_numbers = #tpu.dot_dimension_numbers<[1], [0], [0], [1], [0, 0, 1, 1], [], []>, transpose_lhs_hint = false} : vector<5000x128xf32>, vector<128x128xf32>, vector<5000x128xf32> -> vector<5000x128xf32>
    %get3A_6 = arith.constant 0 : index
    %get3A_7 = arith.constant 0 : index
    %get3A_8 = vector.load %arg3[%get3A_6, %get3A_7] : memref<8x128xf32, #tpu.memory_space<vmem>>, vector<1x128xf32>
    %add3A = vector.broadcast %get3A_8 : vector<1x128xf32> to vector<5000x128xf32>
    %add3A_9 = arith.addf %dot_general3A_5, %add3A : vector<5000x128xf32>
    %swap3A = arith.constant 0 : index
    %swap3A_10 = arith.constant 0 : index
    %swap3A_11 = vector.load %arg4[%swap3A, %swap3A_10] : memref<5000x128xf32, #tpu.memory_space<vmem>>, vector<5000x128xf32>
    tpu.vector_store %arg4[%swap3A, %swap3A_10], %add3A_9 {strides = array<i32>} : memref<5000x128xf32, #tpu.memory_space<vmem>>, vector<5000x128xf32>,
    return
  }
  func.func @transform_0(%arg0: i32) -> (i32, i32) {
    %c0_i32 = arith.constant 0 : i32
    %c0_i32_0 = arith.constant 0 : i32
    return %arg0, %c0_i32 : i32, i32
  }
  func.func @transform_1(%arg0: i32) -> (i32, i32) {
    %c0_i32 = arith.constant 0 : i32
    %c0_i32_0 = arith.constant 0 : i32
    %c0_i32_1 = arith.constant 0 : i32
    return %c0_i32, %c0_i32_0 : i32, i32
  }
  func.func @transform_2(%arg0: i32) -> (i32, i32) {
    %c0_i32 = arith.constant 0 : i32
    %c0_i32_0 = arith.constant 0 : i32
    %c0_i32_1 = arith.constant 0 : i32
    return %c0_i32, %c0_i32_0 : i32, i32
  }
  func.func @transform_3(%arg0: i32) -> (i32, i32) {
    %c0_i32 = arith.constant 0 : i32
    %c0_i32_0 = arith.constant 0 : i32
    return %arg0, %c0_i32 : i32, i32
  }
}

module attributes {stable_mosaic.version = 14 : i64} {
  func.func @body(%arg0: i32, %arg1: memref<2x5000x128xf32, #tpu.memory_space<vmem>>, %arg2: memref<5000x128xf32, #tpu.memory_space<vmem>>, %arg3: memref<128x128xf32, #tpu.memory_space<vmem>>, %arg4: memref<5000x128xf32, #tpu.memory_space<vmem>>, %arg5: memref<5000x128xf32, #tpu.memory_space<vmem>>) attributes {dimension_semantics = [#tpu.dimension_semantics<arbitrary>], iteration_bounds = array<i64: 2>, scalar_prefetch = 0 : i64, scratch_operands = 0 : i64, tpu.core_type = #tpu.core_type<tc>, window_params = [{transform_indices = @transform_0, window_bounds = array<i64: 2, 5000, 128>}, {transform_indices = @transform_1, window_bounds = array<i64: 5000, 128>}, {pipeline_mode = #tpu.pipeline_mode<synchronous>, transform_indices = @transform_2, window_bounds = array<i64: 128, 128>}, {transform_indices = @transform_3, window_bounds = array<i64: 5000, 128>}, {transform_indices = @transform_4, window_bounds = array<i64: 5000, 128>}]} {
    %get3A = arith.constant 0 : index
    %get3A_0 = arith.constant 0 : index
    %get3A_1 = arith.constant 0 : index
    %get3A_2 = vector.load %arg1[%get3A, %get3A_0, %get3A_1] : memref<2x5000x128xf32, #tpu.memory_space<vmem>>, vector<1x5000x128xf32>
    %get3A_3 = vector.shape_cast %get3A_2 : vector<1x5000x128xf32> to vector<5000x128xf32>
    %get3A_4 = arith.constant 1 : index
    %get3A_5 = arith.constant 0 : index
    %get3A_6 = arith.constant 0 : index
    %get3A_7 = vector.load %arg1[%get3A_4, %get3A_5, %get3A_6] : memref<2x5000x128xf32, #tpu.memory_space<vmem>>, vector<1x5000x128xf32>
    %get3A_8 = vector.shape_cast %get3A_7 : vector<1x5000x128xf32> to vector<5000x128xf32>
    %add3A = arith.addf %get3A_3, %get3A_8 : vector<5000x128xf32>
    %slice3A = vector.extract_strided_slice %add3A {offsets = [0, 127], sizes = [5000, 1], strides = [1, 1]} : vector<5000x128xf32> to vector<5000x1xf32>
    %max3A = arith.constant 1.000000e+00 : f32
    %max3A_9 = vector.broadcast %max3A : f32 to vector<5000x1xf32>
    %max3A_10 = arith.maximumf %slice3A, %max3A_9 : vector<5000x1xf32>
    %div3A = arith.constant 1.000000e+00 : f32
    %div3A_11 = vector.broadcast %div3A : f32 to vector<5000x1xf32>
    %div3A_12 = arith.divf %div3A_11, %max3A_10 : vector<5000x1xf32>
    %mul3A = vector.broadcast %div3A_12 : vector<5000x1xf32> to vector<5000x128xf32>
    %mul3A_13 = arith.mulf %add3A, %mul3A : vector<5000x128xf32>
    %get3A_14 = arith.constant 0 : index
    %get3A_15 = arith.constant 0 : index
    %get3A_16 = vector.load %arg2[%get3A_14, %get3A_15] : memref<5000x128xf32, #tpu.memory_space<vmem>>, vector<5000x128xf32>
    %get3A_17 = arith.constant 0 : index
    %get3A_18 = arith.constant 0 : index
    %get3A_19 = vector.load %arg3[%get3A_17, %get3A_18] : memref<128x128xf32, #tpu.memory_space<vmem>>, vector<128x128xf32>
    %dot_general3A = arith.constant dense<0.000000e+00> : vector<5000x128xf32>
    %dot_general3A_20 = tpu.matmul %mul3A_13, %get3A_19, %dot_general3A {dimension_numbers = #tpu.dot_dimension_numbers<[1], [0], [0], [1], [0, 0, 1, 1], [], []>, transpose_lhs_hint = false} : vector<5000x128xf32>, vector<128x128xf32>, vector<5000x128xf32> -> vector<5000x128xf32>
    %add3A_21 = arith.addf %get3A_16, %dot_general3A_20 : vector<5000x128xf32>
    %max3A_22 = arith.constant 0.000000e+00 : f32
    %max3A_23 = vector.broadcast %max3A_22 : f32 to vector<5000x128xf32>
    %max3A_24 = arith.maximumf %add3A_21, %max3A_23 : vector<5000x128xf32>
    %div3A_25 = arith.constant 1.00000095 : f32
    %div3A_26 = vector.broadcast %div3A_25 : f32 to vector<5000x128xf32>
    %div3A_27 = arith.divf %max3A_24, %div3A_26 : vector<5000x128xf32>
    %swap3A = arith.constant 0 : index
    %swap3A_28 = arith.constant 0 : index
    %swap3A_29 = vector.load %arg4[%swap3A, %swap3A_28] : memref<5000x128xf32, #tpu.memory_space<vmem>>, vector<5000x128xf32>
    tpu.vector_store %arg4[%swap3A, %swap3A_28], %div3A_27 {strides = array<i32>} : memref<5000x128xf32, #tpu.memory_space<vmem>>, vector<5000x128xf32>,
    %broadcast_in_dim3A = vector.shape_cast %div3A_12 : vector<5000x1xf32> to vector<5000x1xf32>
    %broadcast_in_dim3A_30 = vector.broadcast %broadcast_in_dim3A : vector<5000x1xf32> to vector<5000x128xf32>
    %swap3A_31 = arith.constant 0 : index
    %swap3A_32 = arith.constant 0 : index
    %swap3A_33 = vector.load %arg5[%swap3A_31, %swap3A_32] : memref<5000x128xf32, #tpu.memory_space<vmem>>, vector<5000x128xf32>
    tpu.vector_store %arg5[%swap3A_31, %swap3A_32], %broadcast_in_dim3A_30 {strides = array<i32>} : memref<5000x128xf32, #tpu.memory_space<vmem>>, vector<5000x128xf32>,
    return
  }
  func.func @transform_0(%arg0: i32) -> (i32, i32, i32) {
    %c0_i32 = arith.constant 0 : i32
    %c0_i32_0 = arith.constant 0 : i32
    %c0_i32_1 = arith.constant 0 : i32
    return %c0_i32, %arg0, %c0_i32_0 : i32, i32, i32
  }
  func.func @transform_1(%arg0: i32) -> (i32, i32) {
    %c0_i32 = arith.constant 0 : i32
    %c0_i32_0 = arith.constant 0 : i32
    return %arg0, %c0_i32 : i32, i32
  }
  func.func @transform_2(%arg0: i32) -> (i32, i32) {
    %c0_i32 = arith.constant 0 : i32
    %c0_i32_0 = arith.constant 0 : i32
    %c0_i32_1 = arith.constant 0 : i32
    return %c0_i32, %c0_i32_0 : i32, i32
  }
  func.func @transform_3(%arg0: i32) -> (i32, i32) {
    %c0_i32 = arith.constant 0 : i32
    %c0_i32_0 = arith.constant 0 : i32
    return %arg0, %c0_i32 : i32, i32
  }
  func.func @transform_4(%arg0: i32) -> (i32, i32) {
    %c0_i32 = arith.constant 0 : i32
    %c0_i32_0 = arith.constant 0 : i32
    return %arg0, %c0_i32 : i32, i32
  }
}

module attributes {stable_mosaic.version = 14 : i64} {
  func.func @body(%arg0: i32, %arg1: memref<2x5000x128xf32, #tpu.memory_space<vmem>>, %arg2: memref<5000x128xf32, #tpu.memory_space<vmem>>, %arg3: memref<5000x128xf32, #tpu.memory_space<vmem>>, %arg4: memref<128x128xf32, #tpu.memory_space<vmem>>, %arg5: memref<5000x128xf32, #tpu.memory_space<vmem>>) attributes {dimension_semantics = [#tpu.dimension_semantics<arbitrary>], iteration_bounds = array<i64: 2>, scalar_prefetch = 0 : i64, scratch_operands = 0 : i64, tpu.core_type = #tpu.core_type<tc>, window_params = [{transform_indices = @transform_0, window_bounds = array<i64: 2, 5000, 128>}, {transform_indices = @transform_1, window_bounds = array<i64: 5000, 128>}, {transform_indices = @transform_2, window_bounds = array<i64: 5000, 128>}, {pipeline_mode = #tpu.pipeline_mode<synchronous>, transform_indices = @transform_3, window_bounds = array<i64: 128, 128>}, {transform_indices = @transform_4, window_bounds = array<i64: 5000, 128>}]} {
    %get3A = arith.constant 0 : index
    %get3A_0 = arith.constant 0 : index
    %get3A_1 = arith.constant 0 : index
    %get3A_2 = vector.load %arg1[%get3A, %get3A_0, %get3A_1] : memref<2x5000x128xf32, #tpu.memory_space<vmem>>, vector<1x5000x128xf32>
    %get3A_3 = vector.shape_cast %get3A_2 : vector<1x5000x128xf32> to vector<5000x128xf32>
    %get3A_4 = arith.constant 1 : index
    %get3A_5 = arith.constant 0 : index
    %get3A_6 = arith.constant 0 : index
    %get3A_7 = vector.load %arg1[%get3A_4, %get3A_5, %get3A_6] : memref<2x5000x128xf32, #tpu.memory_space<vmem>>, vector<1x5000x128xf32>
    %get3A_8 = vector.shape_cast %get3A_7 : vector<1x5000x128xf32> to vector<5000x128xf32>
    %add3A = arith.addf %get3A_3, %get3A_8 : vector<5000x128xf32>
    %get3A_9 = arith.constant 0 : index
    %get3A_10 = arith.constant 0 : index
    %get3A_11 = vector.load %arg3[%get3A_9, %get3A_10] : memref<5000x128xf32, #tpu.memory_space<vmem>>, vector<5000x128xf32>
    %mul3A = arith.mulf %add3A, %get3A_11 : vector<5000x128xf32>
    %get3A_12 = arith.constant 0 : index
    %get3A_13 = arith.constant 0 : index
    %get3A_14 = vector.load %arg2[%get3A_12, %get3A_13] : memref<5000x128xf32, #tpu.memory_space<vmem>>, vector<5000x128xf32>
    %get3A_15 = arith.constant 0 : index
    %get3A_16 = arith.constant 0 : index
    %get3A_17 = vector.load %arg4[%get3A_15, %get3A_16] : memref<128x128xf32, #tpu.memory_space<vmem>>, vector<128x128xf32>
    %dot_general3A = arith.constant dense<0.000000e+00> : vector<5000x128xf32>
    %dot_general3A_18 = tpu.matmul %mul3A, %get3A_17, %dot_general3A {dimension_numbers = #tpu.dot_dimension_numbers<[1], [0], [0], [1], [0, 0, 1, 1], [], []>, transpose_lhs_hint = false} : vector<5000x128xf32>, vector<128x128xf32>, vector<5000x128xf32> -> vector<5000x128xf32>
    %add3A_19 = arith.addf %get3A_14, %dot_general3A_18 : vector<5000x128xf32>
    %swap3A = arith.constant 0 : index
    %swap3A_20 = arith.constant 0 : index
    %swap3A_21 = vector.load %arg5[%swap3A, %swap3A_20] : memref<5000x128xf32, #tpu.memory_space<vmem>>, vector<5000x128xf32>
    tpu.vector_store %arg5[%swap3A, %swap3A_20], %add3A_19 {strides = array<i32>} : memref<5000x128xf32, #tpu.memory_space<vmem>>, vector<5000x128xf32>,
    return
  }
  func.func @transform_0(%arg0: i32) -> (i32, i32, i32) {
    %c0_i32 = arith.constant 0 : i32
    %c0_i32_0 = arith.constant 0 : i32
    %c0_i32_1 = arith.constant 0 : i32
    return %c0_i32, %arg0, %c0_i32_0 : i32, i32, i32
  }
  func.func @transform_1(%arg0: i32) -> (i32, i32) {
    %c0_i32 = arith.constant 0 : i32
    %c0_i32_0 = arith.constant 0 : i32
    return %arg0, %c0_i32 : i32, i32
  }
  func.func @transform_2(%arg0: i32) -> (i32, i32) {
    %c0_i32 = arith.constant 0 : i32
    %c0_i32_0 = arith.constant 0 : i32
    return %arg0, %c0_i32 : i32, i32
  }
  func.func @transform_3(%arg0: i32) -> (i32, i32) {
    %c0_i32 = arith.constant 0 : i32
    %c0_i32_0 = arith.constant 0 : i32
    %c0_i32_1 = arith.constant 0 : i32
    return %c0_i32, %c0_i32_0 : i32, i32
  }
  func.func @transform_4(%arg0: i32) -> (i32, i32) {
    %c0_i32 = arith.constant 0 : i32
    %c0_i32_0 = arith.constant 0 : i32
    return %arg0, %c0_i32 : i32, i32
  }
}

</mosaic_0001>

<sc_bundles>
// kernel: kernel.12.cloned.1.call-start
scs
__scs_entry_jumppad:
0x0: {  	(pc) =	sbr.rel $0x88, $3  }
0x1: {  	(tag) =	ssettag $0x0;
	lr =	simm.s32 $0x1  }
0x2: {  	[smem:$0x3F99] =	sst lr;
	_ =	strace $0xD0000000  }
0x3: {  	_ = 	snop  }
0x4: {  	_ = 	snop  }
0x5: {  	_ = 	snop  }
0x6: {  	_ = 	snop  }
0x7: {  	_ = 	snop  }
__scs_overlays_trampoline_lowered:
0x8: {  	[smem:$0x3FA8] =	sst s0  }
0x9: {  	[smem:$0x3FA9] =	sst s1  }
0xa: {  	[smem:$0x3FAA] =	sst s2  }
0xb: {  	[smem:$0x3FAB] =	sst s3  }
0xc: {  	[smem:$0x3FAC] =	sst s4  }
0xd: {  	[smem:$0x3FAD] =	sst s5  }
0xe: {  	[smem:$0x3FAE] =	sst s6  }
0xf: {  	[smem:$0x3FAF] =	sst s7  }
0x10: {  	[smem:$0x3FB0] =	sst s8  }
0x11: {  	[smem:$0x3FB1] =	sst s9;
	s0 =	simm.s32 @!p0 $0x0  }
0x12: {  	s1 =	sld [smem:$0x3F97];
	s0 =	simm.s32 @p0 $0x1  }
0x13: {  	[smem:$0x3FB2] =	sst s0;
	s0 =	simm.s32 @!p1 $0x0  }
0x14: {  	s2 =	sld [smem:$0x3F96];
	s0 =	simm.s32 @p1 $0x1  }
0x15: {  	[smem:$0x3FB3] =	sst s0;
	s0 =	simm.s32 @!p2 $0x0  }
0x16: {  	s3 =	sld [smem:$0x3FDB];
	s0 =	simm.s32 @p2 $0x1  }
0x17: {  	s4 =	simm.s32 $0x1BF5;
	[smem:$0x3FB5] =	sst s0  }
0x18: {  	s0 =	sld [smem:$0x3F98];
	_ =	swait.ge [sflag:s4], $0x0  }
0x19: {  	s7 =	sld [smem:$0x3F99]  }
0x1a: {  	s8 =	sadd.s32 $0xFFFFE003, lr  }
0x1b: {  	s9 =	sadd.s32 $0xFFFFFEF7, lr;
	s5 =	simm.s32 $0xFFFFFFFF;
	p2 =	slt.u32 s8, $0xFFFFF086  }
0x1c: {  	p1 =	slt.u32 s9, $0xF7A;
	s5 =	simm.s32 @!p2 $0x0  }
0x1d: {  	s5 =	simm.s32 @p1 $0x1;
	p0 =	seq.s32 s7, s2  }
0x1e: {  	s7 =	smul.u32 @!p0 $0xF7A, s2;
	p2 =	seq.s32 @!p0 s5, $0x0  }
0x1f: {  	s9 =	smul.u32 $0xF7A, s1;
	s8 =	simm.s32 @!p0 $0x1BF5;
	p2 =	por !p2, p0  }
0x20: {  	[sflag:s8] =	ssyncset.s32 @!p0 $0xFFFFF086;
	s6 =	sadd.s32 @!p0 s3, s7;
	s7 =	simm.s32 @!p0 $0x108  }
0x21: {  	s3 =	sadd.s32 s3, s9;
	s6 =	sadd.s32 @!p0 $0x88, s6;
	s7 =	simm.s32 @p2 $0x1082  }
0x22: {  	[simem:s7], [sflag:s8] =	dma.local @!p0 [hbm:s6], $0xF7A  }
0x23: {  	s9 =	sor.u32 $0xD0000000, s2;
	s6 =	simm.s32 $0x108;
	_ =	swait.ge @!p0 [sflag:s8], $0x0  }
0x24: {  	s3 =	sadd.s32 $0x88, s3;
	s6 =	simm.s32 @!p1 $0x1082;
	[sflag:s4] =	ssyncset.s32 $0xFFFFF086  }
0x25: {  	[simem:s6], [sflag:s4] =	dma.local [hbm:s3], $0xF7A  }
0x26: {  	[smem:$0x3F99] =	sst s1;
	(tag) =	ssettag s2;
	_ =	strace s9  }
0x27: {  	s1 =	sld [smem:$0x3FA9]  }
0x28: {  	s2 =	sld [smem:$0x3FAA]  }
0x29: {  	s4 =	sld [smem:$0x3FAC]  }
0x2a: {  	p0 =	seq.s32 s5, $0x0;
	s5 =	sld [smem:$0x3FAD]  }
0x2b: {  	s6 =	sld [smem:$0x3FAE]  }
0x2c: {  	s7 =	sld [smem:$0x3FAF]  }
0x2d: {  	s3 =	simm.s32 $0x108;
	s8 =	sld [smem:$0x3FB0]  }
0x2e: {  	s3 =	simm.s32 @!p0 $0x1082;
	s9 =	sld [smem:$0x3FB1]  }
0x2f: {  	lr =	sadd.s32 s0, s3;
	s0 =	sld [smem:$0x3FA8]  }
0x30: {  	s3 =	sld [smem:$0x3FAB]  }
0x31: {  	[smem:$0x3FB4] =	sst s10  }
0x32: {  	s10 =	sld [smem:$0x3FB2];
	_ =	sdelay $0x3  }
0x33: {  	p0 =	seq.s32 s10, $0x1;
	s10 =	sld [smem:$0x3FB4];
	_ =	sdelay $0x3  }
0x34: {  	[smem:$0x3FB4] =	sst s10  }
0x35: {  	s10 =	sld [smem:$0x3FB3];
	_ =	sdelay $0x3  }
0x36: {  	p1 =	seq.s32 s10, $0x1;
	s10 =	sld [smem:$0x3FB4];
	_ =	sdelay $0x3  }
0x37: {  	[smem:$0x3FB4] =	sst s10  }
0x38: {  	s10 =	sld [smem:$0x3FB5]  }
0x39: {  	_ = 	snop;
	(pc) =	sbr.ind lr, $3  }
0x3a: {  	_ = 	snop  }
0x3b: {  	_ = 	snop  }
0x3c: {  	p2 =	seq.s32 s10, $0x1;
	s10 =	sld [smem:$0x3FB4]  }
0x3d: {  	_ =	shalt  }
0x3e: {  	_ =	shalt  }
0x3f: {  	_ =	shalt  }
0x40: {  	_ =	shalt  }
0x41: {  	_ =	shalt  }
0x42: {  	_ =	shalt  }
0x43: {  	_ =	shalt  }
0x44: {  	_ =	shalt  }
0x45: {  	_ =	shalt  }
0x46: {  	_ =	shalt  }
0x47: {  	_ =	shalt  }
0x48: {  	_ =	shalt  }
0x49: {  	_ =	shalt  }
0x4a: {  	_ =	shalt  }
0x4b: {  	_ =	shalt  }
0x4c: {  	_ =	shalt  }
0x4d: {  	_ =	shalt  }
0x4e: {  	_ =	shalt  }
0x4f: {  	_ =	shalt  }
0x50: {  	_ =	shalt  }
0x51: {  	_ =	shalt  }
0x52: {  	_ =	shalt  }
0x53: {  	_ =	shalt  }
0x54: {  	_ =	shalt  }
0x55: {  	_ =	shalt  }
0x56: {  	_ =	shalt  }
0x57: {  	_ =	shalt  }
0x58: {  	_ =	shalt  }
0x59: {  	_ =	shalt  }
0x5a: {  	_ =	shalt  }
0x5b: {  	_ =	shalt  }
0x5c: {  	_ =	shalt  }
0x5d: {  	_ =	shalt  }
0x5e: {  	_ =	shalt  }
0x5f: {  	_ =	shalt  }
0x60: {  	_ =	shalt  }
0x61: {  	_ =	shalt  }
0x62: {  	_ =	shalt  }
0x63: {  	_ =	shalt  }
0x64: {  	_ =	shalt  }
0x65: {  	_ =	shalt  }
0x66: {  	_ =	shalt  }
0x67: {  	_ =	shalt  }
0x68: {  	_ =	shalt  }
0x69: {  	_ =	shalt  }
0x6a: {  	_ =	shalt  }
0x6b: {  	_ =	shalt  }
0x6c: {  	_ =	shalt  }
0x6d: {  	_ =	shalt  }
0x6e: {  	_ =	shalt  }
0x6f: {  	_ =	shalt  }
0x70: {  	_ =	shalt  }
0x71: {  	_ =	shalt  }
0x72: {  	_ =	shalt  }
0x73: {  	_ =	shalt  }
0x74: {  	_ =	shalt  }
0x75: {  	_ =	shalt  }
0x76: {  	_ =	shalt  }
0x77: {  	_ =	shalt  }
0x78: {  	_ =	shalt  }
0x79: {  	_ =	shalt  }
0x7a: {  	_ =	shalt  }
0x7b: {  	_ =	shalt  }
0x7c: {  	_ =	shalt  }
0x7d: {  	_ =	shalt  }
0x7e: {  	_ =	shalt  }
0x7f: {  	_ =	shalt  }
0x80: {  	_ =	shalt  }
0x81: {  	_ =	shalt  }
0x82: {  	_ =	shalt  }
0x83: {  	_ =	shalt  }
0x84: {  	_ =	shalt  }
0x85: {  	_ =	shalt  }
0x86: {  	_ =	shalt  }
0x87: {  	_ =	shalt  }
.Lfunc_end0:
.L_simem_size_0:
called_computation.1_lowered:
.L_overlay_start_0:
0x88: {  	s2 =	sld [smem:$0x3FD9]  }
0x89: {  	s3 =	sld [smem:$0x3FFE];
	_ =	sdelay $0x1  }
0x8a: {  	s1 =	srdreg.scid  }
0x8b: {  	s0 =	sand.u32 $0x1, s1  }
0x8c: {  	s17 =	sshll.u32 s0, $0xA;
	s2 =	sadd.s32 s3, s2  }
0x8d: {  	s2 =	sadd.s32 s2, s17  }
0x8e: {  	[smem:$0x3FC0] =	sst s2  }
0x8f: {  	_ = 	snop  }
0x90: {  	s2 =	sld [smem:$0x3FD0];
	(tm) =	ssettm $0x1  }
0x91: {  	s18 =	sld [smem:$0x3FFB];
	_ =	sdelay $0x3  }
0x92: {  	_ =	strace s18  }
0x93: {  	s3 =	sld [smem:$0x3FFC];
	_ =	sdelay $0x3  }
0x94: {  	_ =	strace s3  }
0x95: {  	s3 =	sld [smem:$0x3FFD];
	_ =	sdelay $0x3  }
0x96: {  	_ =	strace s3  }
0x97: {  	_ =	strace $0x8FFFFFFF  }
0x98: {  	s19 =	sld [smem:$0x3FDB];
	_ =	sdelay $0x1  }
0x99: {  	s4 =	simm.s32 $_scs_section_size  }
0x9a: {  	s5 =	simm.s32 $_size__tile_overlayer_lowered;
	s6 =	simm.s32 $_tile_overlayer_lowered  }
0x9b: {  	s22 =	simm.s32 $0x1BFF;
	s21 =	sshll.u32 s6, $0x1;
	s3 =	sadd.s32 s4, s19  }
0x9c: {  	s7 =	simm.s32 $0x0;
	s20 =	sshll.u32 s5, $0x1;
	s5 =	sadd.s32 s21, s3  }
0x9d: {  	[timem:s7], [sflag:s22] =	dma.local [hbm:s5], s20  }
0x9e: {  	_ =	swait.ge [sflag:s22], s20  }
0x9f: {  	s4 =	ssub.s32 $0x0, s20;
	[sflag:s22] =	ssyncset.done $0x0  }
0xa0: {  	[sflag:s22] =	ssyncadd.s32 s4;
	_ =	sdelay $0x1  }
0xa1: {  	s23 =	simm.s32 $0x1B8B  }
0xa2: {  	_ =	swait.ge [sflag:s23], $0x1  }
0xa3: {  	[sflag:s23] =	ssyncset.done $0x0  }
0xa4: {  	s25 =	simm.s32 $0x1B8E;
	s24 =	sld [smem:$0x3FFE];
	[sflag:s23] =	ssyncadd.s32 $0xFFFFFFFF  }
0xa5: {  	s26 =	simm.s32 $execute0_lowered;
	[smem:$0x3FD2] =	sst s25  }
0xa6: {  	s5 =	sshll.u32 s26, $0x1;
	_ =	strace $0x80000049;
	[dreg:$0x1] =	wrdreg $0xFFFFFFFF  }
0xa7: {  	s28 =	simm.s32 $_size_execute0_lowered;
	s3 =	sadd.s32 s3, s5;
	[dreg:$0x0] =	wrdreg $0x0  }
0xa8: {  	s5 =	sshll.u32 s28, $0x1;
	[dreg:$0x2] =	wrdreg s3  }
0xa9: {  	[dreg:$0x3] =	wrdreg s5  }
0xaa: {  	[dreg:$0x4] =	wrdreg $0xC0  }
0xab: {  	_ =	task [dreg:s7], $0x5FFFF  }
0xac: {  	[dreg:$0x1] =	wrdreg $0xFFFFFFFF  }
0xad: {  	[dreg:$0x0] =	wrdreg $0x60  }
0xae: {  	[dreg:$0x2] =	wrdreg s2  }
0xaf: {  	[dreg:$0x3] =	wrdreg s24  }
0xb0: {  	[dreg:$0x4] =	wrdreg $0x90000  }
0xb1: {  	[dreg:$0x5] =	wrdreg $0x9  }
0xb2: {  	_ =	task.clear_ibuf [dreg:s7], $0x6FFFF;
	_ =	strace $0x90000049  }
0xb3: {  	s29 =	simm.s32 $0x9;
	_ =	strace $0x8000004B  }
0xb4: {  	_ =	swait.ge [sflag:s29], $0x1  }
0xb5: {  	[sflag:s29] =	ssyncadd.s32 $0xFFFFFFFF  }
0xb6: {  	_ =	strace $0x9000004B  }
0xb7: {  	_ =	sfence  }
0xb8: {  	s30 =	sld [smem:$0x0];
	_ =	sdelay $0x2  }
0xb9: {  	s31 =	sshll.u32 s1, $0xD;
	s1 =	sshrl.u32 s1, $0x2  }
0xba: {  	s3 =	sand.u32 $0x4000, s31;
	s1 =	sadd.s32 s1, s30  }
0xbb: {  	s0 =	sor.u32 s3, s0;
	s1 =	sshll.u32 s1, $0x11  }
0xbc: {  	s0 =	sor.u32 s1, s0  }
0xbd: {  	s0 =	sadd.s32 $0x8F2B, s0  }
0xbe: {  	[sflag:s0] =	ssyncadd.remote.s32 $0x1  }
0xbf: {  	_ =	sfence.sel $0xFFFF  }
0xc0: {  	[dreg:$0x0] =	wrdreg $0xFFFFFFFF;
	(pc) =	sbr.abs _section_cstart, $3  }
0xc1: {  	[dreg:$0x1] =	wrdreg $0xFFFFFFFF  }
0xc2: {  	_ =	task.clear_ibuf [dreg:s7], $0x2FFFF;
	_ =	strace $0x9FFFFFFF  }
0xc3: {  	(tm) =	ssettm $0x7FFFFFFF  }
tec
execute0_lowered:
.L_overlay_start_1:
0x0: {  	(tag) =	ssettag $0x1  }
0x1: {  	s1 =	rddreg [dreg:$0x0]  }
0x2: {  	s0 =	rddreg [dreg:$0x1]  }
0x3: {  	s2 =	rddreg [dreg:$0x2];
	s3 =	simm.s32 $0x0  }
0x4: {  	s4 =	srdreg.scid;
	s25 =	stileid.u32;
	s18 =	simm.s32 $0x1000  }
0x5: {  	s19 =	simm.s32 $0x5;
	s20 =	simm.s32 $0x3;
	s21 =	simm.s32 $0x4  }
0x6: {  	s22 =	simm.s32 $0x80;
	s23 =	simm.s32 $0x5000;
	s24 =	simm.s32 $0x1  }
0x7: {  	[smem:$0x7FF] =	sst s3;
	s6 =	sand.u32 $0x1, s4;
	s8 =	smul.u32 $0x14000, s25  }
0x8: {  	s16 =	sadd.s32 $0x2200, s0;
	s9 =	sshll.u32 s25, $0x1;
	s11 =	smul.u32 $0x50000, s25  }
0x9: {  	s15 =	sadd.s32 $0xC200, s0;
	s5 =	sadd.s32 $0x16200, s0;
	s12 =	smul.u32 $0x5000, s25  }
0xa: {  	s25 =	simm.s32 $0x2;
	_ =	strace $0x8000004A;
	s7 =	smul.u32 $0x140000, s6  }
0xb: {  	s9 =	sor.u32 s6, s9;
	s26 =	ssub.s32 $0x2, s6;
	s30 =	smul.u32 $0x2800, s6  }
0xc: {  	[dreg:$0x4] =	wrdreg s5;
	s9 =	smul.u32 $0x2800, s9;
	s10 =	sshrl.u32 s26, $0x1  }
0xd: {  	s29 =	sshrl.u32 s11, $0x2;
	s7 =	sadd.s32 s8, s7;
	s14 =	ssub.s32 s26, s10  }
0xe: {  	s8 =	sadd.s32 s29, s2;
	s13 =	sadd.s32 s30, s12;
	s26 =	simm.s32 $0x0  }
0xf: {  	s7 =	sshrl.u32 s7, $0x3;
	s28 =	sshrl.u32 s9, $0x3;
	s9 =	sadd.s32 $0x4000, s8  }
0x10: {  	s10 =	sadd.s32 $0x8000, s8;
	s11 =	sadd.s32 $0xC000, s8;
	s12 =	sadd.s32 $0x10000, s8  }
0x11: {  	s17 =	sor.u32 $0x400, s13;
	s14 =	smax.u32 s14, $0x1;
	s0 =	sadd.s32 s7, s0  }
0x12: {  	s6 =	sadd.s32 s16, s28;
	s7 =	sadd.s32 s15, s28;
	s31 =	sshrl.u32 s17, $0x3  }
0x13: {  	s13 =	sadd.s32 $0x16A00, s0;
	s15 =	sadd.s32 s31, s15;
	s16 =	sadd.s32 s31, s16  }
.LBB2_1:
0x14: {  	[tilespmem:s3], [sflag:$0x3] =	stream.linear.gather [hbm4b:s6+s3], $0x400, $0x38;
	[tilespmem:$0x1D000] =	vst v63  }
0x15: {  	s0 =	simm.s32 $0x800  }
0x16: {  	[tilespmem:s0], [sflag:$0x4] =	stream.linear.gather [hbm4b:s7+s3], $0x400, $0x38;
	[tilespmem:$0x1D000] =	vst v63  }
0x17: {  	s4 =	rddreg [dreg:$0x4]  }
0x18: {  	[tilespmem:s18], [sflag:$0x5] =	stream.linear.gather [hbm4b:s4+s3], $0x4000, $0x38;
	[tilespmem:$0x1D000] =	vst v63  }
0x19: {  	_ =	swait.ge [sflag:s19], $0x4000  }
0x1a: {  	[sflag:s19] =	ssyncset.done $0x0  }
0x1b: {  	[sflag:s19] =	ssyncadd.s32 $0xFFFFC000  }
0x1c: {  	[spmem:s8] =	stream.linear.scatter [tilespmem:s18], [sflag:$0x5], $0x4000, $0x38;
	[tilespmem:$0x1D000] =	vst v63  }
0x1d: {  	_ =	swait.ge [sflag:s19], $0x4000  }
0x1e: {  	[sflag:s19] =	ssyncset.done $0x0  }
0x1f: {  	[sflag:s19] =	ssyncadd.s32 $0xFFFFC000  }
0x20: {  	[spmem:s9] =	stream.linear.scatter [tilespmem:s18], [sflag:$0x5], $0x4000, $0x38;
	[tilespmem:$0x1D000] =	vst v63  }
0x21: {  	_ =	swait.ge [sflag:s19], $0x4000  }
0x22: {  	[sflag:s19] =	ssyncset.done $0x0  }
0x23: {  	[sflag:s19] =	ssyncadd.s32 $0xFFFFC000  }
0x24: {  	[spmem:s10] =	stream.linear.scatter [tilespmem:s18], [sflag:$0x5], $0x4000, $0x38;
	[tilespmem:$0x1D000] =	vst v63  }
0x25: {  	_ =	swait.ge [sflag:s19], $0x4000  }
0x26: {  	[sflag:s19] =	ssyncset.done $0x0  }
0x27: {  	[sflag:s19] =	ssyncadd.s32 $0xFFFFC000  }
0x28: {  	[spmem:s11] =	stream.linear.scatter [tilespmem:s18], [sflag:$0x5], $0x4000, $0x38;
	[tilespmem:$0x1D000] =	vst v63  }
0x29: {  	_ =	swait.ge [sflag:s19], $0x4000  }
0x2a: {  	[sflag:s19] =	ssyncset.done $0x0  }
0x2b: {  	[sflag:s19] =	ssyncadd.s32 $0xFFFFC000  }
0x2c: {  	[spmem:s12] =	stream.linear.scatter [tilespmem:s18], [sflag:$0x5], $0x4000, $0x38;
	[tilespmem:$0x1D000] =	vst v63  }
0x2d: {  	_ =	swait.ge [sflag:s19], $0x4000  }
0x2e: {  	[sflag:s19] =	ssyncset.done $0x0  }
0x2f: {  	[sflag:s19] =	ssyncadd.s32 $0xFFFFC000  }
0x30: {  	[bflag:$0x0] =	sbarrier.arrive $0xFFFF  }
0x31: {  	_ =	swait.ge [sflag:s20], $0x400  }
0x32: {  	[sflag:s20] =	ssyncset.done $0x0  }
0x33: {  	[sflag:s20] =	ssyncadd.s32 $0xFFFFFC00  }
0x34: {  	_ =	swait.ge [sflag:s21], $0x400  }
0x35: {  	p0 =	por $0x0, $0x0;
	[sflag:s21] =	ssyncset.done $0x0  }
0x36: {  	s0 =	sand.u32 @!p0 $0x400, s3;
	[sflag:s21] =	ssyncadd.s32 $0xFFFFFC00  }
0x37: {  	[tilespmem:s18], [sflag:$0x1] =	stream.indirect.gather [hbm4b:s1+s22], $0x80, s3, s22, $0xb8;
	[tilespmem:$0x1D000] =	vst v63  }
0x38: {  	s17 =	simm.s32 @!p0 $0x0;
	s28 =	sxor.u32 @!p0 $0x400, s0  }
0x39: {  	[tilespmem:s28], [sflag:$0x3] =	stream.linear.gather @!p0 [hbm4b:s16+s17], $0x400, $0x38;
	[tilespmem:$0x1D000] =	vst v63  }
0x3a: {  	s28 =	sxor.u32 @!p0 $0xC00, s0;
	s0 =	simm.s32 @p0 $0x400  }
0x3b: {  	[tilespmem:s28], [sflag:$0x4] =	stream.linear.gather @!p0 [hbm4b:s15+s17], $0x400, $0x38;
	[tilespmem:$0x1D000] =	vst v63  }
0x3c: {  	s5 =	sor.u32 $0x80, s0  }
0x3d: {  	[tilespmem:s23], [sflag:$0x2] =	stream.indirect.gather [hbm4b:s1+s22], $0x80, s5, s22, $0xb8;
	[tilespmem:$0x1D000] =	vst v63  }
0x3e: {  	_ =	swait.ge [sflag:s24], $0x4000  }
0x3f: {  	[sflag:s24] =	ssyncset.done $0x0  }
0x40: {  	s4 =	sor.u32 $0x800, s0;
	[sflag:s24] =	ssyncadd.s32 $0xFFFFC000  }
0x41: {  	[spmem:s2] =	stream.indirect.scatter.add.f32 [tilespmem:s18], [sflag:$0x5], $0x80, s4, s22, $0xb8;
	[tilespmem:$0x1D000] =	vst v63  }
0x42: {  	_ =	swait.ge [sflag:s19], $0x4000  }
0x43: {  	[sflag:s19] =	ssyncset.done $0x0  }
0x44: {  	s5 =	sor.u32 $0x100, s0;
	[sflag:s19] =	ssyncadd.s32 $0xFFFFC000  }
0x45: {  	[tilespmem:s18], [sflag:$0x1] =	stream.indirect.gather [hbm4b:s1+s22], $0x80, s5, s22, $0xb8;
	[tilespmem:$0x1D000] =	vst v63  }
0x46: {  	_ =	swait.ge [sflag:s25], $0x4000  }
0x47: {  	[sflag:s25] =	ssyncset.done $0x0  }
0x48: {  	s4 =	sor.u32 $0x880, s0;
	[sflag:s25] =	ssyncadd.s32 $0xFFFFC000  }
0x49: {  	[spmem:s2] =	stream.indirect.scatter.add.f32 [tilespmem:s23], [sflag:$0x5], $0x80, s4, s22, $0xb8;
	[tilespmem:$0x1D000] =	vst v63  }
0x4a: {  	_ =	swait.ge [sflag:s19], $0x4000  }
0x4b: {  	[sflag:s19] =	ssyncset.done $0x0  }
0x4c: {  	s5 =	sor.u32 $0x180, s0;
	[sflag:s19] =	ssyncadd.s32 $0xFFFFC000  }
0x4d: {  	[tilespmem:s23], [sflag:$0x2] =	stream.indirect.gather [hbm4b:s1+s22], $0x80, s5, s22, $0xb8;
	[tilespmem:$0x1D000] =	vst v63  }
0x4e: {  	_ =	swait.ge [sflag:s24], $0x4000  }
0x4f: {  	[sflag:s24] =	ssyncset.done $0x0  }
0x50: {  	s4 =	sor.u32 $0x900, s0;
	[sflag:s24] =	ssyncadd.s32 $0xFFFFC000  }
0x51: {  	[spmem:s2] =	stream.indirect.scatter.add.f32 [tilespmem:s18], [sflag:$0x5], $0x80, s4, s22, $0xb8;
	[tilespmem:$0x1D000] =	vst v63  }
0x52: {  	_ =	swait.ge [sflag:s19], $0x4000  }
0x53: {  	[sflag:s19] =	ssyncset.done $0x0  }
0x54: {  	s5 =	sor.u32 $0x200, s0;
	[sflag:s19] =	ssyncadd.s32 $0xFFFFC000  }
0x55: {  	[tilespmem:s18], [sflag:$0x1] =	stream.indirect.gather [hbm4b:s1+s22], $0x80, s5, s22, $0xb8;
	[tilespmem:$0x1D000] =	vst v63  }
0x56: {  	_ =	swait.ge [sflag:s25], $0x4000  }
0x57: {  	[sflag:s25] =	ssyncset.done $0x0  }
0x58: {  	s4 =	sor.u32 $0x980, s0;
	[sflag:s25] =	ssyncadd.s32 $0xFFFFC000  }
0x59: {  	[spmem:s2] =	stream.indirect.scatter.add.f32 [tilespmem:s23], [sflag:$0x5], $0x80, s4, s22, $0xb8;
	[tilespmem:$0x1D000] =	vst v63  }
0x5a: {  	_ =	swait.ge [sflag:s19], $0x4000  }
0x5b: {  	[sflag:s19] =	ssyncset.done $0x0  }
0x5c: {  	s5 =	sor.u32 $0x280, s0;
	[sflag:s19] =	ssyncadd.s32 $0xFFFFC000  }
0x5d: {  	[tilespmem:s23], [sflag:$0x2] =	stream.indirect.gather [hbm4b:s1+s22], $0x80, s5, s22, $0xb8;
	[tilespmem:$0x1D000] =	vst v63  }
0x5e: {  	_ =	swait.ge [sflag:s24], $0x4000  }
0x5f: {  	[sflag:s24] =	ssyncset.done $0x0  }
0x60: {  	s4 =	sor.u32 $0xA00, s0;
	[sflag:s24] =	ssyncadd.s32 $0xFFFFC000  }
0x61: {  	[spmem:s2] =	stream.indirect.scatter.add.f32 [tilespmem:s18], [sflag:$0x5], $0x80, s4, s22, $0xb8;
	[tilespmem:$0x1D000] =	vst v63  }
0x62: {  	_ =	swait.ge [sflag:s19], $0x4000  }
0x63: {  	[sflag:s19] =	ssyncset.done $0x0  }
0x64: {  	s5 =	sor.u32 $0x300, s0;
	[sflag:s19] =	ssyncadd.s32 $0xFFFFC000  }
0x65: {  	[tilespmem:s18], [sflag:$0x1] =	stream.indirect.gather [hbm4b:s1+s22], $0x80, s5, s22, $0xb8;
	[tilespmem:$0x1D000] =	vst v63  }
0x66: {  	_ =	swait.ge [sflag:s25], $0x4000  }
0x67: {  	[sflag:s25] =	ssyncset.done $0x0  }
0x68: {  	s4 =	sor.u32 $0xA80, s0;
	[sflag:s25] =	ssyncadd.s32 $0xFFFFC000  }
0x69: {  	[spmem:s2] =	stream.indirect.scatter.add.f32 [tilespmem:s23], [sflag:$0x5], $0x80, s4, s22, $0xb8;
	[tilespmem:$0x1D000] =	vst v63  }
0x6a: {  	_ =	swait.ge [sflag:s19], $0x4000  }
0x6b: {  	[sflag:s19] =	ssyncset.done $0x0  }
0x6c: {  	s5 =	sor.u32 $0x380, s0;
	[sflag:s19] =	ssyncadd.s32 $0xFFFFC000  }
0x6d: {  	[tilespmem:s23], [sflag:$0x2] =	stream.indirect.gather [hbm4b:s1+s22], $0x80, s5, s22, $0xb8;
	[tilespmem:$0x1D000] =	vst v63  }
0x6e: {  	_ =	swait.ge [sflag:s24], $0x4000  }
0x6f: {  	[sflag:s24] =	ssyncset.done $0x0  }
0x70: {  	s28 =	sor.u32 $0xB00, s0;
	[sflag:s24] =	ssyncadd.s32 $0xFFFFC000  }
0x71: {  	[spmem:s2] =	stream.indirect.scatter.add.f32 [tilespmem:s18], [sflag:$0x5], $0x80, s28, s22, $0xb8;
	[tilespmem:$0x1D000] =	vst v63  }
0x72: {  	_ =	swait.ge [sflag:s19], $0x4000  }
0x73: {  	[sflag:s19] =	ssyncset.done $0x0  }
0x74: {  	s28 =	simm.s32 @!p0 $0x3;
	[sflag:s19] =	ssyncadd.s32 $0xFFFFC000  }
0x75: {  	_ =	swait.ge @!p0 [sflag:s28], $0x400  }
0x76: {  	[sflag:s28] =	ssyncset.done @!p0 $0x0  }
0x77: {  	[sflag:s28] =	ssyncadd.s32 @!p0 $0xFFFFFC00;
	s28 =	simm.s32 @!p0 $0x4  }
0x78: {  	_ =	swait.ge @!p0 [sflag:s28], $0x400  }
0x79: {  	s29 =	simm.s32 @!p0 $0x1000;
	[sflag:s28] =	ssyncset.done @!p0 $0x0  }
0x7a: {  	s0 =	ssub.s32 @!p0 $0x400, s0;
	[sflag:s28] =	ssyncadd.s32 @!p0 $0xFFFFFC00;
	s28 =	simm.s32 @!p0 $0x80  }
0x7b: {  	[tilespmem:s29], [sflag:$0x1] =	stream.indirect.gather @!p0 [hbm4b:s1+s28], $0x80, s0, s28, $0xb8;
	[tilespmem:$0x1D000] =	vst v63  }
0x7c: {  	_ =	swait.ge [sflag:s25], $0x4000  }
0x7d: {  	s30 =	sadd.s32 $0x80, s16;
	s31 =	sadd.s32 $0x80, s15;
	[sflag:s25] =	ssyncset.done $0x0  }
0x7e: {  	s17 =	sor.u32 $0x800, s5;
	s0 =	simm.s32 $0x400;
	[sflag:s25] =	ssyncadd.s32 $0xFFFFC000  }
0x7f: {  	[spmem:s2] =	stream.indirect.scatter.add.f32 [tilespmem:s23], [sflag:$0x5], $0x80, s17, s22, $0xb8;
	[tilespmem:$0x1D000] =	vst v63  }
0x80: {  	s29 =	simm.s32 $0x800;
	p0 =	por $0x0, $0x0;
	_ =	swait.ge [sflag:s19], $0x4000  }
0x81: {  	s28 =	sand.u32 @!p0 $0x400, s0;
	s17 =	simm.s32 @!p0 $0x0;
	[sflag:s19] =	ssyncset.done $0x0  }
.LBB2_2:
0x82: {  	s4 =	sxor.u32 @!p0 $0x400, s28  }
0x83: {  	[sflag:s19] =	ssyncadd.s32 $0xFFFFC000;
	s0 =	smov.u32 s29;
	s29 =	sadd.s32 $0x400, s29  }
0x84: {  	[tilespmem:s4], [sflag:$0x3] =	stream.linear.gather @!p0 [hbm4b:s30+s17], $0x400, $0x38;
	[tilespmem:$0x1D000] =	vst v63  }
0x85: {  	p1 =	sne.s32 s29, $0x2800;
	s4 =	sxor.u32 @!p0 $0xC00, s28;
	s28 =	simm.s32 @p0 $0x400  }
0x86: {  	[tilespmem:s4], [sflag:$0x4] =	stream.linear.gather @!p0 [hbm4b:s31+s17], $0x400, $0x38;
	[tilespmem:$0x1D000] =	vst v63  }
0x87: {  	s4 =	sor.u32 $0x80, s28;
	s17 =	ssub.s32 @!p0 $0x400, s28  }
0x88: {  	[tilespmem:s23], [sflag:$0x2] =	stream.indirect.gather [hbm4b:s1+s22], $0x80, s4, s22, $0xb8;
	[tilespmem:$0x1D000] =	vst v63  }
0x89: {  	_ =	swait.ge [sflag:s24], $0x4000  }
0x8a: {  	[sflag:s24] =	ssyncset.done $0x0  }
0x8b: {  	s4 =	sor.u32 $0x800, s28;
	[sflag:s24] =	ssyncadd.s32 $0xFFFFC000  }
0x8c: {  	[spmem:s2] =	stream.indirect.scatter.add.f32 [tilespmem:s18], [sflag:$0x5], $0x80, s4, s22, $0xb8;
	[tilespmem:$0x1D000] =	vst v63  }
0x8d: {  	_ =	swait.ge [sflag:s19], $0x4000  }
0x8e: {  	[sflag:s19] =	ssyncset.done $0x0  }
0x8f: {  	s4 =	sor.u32 $0x100, s28;
	[sflag:s19] =	ssyncadd.s32 $0xFFFFC000  }
0x90: {  	[tilespmem:s18], [sflag:$0x1] =	stream.indirect.gather [hbm4b:s1+s22], $0x80, s4, s22, $0xb8;
	[tilespmem:$0x1D000] =	vst v63  }
0x91: {  	_ =	swait.ge [sflag:s25], $0x4000  }
0x92: {  	[sflag:s25] =	ssyncset.done $0x0  }
0x93: {  	s4 =	sor.u32 $0x880, s28;
	[sflag:s25] =	ssyncadd.s32 $0xFFFFC000  }
0x94: {  	[spmem:s2] =	stream.indirect.scatter.add.f32 [tilespmem:s23], [sflag:$0x5], $0x80, s4, s22, $0xb8;
	[tilespmem:$0x1D000] =	vst v63  }
0x95: {  	_ =	swait.ge [sflag:s19], $0x4000  }
0x96: {  	[sflag:s19] =	ssyncset.done $0x0  }
0x97: {  	s4 =	sor.u32 $0x180, s28;
	[sflag:s19] =	ssyncadd.s32 $0xFFFFC000  }
0x98: {  	[tilespmem:s23], [sflag:$0x2] =	stream.indirect.gather [hbm4b:s1+s22], $0x80, s4, s22, $0xb8;
	[tilespmem:$0x1D000] =	vst v63  }
0x99: {  	_ =	swait.ge [sflag:s24], $0x4000  }
0x9a: {  	[sflag:s24] =	ssyncset.done $0x0  }
0x9b: {  	s4 =	sor.u32 $0x900, s28;
	[sflag:s24] =	ssyncadd.s32 $0xFFFFC000  }
0x9c: {  	[spmem:s2] =	stream.indirect.scatter.add.f32 [tilespmem:s18], [sflag:$0x5], $0x80, s4, s22, $0xb8;
	[tilespmem:$0x1D000] =	vst v63  }
0x9d: {  	_ =	swait.ge [sflag:s19], $0x4000  }
0x9e: {  	[sflag:s19] =	ssyncset.done $0x0  }
0x9f: {  	s4 =	sor.u32 $0x200, s28;
	[sflag:s19] =	ssyncadd.s32 $0xFFFFC000  }
0xa0: {  	[tilespmem:s18], [sflag:$0x1] =	stream.indirect.gather [hbm4b:s1+s22], $0x80, s4, s22, $0xb8;
	[tilespmem:$0x1D000] =	vst v63  }
0xa1: {  	_ =	swait.ge [sflag:s25], $0x4000  }
0xa2: {  	[sflag:s25] =	ssyncset.done $0x0  }
0xa3: {  	s4 =	sor.u32 $0x980, s28;
	[sflag:s25] =	ssyncadd.s32 $0xFFFFC000  }
0xa4: {  	[spmem:s2] =	stream.indirect.scatter.add.f32 [tilespmem:s23], [sflag:$0x5], $0x80, s4, s22, $0xb8;
	[tilespmem:$0x1D000] =	vst v63  }
0xa5: {  	_ =	swait.ge [sflag:s19], $0x4000  }
0xa6: {  	[sflag:s19] =	ssyncset.done $0x0  }
0xa7: {  	s4 =	sor.u32 $0x280, s28;
	[sflag:s19] =	ssyncadd.s32 $0xFFFFC000  }
0xa8: {  	[tilespmem:s23], [sflag:$0x2] =	stream.indirect.gather [hbm4b:s1+s22], $0x80, s4, s22, $0xb8;
	[tilespmem:$0x1D000] =	vst v63  }
0xa9: {  	_ =	swait.ge [sflag:s24], $0x4000  }
0xaa: {  	[sflag:s24] =	ssyncset.done $0x0  }
0xab: {  	s4 =	sor.u32 $0xA00, s28;
	[sflag:s24] =	ssyncadd.s32 $0xFFFFC000  }
0xac: {  	[spmem:s2] =	stream.indirect.scatter.add.f32 [tilespmem:s18], [sflag:$0x5], $0x80, s4, s22, $0xb8;
	[tilespmem:$0x1D000] =	vst v63  }
0xad: {  	_ =	swait.ge [sflag:s19], $0x4000  }
0xae: {  	[sflag:s19] =	ssyncset.done $0x0  }
0xaf: {  	s4 =	sor.u32 $0x300, s28;
	[sflag:s19] =	ssyncadd.s32 $0xFFFFC000  }
0xb0: {  	[tilespmem:s18], [sflag:$0x1] =	stream.indirect.gather [hbm4b:s1+s22], $0x80, s4, s22, $0xb8;
	[tilespmem:$0x1D000] =	vst v63  }
0xb1: {  	_ =	swait.ge [sflag:s25], $0x4000  }
0xb2: {  	[sflag:s25] =	ssyncset.done $0x0  }
0xb3: {  	s4 =	sor.u32 $0xA80, s28;
	[sflag:s25] =	ssyncadd.s32 $0xFFFFC000  }
0xb4: {  	[spmem:s2] =	stream.indirect.scatter.add.f32 [tilespmem:s23], [sflag:$0x5], $0x80, s4, s22, $0xb8;
	[tilespmem:$0x1D000] =	vst v63  }
0xb5: {  	_ =	swait.ge [sflag:s19], $0x4000  }
0xb6: {  	[sflag:s19] =	ssyncset.done $0x0  }
0xb7: {  	s4 =	sor.u32 $0x380, s28;
	[sflag:s19] =	ssyncadd.s32 $0xFFFFC000  }
0xb8: {  	[tilespmem:s23], [sflag:$0x2] =	stream.indirect.gather [hbm4b:s1+s22], $0x80, s4, s22, $0xb8;
	[tilespmem:$0x1D000] =	vst v63  }
0xb9: {  	_ =	swait.ge [sflag:s24], $0x4000  }
0xba: {  	[sflag:s24] =	ssyncset.done $0x0  }
0xbb: {  	s28 =	sor.u32 $0xB00, s28;
	[sflag:s24] =	ssyncadd.s32 $0xFFFFC000  }
0xbc: {  	[spmem:s2] =	stream.indirect.scatter.add.f32 [tilespmem:s18], [sflag:$0x5], $0x80, s28, s22, $0xb8;
	[tilespmem:$0x1D000] =	vst v63  }
0xbd: {  	_ =	swait.ge [sflag:s19], $0x4000  }
0xbe: {  	[sflag:s19] =	ssyncset.done $0x0  }
0xbf: {  	s28 =	simm.s32 @!p0 $0x3;
	[sflag:s19] =	ssyncadd.s32 $0xFFFFC000  }
0xc0: {  	_ =	swait.ge @!p0 [sflag:s28], $0x400  }
0xc1: {  	[sflag:s28] =	ssyncset.done @!p0 $0x0  }
0xc2: {  	[sflag:s28] =	ssyncadd.s32 @!p0 $0xFFFFFC00;
	s28 =	simm.s32 @!p0 $0x4  }
0xc3: {  	_ =	swait.ge @!p0 [sflag:s28], $0x400  }
0xc4: {  	[sflag:s28] =	ssyncset.done @!p0 $0x0  }
0xc5: {  	s5 =	simm.s32 @!p0 $0x1000;
	[sflag:s28] =	ssyncadd.s32 @!p0 $0xFFFFFC00;
	s28 =	simm.s32 @!p0 $0x80  }
0xc6: {  	[tilespmem:s5], [sflag:$0x1] =	stream.indirect.gather @!p0 [hbm4b:s1+s28], $0x80, s17, s28, $0xb8;
	[tilespmem:$0x1D000] =	vst v63  }
0xc7: {  	_ =	swait.ge [sflag:s25], $0x4000  }
.Ltmp0:
0xc8: {  	[sflag:s25] =	ssyncset.done $0x0;
	(pc) =	sbr.rel @p1 .LBB2_2-.Ltmp0, $4  }
0xc9: {  	s30 =	sadd.s32 $0x80, s30;
	s4 =	sor.u32 $0x800, s4;
	[sflag:s25] =	ssyncadd.s32 $0xFFFFC000  }
0xca: {  	[spmem:s2] =	stream.indirect.scatter.add.f32 [tilespmem:s23], [sflag:$0x5], $0x80, s4, s22, $0xb8;
	[tilespmem:$0x1D000] =	vst v63  }
0xcb: {  	s31 =	sadd.s32 $0x80, s31;
	p0 =	seq.s32 s0, $0x2400;
	_ =	swait.ge [sflag:s19], $0x4000  }
0xcc: {  	s28 =	sand.u32 @!p0 $0x400, s0;
	s17 =	simm.s32 @!p0 $0x0;
	[sflag:s19] =	ssyncset.done $0x0  }
0xcd: {  	s0 =	sxor.u32 @!p0 $0x400, s28;
	[sflag:s19] =	ssyncadd.s32 $0xFFFFC000  }
0xce: {  	[tilespmem:s0], [sflag:$0x3] =	stream.linear.gather @!p0 [hbm4b:s30+s17], $0x400, $0x38;
	[tilespmem:$0x1D000] =	vst v63  }
0xcf: {  	s0 =	sxor.u32 @!p0 $0xC00, s28;
	s28 =	simm.s32 @p0 $0x400  }
0xd0: {  	[tilespmem:s0], [sflag:$0x4] =	stream.linear.gather @!p0 [hbm4b:s31+s17], $0x400, $0x38;
	[tilespmem:$0x1D000] =	vst v63  }
0xd1: {  	s29 =	sor.u32 $0x80, s28  }
0xd2: {  	[tilespmem:s23], [sflag:$0x2] =	stream.indirect.gather [hbm4b:s1+s22], $0x80, s29, s22, $0xb8;
	[tilespmem:$0x1D000] =	vst v63  }
0xd3: {  	_ =	swait.ge [sflag:s24], $0x4000  }
0xd4: {  	[sflag:s24] =	ssyncset.done $0x0  }
0xd5: {  	s30 =	sor.u32 $0x800, s28;
	[sflag:s24] =	ssyncadd.s32 $0xFFFFC000  }
0xd6: {  	[spmem:s2] =	stream.indirect.scatter.add.f32 [tilespmem:s18], [sflag:$0x5], $0x80, s30, s22, $0xb8;
	[tilespmem:$0x1D000] =	vst v63  }
0xd7: {  	_ =	swait.ge [sflag:s19], $0x4000  }
0xd8: {  	[sflag:s19] =	ssyncset.done $0x0  }
0xd9: {  	s31 =	sor.u32 $0x100, s28;
	[sflag:s19] =	ssyncadd.s32 $0xFFFFC000  }
0xda: {  	[tilespmem:s18], [sflag:$0x1] =	stream.indirect.gather [hbm4b:s1+s22], $0x80, s31, s22, $0xb8;
	[tilespmem:$0x1D000] =	vst v63  }
0xdb: {  	_ =	swait.ge [sflag:s25], $0x4000  }
0xdc: {  	[sflag:s25] =	ssyncset.done $0x0  }
0xdd: {  	s4 =	sor.u32 $0x880, s28;
	[sflag:s25] =	ssyncadd.s32 $0xFFFFC000  }
0xde: {  	[spmem:s2] =	stream.indirect.scatter.add.f32 [tilespmem:s23], [sflag:$0x5], $0x80, s4, s22, $0xb8;
	[tilespmem:$0x1D000] =	vst v63  }
0xdf: {  	_ =	swait.ge [sflag:s19], $0x4000  }
0xe0: {  	[sflag:s19] =	ssyncset.done $0x0  }
0xe1: {  	s5 =	sor.u32 $0x180, s28;
	[sflag:s19] =	ssyncadd.s32 $0xFFFFC000  }
0xe2: {  	[tilespmem:s23], [sflag:$0x2] =	stream.indirect.gather [hbm4b:s1+s22], $0x80, s5, s22, $0xb8;
	[tilespmem:$0x1D000] =	vst v63  }
0xe3: {  	_ =	swait.ge [sflag:s24], $0x4000  }
0xe4: {  	[sflag:s24] =	ssyncset.done $0x0  }
0xe5: {  	s17 =	sor.u32 $0x900, s28;
	[sflag:s24] =	ssyncadd.s32 $0xFFFFC000  }
0xe6: {  	[spmem:s2] =	stream.indirect.scatter.add.f32 [tilespmem:s18], [sflag:$0x5], $0x80, s17, s22, $0xb8;
	[tilespmem:$0x1D000] =	vst v63  }
0xe7: {  	_ =	swait.ge [sflag:s19], $0x4000  }
0xe8: {  	[sflag:s19] =	ssyncset.done $0x0  }
0xe9: {  	s29 =	sor.u32 $0x200, s28;
	[sflag:s19] =	ssyncadd.s32 $0xFFFFC000  }
0xea: {  	[tilespmem:s18], [sflag:$0x1] =	stream.indirect.gather [hbm4b:s1+s22], $0x80, s29, s22, $0xb8;
	[tilespmem:$0x1D000] =	vst v63  }
0xeb: {  	_ =	swait.ge [sflag:s25], $0x4000  }
0xec: {  	[sflag:s25] =	ssyncset.done $0x0  }
0xed: {  	s30 =	sor.u32 $0x980, s28;
	[sflag:s25] =	ssyncadd.s32 $0xFFFFC000  }
0xee: {  	[spmem:s2] =	stream.indirect.scatter.add.f32 [tilespmem:s23], [sflag:$0x5], $0x80, s30, s22, $0xb8;
	[tilespmem:$0x1D000] =	vst v63  }
0xef: {  	_ =	swait.ge [sflag:s19], $0x4000  }
0xf0: {  	[sflag:s19] =	ssyncset.done $0x0  }
0xf1: {  	s31 =	sor.u32 $0x280, s28;
	[sflag:s19] =	ssyncadd.s32 $0xFFFFC000  }
0xf2: {  	[tilespmem:s23], [sflag:$0x2] =	stream.indirect.gather [hbm4b:s1+s22], $0x80, s31, s22, $0xb8;
	[tilespmem:$0x1D000] =	vst v63  }
0xf3: {  	_ =	swait.ge [sflag:s24], $0x4000  }
0xf4: {  	[sflag:s24] =	ssyncset.done $0x0  }
0xf5: {  	s4 =	sor.u32 $0xA00, s28;
	[sflag:s24] =	ssyncadd.s32 $0xFFFFC000  }
0xf6: {  	[spmem:s2] =	stream.indirect.scatter.add.f32 [tilespmem:s18], [sflag:$0x5], $0x80, s4, s22, $0xb8;
	[tilespmem:$0x1D000] =	vst v63  }
0xf7: {  	_ =	swait.ge [sflag:s19], $0x4000  }
0xf8: {  	[sflag:s19] =	ssyncset.done $0x0  }
0xf9: {  	s5 =	sor.u32 $0x300, s28;
	[sflag:s19] =	ssyncadd.s32 $0xFFFFC000  }
0xfa: {  	[tilespmem:s18], [sflag:$0x1] =	stream.indirect.gather [hbm4b:s1+s22], $0x80, s5, s22, $0xb8;
	[tilespmem:$0x1D000] =	vst v63  }
0xfb: {  	_ =	swait.ge [sflag:s25], $0x4000  }
0xfc: {  	[sflag:s25] =	ssyncset.done $0x0  }
0xfd: {  	s17 =	sor.u32 $0xA80, s28;
	[sflag:s25] =	ssyncadd.s32 $0xFFFFC000  }
0xfe: {  	[spmem:s2] =	stream.indirect.scatter.add.f32 [tilespmem:s23], [sflag:$0x5], $0x80, s17, s22, $0xb8;
	[tilespmem:$0x1D000] =	vst v63  }
0xff: {  	_ =	swait.ge [sflag:s19], $0x4000  }
0x100: {  	[sflag:s19] =	ssyncset.done $0x0  }
0x101: {  	s29 =	sor.u32 $0x380, s28;
	[sflag:s19] =	ssyncadd.s32 $0xFFFFC000  }
0x102: {  	[tilespmem:s23], [sflag:$0x2] =	stream.indirect.gather [hbm4b:s1+s22], $0x80, s29, s22, $0xb8;
	[tilespmem:$0x1D000] =	vst v63  }
0x103: {  	_ =	swait.ge [sflag:s24], $0x4000  }
0x104: {  	[sflag:s24] =	ssyncset.done $0x0  }
0x105: {  	s4 =	sor.u32 $0xB00, s28;
	[sflag:s24] =	ssyncadd.s32 $0xFFFFC000  }
0x106: {  	[spmem:s2] =	stream.indirect.scatter.add.f32 [tilespmem:s18], [sflag:$0x5], $0x80, s4, s22, $0xb8;
	[tilespmem:$0x1D000] =	vst v63  }
0x107: {  	_ =	swait.ge [sflag:s19], $0x4000  }
0x108: {  	[sflag:s19] =	ssyncset.done $0x0  }
0x109: {  	s4 =	simm.s32 @!p0 $0x3;
	[sflag:s19] =	ssyncadd.s32 $0xFFFFC000  }
0x10a: {  	_ =	swait.ge @!p0 [sflag:s4], $0x400  }
0x10b: {  	[sflag:s4] =	ssyncset.done @!p0 $0x0  }
0x10c: {  	[sflag:s4] =	ssyncadd.s32 @!p0 $0xFFFFFC00;
	s4 =	simm.s32 @!p0 $0x4  }
0x10d: {  	_ =	swait.ge @!p0 [sflag:s4], $0x400  }
0x10e: {  	s5 =	ssub.s32 @!p0 $0x400, s28;
	[sflag:s4] =	ssyncset.done @!p0 $0x0  }
0x10f: {  	s17 =	simm.s32 @!p0 $0x1000;
	[sflag:s4] =	ssyncadd.s32 @!p0 $0xFFFFFC00;
	s4 =	simm.s32 @!p0 $0x80  }
0x110: {  	[tilespmem:s17], [sflag:$0x1] =	stream.indirect.gather @!p0 [hbm4b:s1+s4], $0x80, s5, s4, $0xb8;
	[tilespmem:$0x1D000] =	vst v63  }
0x111: {  	_ =	swait.ge [sflag:s25], $0x4000  }
0x112: {  	[sflag:s25] =	ssyncset.done $0x0  }
0x113: {  	s0 =	sor.u32 $0x800, s29;
	[sflag:s25] =	ssyncadd.s32 $0xFFFFC000  }
0x114: {  	[spmem:s2] =	stream.indirect.scatter.add.f32 [tilespmem:s23], [sflag:$0x5], $0x80, s0, s22, $0xb8;
	[tilespmem:$0x1D000] =	vst v63  }
0x115: {  	s26 =	sadd.s32 $0x1, s26;
	_ =	swait.ge [sflag:s19], $0x4000  }
0x116: {  	s30 =	stileid.u32;
	s31 =	sshrl.u32 s8, $0x3;
	[sflag:s19] =	ssyncset.done $0x0  }
0x117: {  	p0 =	sne.s32 s26, s14;
	s0 =	sshll.u32 s30, $0x6;
	[sflag:s19] =	ssyncadd.s32 $0xFFFFC000  }
.Ltmp1:
0x118: {  	s0 =	sor.u32 $0x1C05, s0;
	[bflag:$0x0] =	sbarrier.arrive $0xFFFF;
	(pc) =	sbr.rel @p0 .LBB2_1-.Ltmp1, $4  }
0x119: {  	[hbm:s13], [sflag:s0] =	dma.local [spmem:s31], $0x2800  }
0x11a: {  	_ =	swait.ge [sflag:s19], $0x2800  }
0x11b: {  	[sflag:s19] =	ssyncset.done $0x0  }
0x11c: {  	[sflag:s19] =	ssyncadd.s32 $0xFFFFD800  }
0x11d: {  	_ =	sfence.sel $0x180000  }
0x11e: {  	[bflag:$0x0] =	sbarrier.arrive $0xFFFF  }
0x11f: {  	_ =	strace $0x9000004A  }
0x120: {  	s0 =	stileid.u32;
	[bflag:$0x2] =	sbarrier.arrive $0xFFFF  }
0x121: {  	p0 =	sne.s32 s0, $0x0;
	s0 =	rddreg [dreg:$0x3]  }
0x122: {  	s0 =	sadd.s32 @!p0 $0x100000, s0  }
0x123: {  	[sflag:s0] =	ssyncadd.tile.s32 @!p0 $0x1;
	_ =	shalt  }
.Lfunc_end2:
_tile_overlayer_lowered:
.L_overlay_start_2:
0x124: {  	(tag) =	ssettag $0x2  }
0x125: {  	s0 =	rddreg [dreg:$0x0];
	s2 =	stileid.u32  }
0x126: {  	s1 =	rddreg [dreg:$0x1];
	p0 =	sne.s32 s2, $0x0  }
0x127: {  	s3 =	rddreg [dreg:$0x2];
	[bflag:$0x3] =	sbarrier.arrive $0xFFFF;
	s2 =	simm.s32 @!p0 $0x1C05  }
0x128: {  	[timem:s3], [sflag:s2] =	dma.local @!p0 [hbm:s0], s1  }
0x129: {  	s0 =	simm.s32 @!p0 $0x5  }
0x12a: {  	_ =	swait.ge @!p0 [sflag:s0], s1  }
0x12b: {  	s1 =	ssub.s32 @!p0 $0x0, s1;
	[sflag:s0] =	ssyncset.done @!p0 $0x0  }
0x12c: {  	[sflag:s0] =	ssyncadd.s32 @!p0 s1  }
0x12d: {  	[bflag:$0x3] =	sbarrier.arrive $0xFFFF  }
0x12e: {  	_ =	shalt  }

// kernel: kernel.9.cloned.1.call-start
scs
__scs_entry_jumppad:
0x0: {  	(pc) =	sbr.rel $0x88, $3  }
0x1: {  	(tag) =	ssettag $0x0;
	lr =	simm.s32 $0x1  }
0x2: {  	[smem:$0x3F99] =	sst lr;
	_ =	strace $0xD0000000  }
0x3: {  	_ = 	snop  }
0x4: {  	_ = 	snop  }
0x5: {  	_ = 	snop  }
0x6: {  	_ = 	snop  }
0x7: {  	_ = 	snop  }
__scs_overlays_trampoline_lowered:
0x8: {  	[smem:$0x3FA8] =	sst s0  }
0x9: {  	[smem:$0x3FA9] =	sst s1  }
0xa: {  	[smem:$0x3FAA] =	sst s2  }
0xb: {  	[smem:$0x3FAB] =	sst s3  }
0xc: {  	[smem:$0x3FAC] =	sst s4  }
0xd: {  	[smem:$0x3FAD] =	sst s5  }
0xe: {  	[smem:$0x3FAE] =	sst s6  }
0xf: {  	[smem:$0x3FAF] =	sst s7  }
0x10: {  	[smem:$0x3FB0] =	sst s8  }
0x11: {  	[smem:$0x3FB1] =	sst s9;
	s0 =	simm.s32 @!p0 $0x0  }
0x12: {  	s1 =	sld [smem:$0x3F97];
	s0 =	simm.s32 @p0 $0x1  }
0x13: {  	[smem:$0x3FB2] =	sst s0;
	s0 =	simm.s32 @!p1 $0x0  }
0x14: {  	s2 =	sld [smem:$0x3F96];
	s0 =	simm.s32 @p1 $0x1  }
0x15: {  	[smem:$0x3FB3] =	sst s0;
	s0 =	simm.s32 @!p2 $0x0  }
0x16: {  	s3 =	sld [smem:$0x3FDB];
	s0 =	simm.s32 @p2 $0x1  }
0x17: {  	s4 =	simm.s32 $0x1BF5;
	[smem:$0x3FB5] =	sst s0  }
0x18: {  	s0 =	sld [smem:$0x3F98];
	_ =	swait.ge [sflag:s4], $0x0  }
0x19: {  	s7 =	sld [smem:$0x3F99]  }
0x1a: {  	s8 =	sadd.s32 $0xFFFFE003, lr  }
0x1b: {  	s9 =	sadd.s32 $0xFFFFFEF7, lr;
	s5 =	simm.s32 $0xFFFFFFFF;
	p2 =	slt.u32 s8, $0xFFFFF086  }
0x1c: {  	p1 =	slt.u32 s9, $0xF7A;
	s5 =	simm.s32 @!p2 $0x0  }
0x1d: {  	s5 =	simm.s32 @p1 $0x1;
	p0 =	seq.s32 s7, s2  }
0x1e: {  	s7 =	smul.u32 @!p0 $0xF7A, s2;
	p2 =	seq.s32 @!p0 s5, $0x0  }
0x1f: {  	s9 =	smul.u32 $0xF7A, s1;
	s8 =	simm.s32 @!p0 $0x1BF5;
	p2 =	por !p2, p0  }
0x20: {  	[sflag:s8] =	ssyncset.s32 @!p0 $0xFFFFF086;
	s6 =	sadd.s32 @!p0 s3, s7;
	s7 =	simm.s32 @!p0 $0x108  }
0x21: {  	s3 =	sadd.s32 s3, s9;
	s6 =	sadd.s32 @!p0 $0x88, s6;
	s7 =	simm.s32 @p2 $0x1082  }
0x22: {  	[simem:s7], [sflag:s8] =	dma.local @!p0 [hbm:s6], $0xF7A  }
0x23: {  	s9 =	sor.u32 $0xD0000000, s2;
	s6 =	simm.s32 $0x108;
	_ =	swait.ge @!p0 [sflag:s8], $0x0  }
0x24: {  	s3 =	sadd.s32 $0x88, s3;
	s6 =	simm.s32 @!p1 $0x1082;
	[sflag:s4] =	ssyncset.s32 $0xFFFFF086  }
0x25: {  	[simem:s6], [sflag:s4] =	dma.local [hbm:s3], $0xF7A  }
0x26: {  	[smem:$0x3F99] =	sst s1;
	(tag) =	ssettag s2;
	_ =	strace s9  }
0x27: {  	s1 =	sld [smem:$0x3FA9]  }
0x28: {  	s2 =	sld [smem:$0x3FAA]  }
0x29: {  	s4 =	sld [smem:$0x3FAC]  }
0x2a: {  	p0 =	seq.s32 s5, $0x0;
	s5 =	sld [smem:$0x3FAD]  }
0x2b: {  	s6 =	sld [smem:$0x3FAE]  }
0x2c: {  	s7 =	sld [smem:$0x3FAF]  }
0x2d: {  	s3 =	simm.s32 $0x108;
	s8 =	sld [smem:$0x3FB0]  }
0x2e: {  	s3 =	simm.s32 @!p0 $0x1082;
	s9 =	sld [smem:$0x3FB1]  }
0x2f: {  	lr =	sadd.s32 s0, s3;
	s0 =	sld [smem:$0x3FA8]  }
0x30: {  	s3 =	sld [smem:$0x3FAB]  }
0x31: {  	[smem:$0x3FB4] =	sst s10  }
0x32: {  	s10 =	sld [smem:$0x3FB2];
	_ =	sdelay $0x3  }
0x33: {  	p0 =	seq.s32 s10, $0x1;
	s10 =	sld [smem:$0x3FB4];
	_ =	sdelay $0x3  }
0x34: {  	[smem:$0x3FB4] =	sst s10  }
0x35: {  	s10 =	sld [smem:$0x3FB3];
	_ =	sdelay $0x3  }
0x36: {  	p1 =	seq.s32 s10, $0x1;
	s10 =	sld [smem:$0x3FB4];
	_ =	sdelay $0x3  }
0x37: {  	[smem:$0x3FB4] =	sst s10  }
0x38: {  	s10 =	sld [smem:$0x3FB5]  }
0x39: {  	_ = 	snop;
	(pc) =	sbr.ind lr, $3  }
0x3a: {  	_ = 	snop  }
0x3b: {  	_ = 	snop  }
0x3c: {  	p2 =	seq.s32 s10, $0x1;
	s10 =	sld [smem:$0x3FB4]  }
0x3d: {  	_ =	shalt  }
0x3e: {  	_ =	shalt  }
0x3f: {  	_ =	shalt  }
0x40: {  	_ =	shalt  }
0x41: {  	_ =	shalt  }
0x42: {  	_ =	shalt  }
0x43: {  	_ =	shalt  }
0x44: {  	_ =	shalt  }
0x45: {  	_ =	shalt  }
0x46: {  	_ =	shalt  }
0x47: {  	_ =	shalt  }
0x48: {  	_ =	shalt  }
0x49: {  	_ =	shalt  }
0x4a: {  	_ =	shalt  }
0x4b: {  	_ =	shalt  }
0x4c: {  	_ =	shalt  }
0x4d: {  	_ =	shalt  }
0x4e: {  	_ =	shalt  }
0x4f: {  	_ =	shalt  }
0x50: {  	_ =	shalt  }
0x51: {  	_ =	shalt  }
0x52: {  	_ =	shalt  }
0x53: {  	_ =	shalt  }
0x54: {  	_ =	shalt  }
0x55: {  	_ =	shalt  }
0x56: {  	_ =	shalt  }
0x57: {  	_ =	shalt  }
0x58: {  	_ =	shalt  }
0x59: {  	_ =	shalt  }
0x5a: {  	_ =	shalt  }
0x5b: {  	_ =	shalt  }
0x5c: {  	_ =	shalt  }
0x5d: {  	_ =	shalt  }
0x5e: {  	_ =	shalt  }
0x5f: {  	_ =	shalt  }
0x60: {  	_ =	shalt  }
0x61: {  	_ =	shalt  }
0x62: {  	_ =	shalt  }
0x63: {  	_ =	shalt  }
0x64: {  	_ =	shalt  }
0x65: {  	_ =	shalt  }
0x66: {  	_ =	shalt  }
0x67: {  	_ =	shalt  }
0x68: {  	_ =	shalt  }
0x69: {  	_ =	shalt  }
0x6a: {  	_ =	shalt  }
0x6b: {  	_ =	shalt  }
0x6c: {  	_ =	shalt  }
0x6d: {  	_ =	shalt  }
0x6e: {  	_ =	shalt  }
0x6f: {  	_ =	shalt  }
0x70: {  	_ =	shalt  }
0x71: {  	_ =	shalt  }
0x72: {  	_ =	shalt  }
0x73: {  	_ =	shalt  }
0x74: {  	_ =	shalt  }
0x75: {  	_ =	shalt  }
0x76: {  	_ =	shalt  }
0x77: {  	_ =	shalt  }
0x78: {  	_ =	shalt  }
0x79: {  	_ =	shalt  }
0x7a: {  	_ =	shalt  }
0x7b: {  	_ =	shalt  }
0x7c: {  	_ =	shalt  }
0x7d: {  	_ =	shalt  }
0x7e: {  	_ =	shalt  }
0x7f: {  	_ =	shalt  }
0x80: {  	_ =	shalt  }
0x81: {  	_ =	shalt  }
0x82: {  	_ =	shalt  }
0x83: {  	_ =	shalt  }
0x84: {  	_ =	shalt  }
0x85: {  	_ =	shalt  }
0x86: {  	_ =	shalt  }
0x87: {  	_ =	shalt  }
.Lfunc_end0:
.L_simem_size_0:
called_computation_lowered:
.L_overlay_start_0:
0x88: {  	s2 =	sld [smem:$0x3FD9]  }
0x89: {  	s3 =	sld [smem:$0x3FFE];
	_ =	sdelay $0x1  }
0x8a: {  	s1 =	srdreg.scid  }
0x8b: {  	s0 =	sand.u32 $0x1, s1  }
0x8c: {  	s17 =	sshll.u32 s0, $0xA;
	s2 =	sadd.s32 s3, s2  }
0x8d: {  	s2 =	sadd.s32 s2, s17  }
0x8e: {  	[smem:$0x3FC0] =	sst s2  }
0x8f: {  	_ = 	snop  }
0x90: {  	s2 =	sld [smem:$0x3FD0];
	(tm) =	ssettm $0x1  }
0x91: {  	s18 =	sld [smem:$0x3FFB];
	_ =	sdelay $0x3  }
0x92: {  	_ =	strace s18  }
0x93: {  	s3 =	sld [smem:$0x3FFC];
	_ =	sdelay $0x3  }
0x94: {  	_ =	strace s3  }
0x95: {  	s3 =	sld [smem:$0x3FFD];
	_ =	sdelay $0x3  }
0x96: {  	_ =	strace s3  }
0x97: {  	_ =	strace $0x8FFFFFFF  }
0x98: {  	s19 =	sld [smem:$0x3FDB];
	_ =	sdelay $0x1  }
0x99: {  	s4 =	simm.s32 $_scs_section_size  }
0x9a: {  	s5 =	simm.s32 $_size__tile_overlayer_lowered;
	s6 =	simm.s32 $_tile_overlayer_lowered  }
0x9b: {  	s22 =	simm.s32 $0x1BFF;
	s21 =	sshll.u32 s6, $0x1;
	s3 =	sadd.s32 s4, s19  }
0x9c: {  	s7 =	simm.s32 $0x0;
	s20 =	sshll.u32 s5, $0x1;
	s5 =	sadd.s32 s21, s3  }
0x9d: {  	[timem:s7], [sflag:s22] =	dma.local [hbm:s5], s20  }
0x9e: {  	_ =	swait.ge [sflag:s22], s20  }
0x9f: {  	s4 =	ssub.s32 $0x0, s20;
	[sflag:s22] =	ssyncset.done $0x0  }
0xa0: {  	[sflag:s22] =	ssyncadd.s32 s4;
	_ =	sdelay $0x1  }
0xa1: {  	s23 =	simm.s32 $0x1B8B  }
0xa2: {  	_ =	swait.ge [sflag:s23], $0x1  }
0xa3: {  	[sflag:s23] =	ssyncset.done $0x0  }
0xa4: {  	s25 =	simm.s32 $0x1B8E;
	s24 =	sld [smem:$0x3FFE];
	[sflag:s23] =	ssyncadd.s32 $0xFFFFFFFF  }
0xa5: {  	s26 =	simm.s32 $execute0_lowered;
	[smem:$0x3FD2] =	sst s25  }
0xa6: {  	s5 =	sshll.u32 s26, $0x1;
	_ =	strace $0x80000046;
	[dreg:$0x1] =	wrdreg $0xFFFFFFFF  }
0xa7: {  	s28 =	simm.s32 $_size_execute0_lowered;
	s3 =	sadd.s32 s3, s5;
	[dreg:$0x0] =	wrdreg $0x0  }
0xa8: {  	s5 =	sshll.u32 s28, $0x1;
	[dreg:$0x2] =	wrdreg s3  }
0xa9: {  	[dreg:$0x3] =	wrdreg s5  }
0xaa: {  	[dreg:$0x4] =	wrdreg $0xC0  }
0xab: {  	_ =	task [dreg:s7], $0x5FFFF  }
0xac: {  	[dreg:$0x1] =	wrdreg $0xFFFFFFFF  }
0xad: {  	[dreg:$0x0] =	wrdreg $0x60  }
0xae: {  	[dreg:$0x2] =	wrdreg s2  }
0xaf: {  	[dreg:$0x3] =	wrdreg s24  }
0xb0: {  	[dreg:$0x4] =	wrdreg $0x90000  }
0xb1: {  	[dreg:$0x5] =	wrdreg $0x9  }
0xb2: {  	_ =	task.clear_ibuf [dreg:s7], $0x6FFFF;
	_ =	strace $0x90000046  }
0xb3: {  	s29 =	simm.s32 $0x9;
	_ =	strace $0x80000048  }
0xb4: {  	_ =	swait.ge [sflag:s29], $0x1  }
0xb5: {  	[sflag:s29] =	ssyncadd.s32 $0xFFFFFFFF  }
0xb6: {  	_ =	strace $0x90000048  }
0xb7: {  	_ =	sfence  }
0xb8: {  	s30 =	sld [smem:$0x0];
	_ =	sdelay $0x2  }
0xb9: {  	s31 =	sshll.u32 s1, $0xD;
	s1 =	sshrl.u32 s1, $0x2  }
0xba: {  	s3 =	sand.u32 $0x4000, s31;
	s1 =	sadd.s32 s1, s30  }
0xbb: {  	s0 =	sor.u32 s3, s0;
	s1 =	sshll.u32 s1, $0x11  }
0xbc: {  	s0 =	sor.u32 s1, s0  }
0xbd: {  	s0 =	sadd.s32 $0x8F2B, s0  }
0xbe: {  	[sflag:s0] =	ssyncadd.remote.s32 $0x1  }
0xbf: {  	_ =	sfence.sel $0xFFFF  }
0xc0: {  	[dreg:$0x0] =	wrdreg $0xFFFFFFFF;
	(pc) =	sbr.abs _section_cstart, $3  }
0xc1: {  	[dreg:$0x1] =	wrdreg $0xFFFFFFFF  }
0xc2: {  	_ =	task.clear_ibuf [dreg:s7], $0x2FFFF;
	_ =	strace $0x9FFFFFFF  }
0xc3: {  	(tm) =	ssettm $0x7FFFFFFF  }
tec
execute0_lowered:
.L_overlay_start_1:
0x0: {  	(tag) =	ssettag $0x1  }
0x1: {  	s1 =	rddreg [dreg:$0x0]  }
0x2: {  	s0 =	rddreg [dreg:$0x1]  }
0x3: {  	s2 =	rddreg [dreg:$0x2];
	s3 =	simm.s32 $0x0  }
0x4: {  	s4 =	srdreg.scid;
	s25 =	stileid.u32;
	s18 =	simm.s32 $0x1000  }
0x5: {  	s19 =	simm.s32 $0x5;
	s20 =	simm.s32 $0x3;
	s21 =	simm.s32 $0x4  }
0x6: {  	s22 =	simm.s32 $0x80;
	s23 =	simm.s32 $0x5000;
	s24 =	simm.s32 $0x1  }
0x7: {  	[smem:$0x7FF] =	sst s3;
	s6 =	sand.u32 $0x1, s4;
	s8 =	smul.u32 $0x14000, s25  }
0x8: {  	s16 =	sadd.s32 $0x2200, s0;
	s9 =	sshll.u32 s25, $0x1;
	s11 =	smul.u32 $0x50000, s25  }
0x9: {  	s15 =	sadd.s32 $0xC200, s0;
	s5 =	sadd.s32 $0x16200, s0;
	s12 =	smul.u32 $0x5000, s25  }
0xa: {  	s25 =	simm.s32 $0x2;
	_ =	strace $0x80000047;
	s7 =	smul.u32 $0x140000, s6  }
0xb: {  	s9 =	sor.u32 s6, s9;
	s26 =	ssub.s32 $0x2, s6;
	s30 =	smul.u32 $0x2800, s6  }
0xc: {  	[dreg:$0x4] =	wrdreg s5;
	s9 =	smul.u32 $0x2800, s9;
	s10 =	sshrl.u32 s26, $0x1  }
0xd: {  	s29 =	sshrl.u32 s11, $0x2;
	s7 =	sadd.s32 s8, s7;
	s14 =	ssub.s32 s26, s10  }
0xe: {  	s8 =	sadd.s32 s29, s2;
	s13 =	sadd.s32 s30, s12;
	s26 =	simm.s32 $0x0  }
0xf: {  	s7 =	sshrl.u32 s7, $0x3;
	s28 =	sshrl.u32 s9, $0x3;
	s9 =	sadd.s32 $0x4000, s8  }
0x10: {  	s10 =	sadd.s32 $0x8000, s8;
	s11 =	sadd.s32 $0xC000, s8;
	s12 =	sadd.s32 $0x10000, s8  }
0x11: {  	s17 =	sor.u32 $0x400, s13;
	s14 =	smax.u32 s14, $0x1;
	s0 =	sadd.s32 s7, s0  }
0x12: {  	s6 =	sadd.s32 s16, s28;
	s7 =	sadd.s32 s15, s28;
	s31 =	sshrl.u32 s17, $0x3  }
0x13: {  	s13 =	sadd.s32 $0x16A00, s0;
	s15 =	sadd.s32 s31, s15;
	s16 =	sadd.s32 s31, s16  }
.LBB2_1:
0x14: {  	[tilespmem:s3], [sflag:$0x3] =	stream.linear.gather [hbm4b:s6+s3], $0x400, $0x38;
	[tilespmem:$0x1D000] =	vst v63  }
0x15: {  	s0 =	simm.s32 $0x800  }
0x16: {  	[tilespmem:s0], [sflag:$0x4] =	stream.linear.gather [hbm4b:s7+s3], $0x400, $0x38;
	[tilespmem:$0x1D000] =	vst v63  }
0x17: {  	s4 =	rddreg [dreg:$0x4]  }
0x18: {  	[tilespmem:s18], [sflag:$0x5] =	stream.linear.gather [hbm4b:s4+s3], $0x4000, $0x38;
	[tilespmem:$0x1D000] =	vst v63  }
0x19: {  	_ =	swait.ge [sflag:s19], $0x4000  }
0x1a: {  	[sflag:s19] =	ssyncset.done $0x0  }
0x1b: {  	[sflag:s19] =	ssyncadd.s32 $0xFFFFC000  }
0x1c: {  	[spmem:s8] =	stream.linear.scatter [tilespmem:s18], [sflag:$0x5], $0x4000, $0x38;
	[tilespmem:$0x1D000] =	vst v63  }
0x1d: {  	_ =	swait.ge [sflag:s19], $0x4000  }
0x1e: {  	[sflag:s19] =	ssyncset.done $0x0  }
0x1f: {  	[sflag:s19] =	ssyncadd.s32 $0xFFFFC000  }
0x20: {  	[spmem:s9] =	stream.linear.scatter [tilespmem:s18], [sflag:$0x5], $0x4000, $0x38;
	[tilespmem:$0x1D000] =	vst v63  }
0x21: {  	_ =	swait.ge [sflag:s19], $0x4000  }
0x22: {  	[sflag:s19] =	ssyncset.done $0x0  }
0x23: {  	[sflag:s19] =	ssyncadd.s32 $0xFFFFC000  }
0x24: {  	[spmem:s10] =	stream.linear.scatter [tilespmem:s18], [sflag:$0x5], $0x4000, $0x38;
	[tilespmem:$0x1D000] =	vst v63  }
0x25: {  	_ =	swait.ge [sflag:s19], $0x4000  }
0x26: {  	[sflag:s19] =	ssyncset.done $0x0  }
0x27: {  	[sflag:s19] =	ssyncadd.s32 $0xFFFFC000  }
0x28: {  	[spmem:s11] =	stream.linear.scatter [tilespmem:s18], [sflag:$0x5], $0x4000, $0x38;
	[tilespmem:$0x1D000] =	vst v63  }
0x29: {  	_ =	swait.ge [sflag:s19], $0x4000  }
0x2a: {  	[sflag:s19] =	ssyncset.done $0x0  }
0x2b: {  	[sflag:s19] =	ssyncadd.s32 $0xFFFFC000  }
0x2c: {  	[spmem:s12] =	stream.linear.scatter [tilespmem:s18], [sflag:$0x5], $0x4000, $0x38;
	[tilespmem:$0x1D000] =	vst v63  }
0x2d: {  	_ =	swait.ge [sflag:s19], $0x4000  }
0x2e: {  	[sflag:s19] =	ssyncset.done $0x0  }
0x2f: {  	[sflag:s19] =	ssyncadd.s32 $0xFFFFC000  }
0x30: {  	[bflag:$0x0] =	sbarrier.arrive $0xFFFF  }
0x31: {  	_ =	swait.ge [sflag:s20], $0x400  }
0x32: {  	[sflag:s20] =	ssyncset.done $0x0  }
0x33: {  	[sflag:s20] =	ssyncadd.s32 $0xFFFFFC00  }
0x34: {  	_ =	swait.ge [sflag:s21], $0x400  }
0x35: {  	p0 =	por $0x0, $0x0;
	[sflag:s21] =	ssyncset.done $0x0  }
0x36: {  	s0 =	sand.u32 @!p0 $0x400, s3;
	[sflag:s21] =	ssyncadd.s32 $0xFFFFFC00  }
0x37: {  	[tilespmem:s18], [sflag:$0x1] =	stream.indirect.gather [hbm4b:s1+s22], $0x80, s3, s22, $0xb8;
	[tilespmem:$0x1D000] =	vst v63  }
0x38: {  	s17 =	simm.s32 @!p0 $0x0;
	s28 =	sxor.u32 @!p0 $0x400, s0  }
0x39: {  	[tilespmem:s28], [sflag:$0x3] =	stream.linear.gather @!p0 [hbm4b:s16+s17], $0x400, $0x38;
	[tilespmem:$0x1D000] =	vst v63  }
0x3a: {  	s28 =	sxor.u32 @!p0 $0xC00, s0;
	s0 =	simm.s32 @p0 $0x400  }
0x3b: {  	[tilespmem:s28], [sflag:$0x4] =	stream.linear.gather @!p0 [hbm4b:s15+s17], $0x400, $0x38;
	[tilespmem:$0x1D000] =	vst v63  }
0x3c: {  	s5 =	sor.u32 $0x80, s0  }
0x3d: {  	[tilespmem:s23], [sflag:$0x2] =	stream.indirect.gather [hbm4b:s1+s22], $0x80, s5, s22, $0xb8;
	[tilespmem:$0x1D000] =	vst v63  }
0x3e: {  	_ =	swait.ge [sflag:s24], $0x4000  }
0x3f: {  	[sflag:s24] =	ssyncset.done $0x0  }
0x40: {  	s4 =	sor.u32 $0x800, s0;
	[sflag:s24] =	ssyncadd.s32 $0xFFFFC000  }
0x41: {  	[spmem:s2] =	stream.indirect.scatter.add.f32 [tilespmem:s18], [sflag:$0x5], $0x80, s4, s22, $0xb8;
	[tilespmem:$0x1D000] =	vst v63  }
0x42: {  	_ =	swait.ge [sflag:s19], $0x4000  }
0x43: {  	[sflag:s19] =	ssyncset.done $0x0  }
0x44: {  	s5 =	sor.u32 $0x100, s0;
	[sflag:s19] =	ssyncadd.s32 $0xFFFFC000  }
0x45: {  	[tilespmem:s18], [sflag:$0x1] =	stream.indirect.gather [hbm4b:s1+s22], $0x80, s5, s22, $0xb8;
	[tilespmem:$0x1D000] =	vst v63  }
0x46: {  	_ =	swait.ge [sflag:s25], $0x4000  }
0x47: {  	[sflag:s25] =	ssyncset.done $0x0  }
0x48: {  	s4 =	sor.u32 $0x880, s0;
	[sflag:s25] =	ssyncadd.s32 $0xFFFFC000  }
0x49: {  	[spmem:s2] =	stream.indirect.scatter.add.f32 [tilespmem:s23], [sflag:$0x5], $0x80, s4, s22, $0xb8;
	[tilespmem:$0x1D000] =	vst v63  }
0x4a: {  	_ =	swait.ge [sflag:s19], $0x4000  }
0x4b: {  	[sflag:s19] =	ssyncset.done $0x0  }
0x4c: {  	s5 =	sor.u32 $0x180, s0;
	[sflag:s19] =	ssyncadd.s32 $0xFFFFC000  }
0x4d: {  	[tilespmem:s23], [sflag:$0x2] =	stream.indirect.gather [hbm4b:s1+s22], $0x80, s5, s22, $0xb8;
	[tilespmem:$0x1D000] =	vst v63  }
0x4e: {  	_ =	swait.ge [sflag:s24], $0x4000  }
0x4f: {  	[sflag:s24] =	ssyncset.done $0x0  }
0x50: {  	s4 =	sor.u32 $0x900, s0;
	[sflag:s24] =	ssyncadd.s32 $0xFFFFC000  }
0x51: {  	[spmem:s2] =	stream.indirect.scatter.add.f32 [tilespmem:s18], [sflag:$0x5], $0x80, s4, s22, $0xb8;
	[tilespmem:$0x1D000] =	vst v63  }
0x52: {  	_ =	swait.ge [sflag:s19], $0x4000  }
0x53: {  	[sflag:s19] =	ssyncset.done $0x0  }
0x54: {  	s5 =	sor.u32 $0x200, s0;
	[sflag:s19] =	ssyncadd.s32 $0xFFFFC000  }
0x55: {  	[tilespmem:s18], [sflag:$0x1] =	stream.indirect.gather [hbm4b:s1+s22], $0x80, s5, s22, $0xb8;
	[tilespmem:$0x1D000] =	vst v63  }
0x56: {  	_ =	swait.ge [sflag:s25], $0x4000  }
0x57: {  	[sflag:s25] =	ssyncset.done $0x0  }
0x58: {  	s4 =	sor.u32 $0x980, s0;
	[sflag:s25] =	ssyncadd.s32 $0xFFFFC000  }
0x59: {  	[spmem:s2] =	stream.indirect.scatter.add.f32 [tilespmem:s23], [sflag:$0x5], $0x80, s4, s22, $0xb8;
	[tilespmem:$0x1D000] =	vst v63  }
0x5a: {  	_ =	swait.ge [sflag:s19], $0x4000  }
0x5b: {  	[sflag:s19] =	ssyncset.done $0x0  }
0x5c: {  	s5 =	sor.u32 $0x280, s0;
	[sflag:s19] =	ssyncadd.s32 $0xFFFFC000  }
0x5d: {  	[tilespmem:s23], [sflag:$0x2] =	stream.indirect.gather [hbm4b:s1+s22], $0x80, s5, s22, $0xb8;
	[tilespmem:$0x1D000] =	vst v63  }
0x5e: {  	_ =	swait.ge [sflag:s24], $0x4000  }
0x5f: {  	[sflag:s24] =	ssyncset.done $0x0  }
0x60: {  	s4 =	sor.u32 $0xA00, s0;
	[sflag:s24] =	ssyncadd.s32 $0xFFFFC000  }
0x61: {  	[spmem:s2] =	stream.indirect.scatter.add.f32 [tilespmem:s18], [sflag:$0x5], $0x80, s4, s22, $0xb8;
	[tilespmem:$0x1D000] =	vst v63  }
0x62: {  	_ =	swait.ge [sflag:s19], $0x4000  }
0x63: {  	[sflag:s19] =	ssyncset.done $0x0  }
0x64: {  	s5 =	sor.u32 $0x300, s0;
	[sflag:s19] =	ssyncadd.s32 $0xFFFFC000  }
0x65: {  	[tilespmem:s18], [sflag:$0x1] =	stream.indirect.gather [hbm4b:s1+s22], $0x80, s5, s22, $0xb8;
	[tilespmem:$0x1D000] =	vst v63  }
0x66: {  	_ =	swait.ge [sflag:s25], $0x4000  }
0x67: {  	[sflag:s25] =	ssyncset.done $0x0  }
0x68: {  	s4 =	sor.u32 $0xA80, s0;
	[sflag:s25] =	ssyncadd.s32 $0xFFFFC000  }
0x69: {  	[spmem:s2] =	stream.indirect.scatter.add.f32 [tilespmem:s23], [sflag:$0x5], $0x80, s4, s22, $0xb8;
	[tilespmem:$0x1D000] =	vst v63  }
0x6a: {  	_ =	swait.ge [sflag:s19], $0x4000  }
0x6b: {  	[sflag:s19] =	ssyncset.done $0x0  }
0x6c: {  	s5 =	sor.u32 $0x380, s0;
	[sflag:s19] =	ssyncadd.s32 $0xFFFFC000  }
0x6d: {  	[tilespmem:s23], [sflag:$0x2] =	stream.indirect.gather [hbm4b:s1+s22], $0x80, s5, s22, $0xb8;
	[tilespmem:$0x1D000] =	vst v63  }
0x6e: {  	_ =	swait.ge [sflag:s24], $0x4000  }
0x6f: {  	[sflag:s24] =	ssyncset.done $0x0  }
0x70: {  	s28 =	sor.u32 $0xB00, s0;
	[sflag:s24] =	ssyncadd.s32 $0xFFFFC000  }
0x71: {  	[spmem:s2] =	stream.indirect.scatter.add.f32 [tilespmem:s18], [sflag:$0x5], $0x80, s28, s22, $0xb8;
	[tilespmem:$0x1D000] =	vst v63  }
0x72: {  	_ =	swait.ge [sflag:s19], $0x4000  }
0x73: {  	[sflag:s19] =	ssyncset.done $0x0  }
0x74: {  	s28 =	simm.s32 @!p0 $0x3;
	[sflag:s19] =	ssyncadd.s32 $0xFFFFC000  }
0x75: {  	_ =	swait.ge @!p0 [sflag:s28], $0x400  }
0x76: {  	[sflag:s28] =	ssyncset.done @!p0 $0x0  }
0x77: {  	[sflag:s28] =	ssyncadd.s32 @!p0 $0xFFFFFC00;
	s28 =	simm.s32 @!p0 $0x4  }
0x78: {  	_ =	swait.ge @!p0 [sflag:s28], $0x400  }
0x79: {  	s29 =	simm.s32 @!p0 $0x1000;
	[sflag:s28] =	ssyncset.done @!p0 $0x0  }
0x7a: {  	s0 =	ssub.s32 @!p0 $0x400, s0;
	[sflag:s28] =	ssyncadd.s32 @!p0 $0xFFFFFC00;
	s28 =	simm.s32 @!p0 $0x80  }
0x7b: {  	[tilespmem:s29], [sflag:$0x1] =	stream.indirect.gather @!p0 [hbm4b:s1+s28], $0x80, s0, s28, $0xb8;
	[tilespmem:$0x1D000] =	vst v63  }
0x7c: {  	_ =	swait.ge [sflag:s25], $0x4000  }
0x7d: {  	s30 =	sadd.s32 $0x80, s16;
	s31 =	sadd.s32 $0x80, s15;
	[sflag:s25] =	ssyncset.done $0x0  }
0x7e: {  	s17 =	sor.u32 $0x800, s5;
	s0 =	simm.s32 $0x400;
	[sflag:s25] =	ssyncadd.s32 $0xFFFFC000  }
0x7f: {  	[spmem:s2] =	stream.indirect.scatter.add.f32 [tilespmem:s23], [sflag:$0x5], $0x80, s17, s22, $0xb8;
	[tilespmem:$0x1D000] =	vst v63  }
0x80: {  	s29 =	simm.s32 $0x800;
	p0 =	por $0x0, $0x0;
	_ =	swait.ge [sflag:s19], $0x4000  }
0x81: {  	s28 =	sand.u32 @!p0 $0x400, s0;
	s17 =	simm.s32 @!p0 $0x0;
	[sflag:s19] =	ssyncset.done $0x0  }
.LBB2_2:
0x82: {  	s4 =	sxor.u32 @!p0 $0x400, s28  }
0x83: {  	[sflag:s19] =	ssyncadd.s32 $0xFFFFC000;
	s0 =	smov.u32 s29;
	s29 =	sadd.s32 $0x400, s29  }
0x84: {  	[tilespmem:s4], [sflag:$0x3] =	stream.linear.gather @!p0 [hbm4b:s30+s17], $0x400, $0x38;
	[tilespmem:$0x1D000] =	vst v63  }
0x85: {  	p1 =	sne.s32 s29, $0x2800;
	s4 =	sxor.u32 @!p0 $0xC00, s28;
	s28 =	simm.s32 @p0 $0x400  }
0x86: {  	[tilespmem:s4], [sflag:$0x4] =	stream.linear.gather @!p0 [hbm4b:s31+s17], $0x400, $0x38;
	[tilespmem:$0x1D000] =	vst v63  }
0x87: {  	s4 =	sor.u32 $0x80, s28;
	s17 =	ssub.s32 @!p0 $0x400, s28  }
0x88: {  	[tilespmem:s23], [sflag:$0x2] =	stream.indirect.gather [hbm4b:s1+s22], $0x80, s4, s22, $0xb8;
	[tilespmem:$0x1D000] =	vst v63  }
0x89: {  	_ =	swait.ge [sflag:s24], $0x4000  }
0x8a: {  	[sflag:s24] =	ssyncset.done $0x0  }
0x8b: {  	s4 =	sor.u32 $0x800, s28;
	[sflag:s24] =	ssyncadd.s32 $0xFFFFC000  }
0x8c: {  	[spmem:s2] =	stream.indirect.scatter.add.f32 [tilespmem:s18], [sflag:$0x5], $0x80, s4, s22, $0xb8;
	[tilespmem:$0x1D000] =	vst v63  }
0x8d: {  	_ =	swait.ge [sflag:s19], $0x4000  }
0x8e: {  	[sflag:s19] =	ssyncset.done $0x0  }
0x8f: {  	s4 =	sor.u32 $0x100, s28;
	[sflag:s19] =	ssyncadd.s32 $0xFFFFC000  }
0x90: {  	[tilespmem:s18], [sflag:$0x1] =	stream.indirect.gather [hbm4b:s1+s22], $0x80, s4, s22, $0xb8;
	[tilespmem:$0x1D000] =	vst v63  }
0x91: {  	_ =	swait.ge [sflag:s25], $0x4000  }
0x92: {  	[sflag:s25] =	ssyncset.done $0x0  }
0x93: {  	s4 =	sor.u32 $0x880, s28;
	[sflag:s25] =	ssyncadd.s32 $0xFFFFC000  }
0x94: {  	[spmem:s2] =	stream.indirect.scatter.add.f32 [tilespmem:s23], [sflag:$0x5], $0x80, s4, s22, $0xb8;
	[tilespmem:$0x1D000] =	vst v63  }
0x95: {  	_ =	swait.ge [sflag:s19], $0x4000  }
0x96: {  	[sflag:s19] =	ssyncset.done $0x0  }
0x97: {  	s4 =	sor.u32 $0x180, s28;
	[sflag:s19] =	ssyncadd.s32 $0xFFFFC000  }
0x98: {  	[tilespmem:s23], [sflag:$0x2] =	stream.indirect.gather [hbm4b:s1+s22], $0x80, s4, s22, $0xb8;
	[tilespmem:$0x1D000] =	vst v63  }
0x99: {  	_ =	swait.ge [sflag:s24], $0x4000  }
0x9a: {  	[sflag:s24] =	ssyncset.done $0x0  }
0x9b: {  	s4 =	sor.u32 $0x900, s28;
	[sflag:s24] =	ssyncadd.s32 $0xFFFFC000  }
0x9c: {  	[spmem:s2] =	stream.indirect.scatter.add.f32 [tilespmem:s18], [sflag:$0x5], $0x80, s4, s22, $0xb8;
	[tilespmem:$0x1D000] =	vst v63  }
0x9d: {  	_ =	swait.ge [sflag:s19], $0x4000  }
0x9e: {  	[sflag:s19] =	ssyncset.done $0x0  }
0x9f: {  	s4 =	sor.u32 $0x200, s28;
	[sflag:s19] =	ssyncadd.s32 $0xFFFFC000  }
0xa0: {  	[tilespmem:s18], [sflag:$0x1] =	stream.indirect.gather [hbm4b:s1+s22], $0x80, s4, s22, $0xb8;
	[tilespmem:$0x1D000] =	vst v63  }
0xa1: {  	_ =	swait.ge [sflag:s25], $0x4000  }
0xa2: {  	[sflag:s25] =	ssyncset.done $0x0  }
0xa3: {  	s4 =	sor.u32 $0x980, s28;
	[sflag:s25] =	ssyncadd.s32 $0xFFFFC000  }
0xa4: {  	[spmem:s2] =	stream.indirect.scatter.add.f32 [tilespmem:s23], [sflag:$0x5], $0x80, s4, s22, $0xb8;
	[tilespmem:$0x1D000] =	vst v63  }
0xa5: {  	_ =	swait.ge [sflag:s19], $0x4000  }
0xa6: {  	[sflag:s19] =	ssyncset.done $0x0  }
0xa7: {  	s4 =	sor.u32 $0x280, s28;
	[sflag:s19] =	ssyncadd.s32 $0xFFFFC000  }
0xa8: {  	[tilespmem:s23], [sflag:$0x2] =	stream.indirect.gather [hbm4b:s1+s22], $0x80, s4, s22, $0xb8;
	[tilespmem:$0x1D000] =	vst v63  }
0xa9: {  	_ =	swait.ge [sflag:s24], $0x4000  }
0xaa: {  	[sflag:s24] =	ssyncset.done $0x0  }
0xab: {  	s4 =	sor.u32 $0xA00, s28;
	[sflag:s24] =	ssyncadd.s32 $0xFFFFC000  }
0xac: {  	[spmem:s2] =	stream.indirect.scatter.add.f32 [tilespmem:s18], [sflag:$0x5], $0x80, s4, s22, $0xb8;
	[tilespmem:$0x1D000] =	vst v63  }
0xad: {  	_ =	swait.ge [sflag:s19], $0x4000  }
0xae: {  	[sflag:s19] =	ssyncset.done $0x0  }
0xaf: {  	s4 =	sor.u32 $0x300, s28;
	[sflag:s19] =	ssyncadd.s32 $0xFFFFC000  }
0xb0: {  	[tilespmem:s18], [sflag:$0x1] =	stream.indirect.gather [hbm4b:s1+s22], $0x80, s4, s22, $0xb8;
	[tilespmem:$0x1D000] =	vst v63  }
0xb1: {  	_ =	swait.ge [sflag:s25], $0x4000  }
0xb2: {  	[sflag:s25] =	ssyncset.done $0x0  }
0xb3: {  	s4 =	sor.u32 $0xA80, s28;
	[sflag:s25] =	ssyncadd.s32 $0xFFFFC000  }
0xb4: {  	[spmem:s2] =	stream.indirect.scatter.add.f32 [tilespmem:s23], [sflag:$0x5], $0x80, s4, s22, $0xb8;
	[tilespmem:$0x1D000] =	vst v63  }
0xb5: {  	_ =	swait.ge [sflag:s19], $0x4000  }
0xb6: {  	[sflag:s19] =	ssyncset.done $0x0  }
0xb7: {  	s4 =	sor.u32 $0x380, s28;
	[sflag:s19] =	ssyncadd.s32 $0xFFFFC000  }
0xb8: {  	[tilespmem:s23], [sflag:$0x2] =	stream.indirect.gather [hbm4b:s1+s22], $0x80, s4, s22, $0xb8;
	[tilespmem:$0x1D000] =	vst v63  }
0xb9: {  	_ =	swait.ge [sflag:s24], $0x4000  }
0xba: {  	[sflag:s24] =	ssyncset.done $0x0  }
0xbb: {  	s28 =	sor.u32 $0xB00, s28;
	[sflag:s24] =	ssyncadd.s32 $0xFFFFC000  }
0xbc: {  	[spmem:s2] =	stream.indirect.scatter.add.f32 [tilespmem:s18], [sflag:$0x5], $0x80, s28, s22, $0xb8;
	[tilespmem:$0x1D000] =	vst v63  }
0xbd: {  	_ =	swait.ge [sflag:s19], $0x4000  }
0xbe: {  	[sflag:s19] =	ssyncset.done $0x0  }
0xbf: {  	s28 =	simm.s32 @!p0 $0x3;
	[sflag:s19] =	ssyncadd.s32 $0xFFFFC000  }
0xc0: {  	_ =	swait.ge @!p0 [sflag:s28], $0x400  }
0xc1: {  	[sflag:s28] =	ssyncset.done @!p0 $0x0  }
0xc2: {  	[sflag:s28] =	ssyncadd.s32 @!p0 $0xFFFFFC00;
	s28 =	simm.s32 @!p0 $0x4  }
0xc3: {  	_ =	swait.ge @!p0 [sflag:s28], $0x400  }
0xc4: {  	[sflag:s28] =	ssyncset.done @!p0 $0x0  }
0xc5: {  	s5 =	simm.s32 @!p0 $0x1000;
	[sflag:s28] =	ssyncadd.s32 @!p0 $0xFFFFFC00;
	s28 =	simm.s32 @!p0 $0x80  }
0xc6: {  	[tilespmem:s5], [sflag:$0x1] =	stream.indirect.gather @!p0 [hbm4b:s1+s28], $0x80, s17, s28, $0xb8;
	[tilespmem:$0x1D000] =	vst v63  }
0xc7: {  	_ =	swait.ge [sflag:s25], $0x4000  }
.Ltmp0:
0xc8: {  	[sflag:s25] =	ssyncset.done $0x0;
	(pc) =	sbr.rel @p1 .LBB2_2-.Ltmp0, $4  }
0xc9: {  	s30 =	sadd.s32 $0x80, s30;
	s4 =	sor.u32 $0x800, s4;
	[sflag:s25] =	ssyncadd.s32 $0xFFFFC000  }
0xca: {  	[spmem:s2] =	stream.indirect.scatter.add.f32 [tilespmem:s23], [sflag:$0x5], $0x80, s4, s22, $0xb8;
	[tilespmem:$0x1D000] =	vst v63  }
0xcb: {  	s31 =	sadd.s32 $0x80, s31;
	p0 =	seq.s32 s0, $0x2400;
	_ =	swait.ge [sflag:s19], $0x4000  }
0xcc: {  	s28 =	sand.u32 @!p0 $0x400, s0;
	s17 =	simm.s32 @!p0 $0x0;
	[sflag:s19] =	ssyncset.done $0x0  }
0xcd: {  	s0 =	sxor.u32 @!p0 $0x400, s28;
	[sflag:s19] =	ssyncadd.s32 $0xFFFFC000  }
0xce: {  	[tilespmem:s0], [sflag:$0x3] =	stream.linear.gather @!p0 [hbm4b:s30+s17], $0x400, $0x38;
	[tilespmem:$0x1D000] =	vst v63  }
0xcf: {  	s0 =	sxor.u32 @!p0 $0xC00, s28;
	s28 =	simm.s32 @p0 $0x400  }
0xd0: {  	[tilespmem:s0], [sflag:$0x4] =	stream.linear.gather @!p0 [hbm4b:s31+s17], $0x400, $0x38;
	[tilespmem:$0x1D000] =	vst v63  }
0xd1: {  	s29 =	sor.u32 $0x80, s28  }
0xd2: {  	[tilespmem:s23], [sflag:$0x2] =	stream.indirect.gather [hbm4b:s1+s22], $0x80, s29, s22, $0xb8;
	[tilespmem:$0x1D000] =	vst v63  }
0xd3: {  	_ =	swait.ge [sflag:s24], $0x4000  }
0xd4: {  	[sflag:s24] =	ssyncset.done $0x0  }
0xd5: {  	s30 =	sor.u32 $0x800, s28;
	[sflag:s24] =	ssyncadd.s32 $0xFFFFC000  }
0xd6: {  	[spmem:s2] =	stream.indirect.scatter.add.f32 [tilespmem:s18], [sflag:$0x5], $0x80, s30, s22, $0xb8;
	[tilespmem:$0x1D000] =	vst v63  }
0xd7: {  	_ =	swait.ge [sflag:s19], $0x4000  }
0xd8: {  	[sflag:s19] =	ssyncset.done $0x0  }
0xd9: {  	s31 =	sor.u32 $0x100, s28;
	[sflag:s19] =	ssyncadd.s32 $0xFFFFC000  }
0xda: {  	[tilespmem:s18], [sflag:$0x1] =	stream.indirect.gather [hbm4b:s1+s22], $0x80, s31, s22, $0xb8;
	[tilespmem:$0x1D000] =	vst v63  }
0xdb: {  	_ =	swait.ge [sflag:s25], $0x4000  }
0xdc: {  	[sflag:s25] =	ssyncset.done $0x0  }
0xdd: {  	s4 =	sor.u32 $0x880, s28;
	[sflag:s25] =	ssyncadd.s32 $0xFFFFC000  }
0xde: {  	[spmem:s2] =	stream.indirect.scatter.add.f32 [tilespmem:s23], [sflag:$0x5], $0x80, s4, s22, $0xb8;
	[tilespmem:$0x1D000] =	vst v63  }
0xdf: {  	_ =	swait.ge [sflag:s19], $0x4000  }
0xe0: {  	[sflag:s19] =	ssyncset.done $0x0  }
0xe1: {  	s5 =	sor.u32 $0x180, s28;
	[sflag:s19] =	ssyncadd.s32 $0xFFFFC000  }
0xe2: {  	[tilespmem:s23], [sflag:$0x2] =	stream.indirect.gather [hbm4b:s1+s22], $0x80, s5, s22, $0xb8;
	[tilespmem:$0x1D000] =	vst v63  }
0xe3: {  	_ =	swait.ge [sflag:s24], $0x4000  }
0xe4: {  	[sflag:s24] =	ssyncset.done $0x0  }
0xe5: {  	s17 =	sor.u32 $0x900, s28;
	[sflag:s24] =	ssyncadd.s32 $0xFFFFC000  }
0xe6: {  	[spmem:s2] =	stream.indirect.scatter.add.f32 [tilespmem:s18], [sflag:$0x5], $0x80, s17, s22, $0xb8;
	[tilespmem:$0x1D000] =	vst v63  }
0xe7: {  	_ =	swait.ge [sflag:s19], $0x4000  }
0xe8: {  	[sflag:s19] =	ssyncset.done $0x0  }
0xe9: {  	s29 =	sor.u32 $0x200, s28;
	[sflag:s19] =	ssyncadd.s32 $0xFFFFC000  }
0xea: {  	[tilespmem:s18], [sflag:$0x1] =	stream.indirect.gather [hbm4b:s1+s22], $0x80, s29, s22, $0xb8;
	[tilespmem:$0x1D000] =	vst v63  }
0xeb: {  	_ =	swait.ge [sflag:s25], $0x4000  }
0xec: {  	[sflag:s25] =	ssyncset.done $0x0  }
0xed: {  	s30 =	sor.u32 $0x980, s28;
	[sflag:s25] =	ssyncadd.s32 $0xFFFFC000  }
0xee: {  	[spmem:s2] =	stream.indirect.scatter.add.f32 [tilespmem:s23], [sflag:$0x5], $0x80, s30, s22, $0xb8;
	[tilespmem:$0x1D000] =	vst v63  }
0xef: {  	_ =	swait.ge [sflag:s19], $0x4000  }
0xf0: {  	[sflag:s19] =	ssyncset.done $0x0  }
0xf1: {  	s31 =	sor.u32 $0x280, s28;
	[sflag:s19] =	ssyncadd.s32 $0xFFFFC000  }
0xf2: {  	[tilespmem:s23], [sflag:$0x2] =	stream.indirect.gather [hbm4b:s1+s22], $0x80, s31, s22, $0xb8;
	[tilespmem:$0x1D000] =	vst v63  }
0xf3: {  	_ =	swait.ge [sflag:s24], $0x4000  }
0xf4: {  	[sflag:s24] =	ssyncset.done $0x0  }
0xf5: {  	s4 =	sor.u32 $0xA00, s28;
	[sflag:s24] =	ssyncadd.s32 $0xFFFFC000  }
0xf6: {  	[spmem:s2] =	stream.indirect.scatter.add.f32 [tilespmem:s18], [sflag:$0x5], $0x80, s4, s22, $0xb8;
	[tilespmem:$0x1D000] =	vst v63  }
0xf7: {  	_ =	swait.ge [sflag:s19], $0x4000  }
0xf8: {  	[sflag:s19] =	ssyncset.done $0x0  }
0xf9: {  	s5 =	sor.u32 $0x300, s28;
	[sflag:s19] =	ssyncadd.s32 $0xFFFFC000  }
0xfa: {  	[tilespmem:s18], [sflag:$0x1] =	stream.indirect.gather [hbm4b:s1+s22], $0x80, s5, s22, $0xb8;
	[tilespmem:$0x1D000] =	vst v63  }
0xfb: {  	_ =	swait.ge [sflag:s25], $0x4000  }
0xfc: {  	[sflag:s25] =	ssyncset.done $0x0  }
0xfd: {  	s17 =	sor.u32 $0xA80, s28;
	[sflag:s25] =	ssyncadd.s32 $0xFFFFC000  }
0xfe: {  	[spmem:s2] =	stream.indirect.scatter.add.f32 [tilespmem:s23], [sflag:$0x5], $0x80, s17, s22, $0xb8;
	[tilespmem:$0x1D000] =	vst v63  }
0xff: {  	_ =	swait.ge [sflag:s19], $0x4000  }
0x100: {  	[sflag:s19] =	ssyncset.done $0x0  }
0x101: {  	s29 =	sor.u32 $0x380, s28;
	[sflag:s19] =	ssyncadd.s32 $0xFFFFC000  }
0x102: {  	[tilespmem:s23], [sflag:$0x2] =	stream.indirect.gather [hbm4b:s1+s22], $0x80, s29, s22, $0xb8;
	[tilespmem:$0x1D000] =	vst v63  }
0x103: {  	_ =	swait.ge [sflag:s24], $0x4000  }
0x104: {  	[sflag:s24] =	ssyncset.done $0x0  }
0x105: {  	s4 =	sor.u32 $0xB00, s28;
	[sflag:s24] =	ssyncadd.s32 $0xFFFFC000  }
0x106: {  	[spmem:s2] =	stream.indirect.scatter.add.f32 [tilespmem:s18], [sflag:$0x5], $0x80, s4, s22, $0xb8;
	[tilespmem:$0x1D000] =	vst v63  }
0x107: {  	_ =	swait.ge [sflag:s19], $0x4000  }
0x108: {  	[sflag:s19] =	ssyncset.done $0x0  }
0x109: {  	s4 =	simm.s32 @!p0 $0x3;
	[sflag:s19] =	ssyncadd.s32 $0xFFFFC000  }
0x10a: {  	_ =	swait.ge @!p0 [sflag:s4], $0x400  }
0x10b: {  	[sflag:s4] =	ssyncset.done @!p0 $0x0  }
0x10c: {  	[sflag:s4] =	ssyncadd.s32 @!p0 $0xFFFFFC00;
	s4 =	simm.s32 @!p0 $0x4  }
0x10d: {  	_ =	swait.ge @!p0 [sflag:s4], $0x400  }
0x10e: {  	s5 =	ssub.s32 @!p0 $0x400, s28;
	[sflag:s4] =	ssyncset.done @!p0 $0x0  }
0x10f: {  	s17 =	simm.s32 @!p0 $0x1000;
	[sflag:s4] =	ssyncadd.s32 @!p0 $0xFFFFFC00;
	s4 =	simm.s32 @!p0 $0x80  }
0x110: {  	[tilespmem:s17], [sflag:$0x1] =	stream.indirect.gather @!p0 [hbm4b:s1+s4], $0x80, s5, s4, $0xb8;
	[tilespmem:$0x1D000] =	vst v63  }
0x111: {  	_ =	swait.ge [sflag:s25], $0x4000  }
0x112: {  	[sflag:s25] =	ssyncset.done $0x0  }
0x113: {  	s0 =	sor.u32 $0x800, s29;
	[sflag:s25] =	ssyncadd.s32 $0xFFFFC000  }
0x114: {  	[spmem:s2] =	stream.indirect.scatter.add.f32 [tilespmem:s23], [sflag:$0x5], $0x80, s0, s22, $0xb8;
	[tilespmem:$0x1D000] =	vst v63  }
0x115: {  	s26 =	sadd.s32 $0x1, s26;
	_ =	swait.ge [sflag:s19], $0x4000  }
0x116: {  	s30 =	stileid.u32;
	s31 =	sshrl.u32 s8, $0x3;
	[sflag:s19] =	ssyncset.done $0x0  }
0x117: {  	p0 =	sne.s32 s26, s14;
	s0 =	sshll.u32 s30, $0x6;
	[sflag:s19] =	ssyncadd.s32 $0xFFFFC000  }
.Ltmp1:
0x118: {  	s0 =	sor.u32 $0x1C05, s0;
	[bflag:$0x0] =	sbarrier.arrive $0xFFFF;
	(pc) =	sbr.rel @p0 .LBB2_1-.Ltmp1, $4  }
0x119: {  	[hbm:s13], [sflag:s0] =	dma.local [spmem:s31], $0x2800  }
0x11a: {  	_ =	swait.ge [sflag:s19], $0x2800  }
0x11b: {  	[sflag:s19] =	ssyncset.done $0x0  }
0x11c: {  	[sflag:s19] =	ssyncadd.s32 $0xFFFFD800  }
0x11d: {  	_ =	sfence.sel $0x180000  }
0x11e: {  	[bflag:$0x0] =	sbarrier.arrive $0xFFFF  }
0x11f: {  	_ =	strace $0x90000047  }
0x120: {  	s0 =	stileid.u32;
	[bflag:$0x2] =	sbarrier.arrive $0xFFFF  }
0x121: {  	p0 =	sne.s32 s0, $0x0;
	s0 =	rddreg [dreg:$0x3]  }
0x122: {  	s0 =	sadd.s32 @!p0 $0x100000, s0  }
0x123: {  	[sflag:s0] =	ssyncadd.tile.s32 @!p0 $0x1;
	_ =	shalt  }
.Lfunc_end2:
_tile_overlayer_lowered:
.L_overlay_start_2:
0x124: {  	(tag) =	ssettag $0x2  }
0x125: {  	s0 =	rddreg [dreg:$0x0];
	s2 =	stileid.u32  }
0x126: {  	s1 =	rddreg [dreg:$0x1];
	p0 =	sne.s32 s2, $0x0  }
0x127: {  	s3 =	rddreg [dreg:$0x2];
	[bflag:$0x3] =	sbarrier.arrive $0xFFFF;
	s2 =	simm.s32 @!p0 $0x1C05  }
0x128: {  	[timem:s3], [sflag:s2] =	dma.local @!p0 [hbm:s0], s1  }
0x129: {  	s0 =	simm.s32 @!p0 $0x5  }
0x12a: {  	_ =	swait.ge @!p0 [sflag:s0], s1  }
0x12b: {  	s1 =	ssub.s32 @!p0 $0x0, s1;
	[sflag:s0] =	ssyncset.done @!p0 $0x0  }
0x12c: {  	[sflag:s0] =	ssyncadd.s32 @!p0 s1  }
0x12d: {  	[bflag:$0x3] =	sbarrier.arrive $0xFFFF  }
0x12e: {  	_ =	shalt  }

</sc_bundles>
